<compile_context>
chip_gen: v7x
topology: tpu7x:2x2x1
jax: 0.10.2.dev20260603
libtpu: 0.0.44.dev20260713+nightly
codegen_flags: <defaults>
</compile_context>

<pallas_src>
import functools

import jax
import jax.numpy as jnp
from jax import lax
from jax.experimental import pallas as pl
from jax.experimental.pallas import tpu as pltpu
from jax.experimental.pallas import tpu_sc as plsc

N_FLIGHT = 8000
N_AIRPORT = 2000
NV = 2000
NE = 160000
ROWS = 63
NTILES = 32
CHUNK = 320
NBUF = 5
NCHUNK = NE // CHUNK
VPC = CHUNK // 16
VPR = NV // 16
BLK = 400


def _counts_body(src0, dst0, src1, dst1, c0_out, c1_out, acc,
                 sbufa, sbufb, sbufc, sbufd, sbufe,
                 dbufa, dbufb, dbufc, dbufd, dbufe,
                 ssem0, ssem1, ssem2, ssem3, ssem4,
                 dsem0, dsem1, dsem2, dsem3, dsem4):
  wid = lax.axis_index("c") * 16 + lax.axis_index("s")
  lo = wid * ROWS
  sbufs = (sbufa, sbufb, sbufc, sbufd, sbufe)
  dbufs = (dbufa, dbufb, dbufc, dbufd, dbufe)
  ssems = (ssem0, ssem1, ssem2, ssem3, ssem4)
  dsems = (dsem0, dsem1, dsem2, dsem3, dsem4)

  def do_relation(src_hbm, dst_hbm, c_hbm):
    zero16 = jnp.zeros((16,), jnp.float32)

    @plsc.parallel_loop(0, ROWS * VPR, unroll=8)
    def _(i):
      acc[pl.ds(i * 16, 16)] = zero16

    def start(k, b):
      pltpu.async_copy(src_hbm.at[pl.ds(k * CHUNK, CHUNK)], sbufs[b],
                       ssems[b])
      pltpu.async_copy(dst_hbm.at[pl.ds(k * CHUNK, CHUNK)], dbufs[b],
                       dsems[b])

    def wait(b):
      pltpu.make_async_copy(src_hbm.at[pl.ds(0, CHUNK)], sbufs[b],
                            ssems[b]).wait()
      pltpu.make_async_copy(dst_hbm.at[pl.ds(0, CHUNK)], dbufs[b],
                            dsems[b]).wait()

    for b in range(NBUF):
      start(b, b)
    ones16 = jnp.full((16,), 1.0, jnp.float32)

    def chunk_group(p, carry):
      for b in range(NBUF):
        wait(b)

        @plsc.parallel_loop(0, VPC, unroll=5)
        def _(j):
          s = sbufs[b][pl.ds(j * 16, 16)]
          d = dbufs[b][pl.ds(j * 16, 16)]
          dr = d - lo
          m = jnp.logical_and(dr >= 0, dr < ROWS)
          flat = dr * NV + s
          plsc.addupdate_scatter(acc, [flat], ones16, mask=m)

        @pl.when(NBUF * p + b + NBUF < NCHUNK)
        def _():
          start(NBUF * p + b + NBUF, b)
      return carry

    lax.fori_loop(0, NCHUNK // NBUF, chunk_group, 0, unroll=False)

    @plsc.parallel_loop(0, ROWS)
    def _(r):
      def sum_body(c, vs):
        base = r * NV + c * 80
        return tuple(
            vs[k] + acc[pl.ds(base + k * 16, 16)] for k in range(5))

      vs = lax.fori_loop(
          0, VPR // 5, sum_body,
          tuple(jnp.zeros((16,), jnp.float32) for _ in range(5)), unroll=2)
      v = (vs[0] + vs[1]) + (vs[2] + vs[3]) + vs[4]
      total = jnp.sum(v)
      t16 = jnp.full((16,), total, jnp.float32)
      scale = jnp.full((16,), 1.0, jnp.float32) / jnp.maximum(t16, 1.0)

      @plsc.parallel_loop(0, VPR, unroll=5)
      def _(c):
        sl = pl.ds(r * NV + c * 16, 16)
        acc[sl] = acc[sl] * scale

    tail = NV - ROWS * (NTILES - 1)

    @pl.when(wid < NTILES - 1)
    def _():
      pltpu.sync_copy(acc, c_hbm.at[pl.ds(lo * NV, ROWS * NV)])

    @pl.when(wid == NTILES - 1)
    def _():
      pltpu.sync_copy(acc.at[pl.ds(0, tail * NV)],
                      c_hbm.at[pl.ds(lo * NV, tail * NV)])

  do_relation(src0, dst0, c0_out)
  do_relation(src1, dst1, c1_out)


@functools.lru_cache(maxsize=1)
def _make_counts_kernel():
  mesh = plsc.VectorSubcoreMesh(core_axis_name="c", subcore_axis_name="s")
  return pl.kernel(
      _counts_body,
      out_type=(
          jax.ShapeDtypeStruct((NV * NV,), jnp.float32),
          jax.ShapeDtypeStruct((NV * NV,), jnp.float32),
      ),
      mesh=mesh,
      compiler_params=pltpu.CompilerParams(needs_layout_passes=False),
      scratch_types=(
          [pltpu.VMEM((ROWS * NV,), jnp.float32)]
          + [pltpu.VMEM((CHUNK,), jnp.int32)] * 10
          + [pltpu.SemaphoreType.DMA] * 10
      ),
  )


NB_ENC_F = N_FLIGHT // BLK
NB_ENC = 25
NB_L1_END = 50
NB1 = NV // BLK
GRID = 70


def _relu(x):
  return jnp.maximum(x, 0.0)


def _w(basis_ref, comp_ref, r):
  return (comp_ref[r, 0] * basis_ref[0:128, :]
          + comp_ref[r, 1] * basis_ref[128:256, :])


def _fused_body(xf_ref, wf_ref, bf_ref, xa_ref, wa_ref, ba_ref,
                root0_ref, bias0_ref, basis0_ref, comp0_ref,
                root1_ref, bias1_ref, basis1_ref, comp1_ref,
                c0_ref, c1_ref, wr_ref, br_ref, y_ref, x0s, x1s):
  s = pl.program_id(0)

  @pl.when(s < NB_ENC_F)
  def _():
    h = jnp.dot(xf_ref[...], wf_ref[...], preferred_element_type=jnp.float32)
    x0s[pl.ds(s * BLK, BLK), :] = _relu(h + bf_ref[...])

  @pl.when(jnp.logical_and(s >= NB_ENC_F, s < NB_ENC))
  def _():
    h = jnp.dot(xa_ref[...], wa_ref[...], preferred_element_type=jnp.float32)
    x0s[pl.ds(s * BLK, BLK), :] = _relu(h + ba_ref[...])

  i1 = s - NB_ENC

  @pl.when(jnp.logical_and(s >= NB_ENC, s < NB_ENC + NB1))
  def _():
    xblk = x0s[pl.ds(i1 * BLK, BLK), :]
    base = jnp.dot(xblk, root0_ref[...],
                   preferred_element_type=jnp.float32) + bias0_ref[...]
    agg = jnp.dot(c1_ref[...], x0s[pl.ds(N_FLIGHT, NV), :],
                  preferred_element_type=jnp.float32)
    msg = jnp.dot(agg, _w(basis0_ref, comp0_ref, 1),
                  preferred_element_type=jnp.float32)
    x1s[pl.ds(i1 * BLK, BLK), :] = _relu(base + msg)

  @pl.when(jnp.logical_and(s >= NB_ENC + NB1, s < NB_ENC + NB_ENC_F))
  def _():
    xblk = x0s[pl.ds(i1 * BLK, BLK), :]
    base = jnp.dot(xblk, root0_ref[...],
                   preferred_element_type=jnp.float32) + bias0_ref[...]
    x1s[pl.ds(i1 * BLK, BLK), :] = _relu(base)

  @pl.when(jnp.logical_and(s >= NB_ENC + NB_ENC_F, s < NB_L1_END))
  def _():
    xblk = x0s[pl.ds(i1 * BLK, BLK), :]
    base = jnp.dot(xblk, root0_ref[...],
                   preferred_element_type=jnp.float32) + bias0_ref[...]
    agg = jnp.dot(c0_ref[...], x0s[pl.ds(0, NV), :],
                  preferred_element_type=jnp.float32)
    msg = jnp.dot(agg, _w(basis0_ref, comp0_ref, 0),
                  preferred_element_type=jnp.float32)
    x1s[pl.ds(i1 * BLK, BLK), :] = _relu(base + msg)

  i2 = s - NB_L1_END

  @pl.when(jnp.logical_and(s >= NB_L1_END, s < NB_L1_END + NB1))
  def _():
    xblk = x1s[pl.ds(i2 * BLK, BLK), :]
    base = jnp.dot(xblk, root1_ref[...],
                   preferred_element_type=jnp.float32) + bias1_ref[...]
    agg = jnp.dot(c1_ref[...], x1s[pl.ds(N_FLIGHT, NV), :],
                  preferred_element_type=jnp.float32)
    msg = jnp.dot(agg, _w(basis1_ref, comp1_ref, 1),
                  preferred_element_type=jnp.float32)
    t = _relu(base + msg)
    y_ref[...] = jnp.dot(t, wr_ref[...],
                         preferred_element_type=jnp.float32) + br_ref[...]

  @pl.when(s >= NB_L1_END + NB1)
  def _():
    xblk = x1s[pl.ds(i2 * BLK, BLK), :]
    base = jnp.dot(xblk, root1_ref[...],
                   preferred_element_type=jnp.float32) + bias1_ref[...]
    t = _relu(base)
    y_ref[...] = jnp.dot(t, wr_ref[...],
                         preferred_element_type=jnp.float32) + br_ref[...]


def _fs(shape):
  return pl.BlockSpec(shape, lambda s: tuple(0 for _ in shape))


def _clip(v, lo, hi):
  return jnp.minimum(jnp.maximum(v, lo), hi)


def kernel(x_flight, x_airport, edge_index_f2a, edge_index_a2f,
           enc_flight_W, enc_flight_b, enc_airport_W, enc_airport_b,
           conv0_basis, conv0_comp, conv0_root, conv0_bias,
           conv1_basis, conv1_comp, conv1_root, conv1_bias,
           readout_W, readout_b):
  ei0 = edge_index_f2a.astype(jnp.int32)
  ei1 = edge_index_a2f.astype(jnp.int32)

  c0_flat, c1_flat = _make_counts_kernel()(ei0[0], ei0[1], ei1[0], ei1[1])
  c0 = c0_flat.reshape(NV, NV)
  c1 = c1_flat.reshape(NV, NV)

  wrp = jnp.pad(readout_W, ((0, 0), (0, 127)))
  brp = jnp.pad(readout_b.reshape(1, 1), ((0, 0), (0, 127)))
  smem = pl.BlockSpec(memory_space=pltpu.SMEM)

  y = pl.pallas_call(
      _fused_body,
      grid=(GRID,),
      in_specs=[
          pl.BlockSpec((BLK, 128), lambda s: (_clip(s, 0, NB_ENC_F - 1), 0)),
          _fs((128, 128)), _fs((1, 128)),
          pl.BlockSpec((BLK, 128),
                       lambda s: (_clip(s - NB_ENC_F, 0, NB1 - 1), 0)),
          _fs((128, 128)), _fs((1, 128)),
          _fs((128, 128)), _fs((1, 128)), _fs((256, 128)), smem,
          _fs((128, 128)), _fs((1, 128)), _fs((256, 128)), smem,
          pl.BlockSpec((BLK, NV), lambda s: (_clip(s - 45, 0, NB1 - 1), 0)),
          pl.BlockSpec(
              (BLK, NV),
              lambda s: (jnp.where(s < NB_L1_END,
                                   _clip(s - NB_ENC, 0, NB1 - 1),
                                   _clip(s - NB_L1_END, 0, NB1 - 1)), 0)),
          _fs((128, 128)), _fs((1, 128)),
      ],
      out_specs=pl.BlockSpec((BLK, 128),
                             lambda s: (_clip(s - NB_L1_END, 0, 19), 0)),
      out_shape=jax.ShapeDtypeStruct((N_FLIGHT, 128), jnp.float32),
      scratch_shapes=[
          pltpu.VMEM((N_FLIGHT + NV, 128), jnp.float32),
          pltpu.VMEM((N_FLIGHT + NV, 128), jnp.float32),
      ],
  )(x_flight, enc_flight_W, enc_flight_b.reshape(1, 128),
    x_airport, enc_airport_W, enc_airport_b.reshape(1, 128),
    conv0_root, conv0_bias.reshape(1, 128), conv0_basis.reshape(256, 128),
    conv0_comp, conv1_root, conv1_bias.reshape(1, 128),
    conv1_basis.reshape(256, 128), conv1_comp, c0, c1, wrp, brp)

  return y[:, 0]

# --- scband reference (transcript-rebuilt; emitter-appended) ---
"""Pipeline reference for scband-rgcn-309237645606 (READ-ONLY COPY).

The authoritative reference and input builder live on the scoring server;
editing this copy changes nothing except your own understanding.
"""

import jax, jax.numpy as jnp
import numpy as np

N_FLIGHT = 8000
N_AIRPORT = 2000
N_TOTAL = N_FLIGHT + N_AIRPORT
D = 128
H = 128
E0 = 160000
E1 = 160000
NUM_REL = 2
NUM_BASES = 2


def setup_inputs(seed: int = 0) -> dict:
    key = jax.random.key(seed)
    ks = jax.random.split(key, 20)
    inp = {}
    inp["x_flight"] = jax.random.normal(ks[0], (N_FLIGHT, D), dtype=jnp.float32)
    inp["x_airport"] = jax.random.normal(ks[1], (N_AIRPORT, D), dtype=jnp.float32)
    # indices in [0, 2000): valid for both flight (<8000) and airport (<2000) id spaces
    inp["edge_index_f2a"] = jax.random.randint(ks[2], (2, E0), 0, 2000, dtype=jnp.int64)
    inp["edge_index_a2f"] = jax.random.randint(ks[3], (2, E1), 0, 2000, dtype=jnp.int64)
    # per-node-type encoder Linear params (stored as [in, out])
    inp["enc_flight_W"] = jax.random.normal(ks[4], (D, H), dtype=jnp.float32) * 0.05
    inp["enc_flight_b"] = jax.random.normal(ks[5], (H,), dtype=jnp.float32) * 0.05
    inp["enc_airport_W"] = jax.random.normal(ks[6], (D, H), dtype=jnp.float32) * 0.05
    inp["enc_airport_b"] = jax.random.normal(ks[7], (H,), dtype=jnp.float32) * 0.05
    # RGCNConv layer 0 (basis decomposition)
    inp["conv0_basis"] = jax.random.normal(ks[8], (NUM_BASES, H, H), dtype=jnp.float32) * 0.05
    inp["conv0_comp"] = jax.random.normal(ks[9], (NUM_REL, NUM_BASES), dtype=jnp.float32) * 0.05
    inp["conv0_root"] = jax.random.normal(ks[10], (H, H), dtype=jnp.float32) * 0.05
    inp["conv0_bias"] = jax.random.normal(ks[11], (H,), dtype=jnp.float32) * 0.05
    # RGCNConv layer 1
    inp["conv1_basis"] = jax.random.normal(ks[12], (NUM_BASES, H, H), dtype=jnp.float32) * 0.05
    inp["conv1_comp"] = jax.random.normal(ks[13], (NUM_REL, NUM_BASES), dtype=jnp.float32) * 0.05
    inp["conv1_root"] = jax.random.normal(ks[14], (H, H), dtype=jnp.float32) * 0.05
    inp["conv1_bias"] = jax.random.normal(ks[15], (H,), dtype=jnp.float32) * 0.05
    # readout
    inp["readout_W"] = jax.random.normal(ks[16], (H, 1), dtype=jnp.float32) * 0.05
    inp["readout_b"] = jax.random.normal(ks[17], (1,), dtype=jnp.float32) * 0.05
    return inp


def _rgcn_conv(x, edge_src, edge_dst, edge_type, basis, comp, root, bias):
    # weight[r] = sum_b comp[r, b] * basis[b]
    weight = jnp.einsum("rb,bio->rio", comp, basis)
    out = x @ root + bias
    for r in range(NUM_REL):
        mask = (edge_type == r).astype(x.dtype)
        msg = x[edge_src] @ weight[r]
        msg = msg * mask[:, None]
        summed = jax.ops.segment_sum(msg, edge_dst, num_segments=N_TOTAL)
        cnt = jax.ops.segment_sum(mask, edge_dst, num_segments=N_TOTAL)
        out = out + summed / jnp.maximum(cnt, 1.0)[:, None]
    return out


def reference(x_flight, x_airport, edge_index_f2a, edge_index_a2f,
              enc_flight_W, enc_flight_b, enc_airport_W, enc_airport_b,
              conv0_basis, conv0_comp, conv0_root, conv0_bias,
              conv1_basis, conv1_comp, conv1_root, conv1_bias,
              readout_W, readout_b):
    # per-type encoders + relu
    h_f = jax.nn.relu(x_flight @ enc_flight_W + enc_flight_b)
    h_a = jax.nn.relu(x_airport @ enc_airport_W + enc_airport_b)
    # pack into homogeneous node tensor: flight at offset 0, airport at offset N_FLIGHT
    x = jnp.concatenate([h_f, h_a], axis=0)
    # relation 0: flight -> airport (dst offset by N_FLIGHT)
    src0 = edge_index_f2a[0]
    dst0 = edge_index_f2a[1] + N_FLIGHT
    # relation 1: airport -> flight (src offset by N_FLIGHT)
    src1 = edge_index_a2f[0] + N_FLIGHT
    dst1 = edge_index_a2f[1]
    edge_src = jnp.concatenate([src0, src1])
    edge_dst = jnp.concatenate([dst0, dst1])
    edge_type = jnp.concatenate([jnp.zeros((E0,), dtype=jnp.int32), jnp.ones((E1,), dtype=jnp.int32)])
    # 2 RGCN layers with relu (dropout inactive in eval mode)
    x = jax.nn.relu(_rgcn_conv(x, edge_src, edge_dst, edge_type, conv0_basis, conv0_comp, conv0_root, conv0_bias))
    x = jax.nn.relu(_rgcn_conv(x, edge_src, edge_dst, edge_type, conv1_basis, conv1_comp, conv1_root, conv1_bias))
    flight_x = x[:N_FLIGHT]
    return jnp.squeeze(flight_x @ readout_W + readout_b, axis=-1)

if __name__ == "__main__":
    import jax
    _d = setup_inputs()
    print(jax.jit(kernel)(*tuple(_d.values())))

</pallas_src>

<mosaic_0001>
#map = affine_map<(d0, d1) -> (0)>
module attributes {stable_mosaic.version = 14 : i64} {
  func.func @_counts_body(%arg0: i32, %arg1: i32, %arg2: memref<160000xi32, #tpu.memory_space<hbm>>, %arg3: memref<160000xi32, #tpu.memory_space<hbm>>, %arg4: memref<160000xi32, #tpu.memory_space<hbm>>, %arg5: memref<160000xi32, #tpu.memory_space<hbm>>, %arg6: memref<4000000xf32, #tpu.memory_space<hbm>>, %arg7: memref<4000000xf32, #tpu.memory_space<hbm>>, %arg8: memref<126000xf32, #tpu.memory_space<vmem>>, %arg9: memref<320xi32, #tpu.memory_space<vmem>>, %arg10: memref<320xi32, #tpu.memory_space<vmem>>, %arg11: memref<320xi32, #tpu.memory_space<vmem>>, %arg12: memref<320xi32, #tpu.memory_space<vmem>>, %arg13: memref<320xi32, #tpu.memory_space<vmem>>, %arg14: memref<320xi32, #tpu.memory_space<vmem>>, %arg15: memref<320xi32, #tpu.memory_space<vmem>>, %arg16: memref<320xi32, #tpu.memory_space<vmem>>, %arg17: memref<320xi32, #tpu.memory_space<vmem>>, %arg18: memref<320xi32, #tpu.memory_space<vmem>>, %arg19: memref<!tpu.dma_semaphore, #tpu.memory_space<semaphore_mem>>, %arg20: memref<!tpu.dma_semaphore, #tpu.memory_space<semaphore_mem>>, %arg21: memref<!tpu.dma_semaphore, #tpu.memory_space<semaphore_mem>>, %arg22: memref<!tpu.dma_semaphore, #tpu.memory_space<semaphore_mem>>, %arg23: memref<!tpu.dma_semaphore, #tpu.memory_space<semaphore_mem>>, %arg24: memref<!tpu.dma_semaphore, #tpu.memory_space<semaphore_mem>>, %arg25: memref<!tpu.dma_semaphore, #tpu.memory_space<semaphore_mem>>, %arg26: memref<!tpu.dma_semaphore, #tpu.memory_space<semaphore_mem>>, %arg27: memref<!tpu.dma_semaphore, #tpu.memory_space<semaphore_mem>>, %arg28: memref<!tpu.dma_semaphore, #tpu.memory_space<semaphore_mem>>) attributes {dimension_semantics = [#tpu.dimension_semantics<core_parallel>, #tpu.dimension_semantics<subcore_parallel>], iteration_bounds = array<i64: 2, 16>, scalar_prefetch = 0 : i64, scratch_operands = 21 : i64, tpu.core_type = #tpu.core_type<sc_vector_subcore>, window_params = [{transform_indices = #map}, {transform_indices = #map}, {transform_indices = #map}, {transform_indices = #map}, {transform_indices = #map}, {transform_indices = #map}]} {
    %mul3A = arith.constant 16 : i32
    %mul3A_0 = arith.muli %arg0, %mul3A : i32
    %add3A = arith.addi %mul3A_0, %arg1 : i32
    %mul3A_1 = arith.constant 63 : i32
    %mul3A_2 = arith.muli %add3A, %mul3A_1 : i32
    %broadcast_in_dim3A = arith.constant 0.000000e+00 : f32
    %broadcast_in_dim3A_3 = vector.broadcast %broadcast_in_dim3A : f32 to vector<16xf32>
    %parallel_loop3A = arith.constant 0 : i32
    %parallel_loop3A_4 = arith.constant 7875 : i32
    %parallel_loop3A_5 = arith.constant 1 : i32
    scf.for %parallel_loop3A_127 = %parallel_loop3A to %parallel_loop3A_4 step %parallel_loop3A_5  : i32 {
      %parallel_loop3A_128 = arith.constant 16 : i32
      %parallel_loop3A_129 = arith.muli %parallel_loop3A_127, %parallel_loop3A_128 : i32
      %parallel_loop3A_130 = arith.index_cast %parallel_loop3A_129 : i32 to index
      %parallel_loop3A_131 = tpu.vector_load %arg8[%parallel_loop3A_130] {strides = array<i32>} : memref<126000xf32, #tpu.memory_space<vmem>>, vector<16xf32>,
      tpu.vector_store %arg8[%parallel_loop3A_130], %broadcast_in_dim3A_3 {strides = array<i32>} : memref<126000xf32, #tpu.memory_space<vmem>>, vector<16xf32>,
    } {sc.loop_unroll_factor = 8 : i64, sc.parallel_access}
    %dma_start3A = arith.constant 0 : i32
    %dma_start3A_6 = tpu.memref_slice %arg2[%dma_start3A] : memref<160000xi32, #tpu.memory_space<hbm>> -> memref<320xi32, #tpu.memory_space<hbm>>
    %dma_start3A_7 = arith.constant 0 : i32
    %dma_start3A_8 = tpu.memref_slice %arg2[%dma_start3A_7] : memref<160000xi32, #tpu.memory_space<hbm>> -> memref<320xi32, #tpu.memory_space<hbm>>
    tpu.enqueue_dma source(%dma_start3A_8 : memref<320xi32, #tpu.memory_space<hbm>>) target(%arg9 : memref<320xi32, #tpu.memory_space<vmem>>) target_semaphore(%arg19 : memref<!tpu.dma_semaphore, #tpu.memory_space<semaphore_mem>>)
    %dma_start3A_9 = arith.constant 0 : i32
    %dma_start3A_10 = tpu.memref_slice %arg3[%dma_start3A_9] : memref<160000xi32, #tpu.memory_space<hbm>> -> memref<320xi32, #tpu.memory_space<hbm>>
    %dma_start3A_11 = arith.constant 0 : i32
    %dma_start3A_12 = tpu.memref_slice %arg3[%dma_start3A_11] : memref<160000xi32, #tpu.memory_space<hbm>> -> memref<320xi32, #tpu.memory_space<hbm>>
    tpu.enqueue_dma source(%dma_start3A_12 : memref<320xi32, #tpu.memory_space<hbm>>) target(%arg14 : memref<320xi32, #tpu.memory_space<vmem>>) target_semaphore(%arg24 : memref<!tpu.dma_semaphore, #tpu.memory_space<semaphore_mem>>)
    %dma_start3A_13 = arith.constant 320 : i32
    %dma_start3A_14 = tpu.memref_slice %arg2[%dma_start3A_13] : memref<160000xi32, #tpu.memory_space<hbm>> -> memref<320xi32, #tpu.memory_space<hbm>>
    %dma_start3A_15 = arith.constant 320 : i32
    %dma_start3A_16 = tpu.memref_slice %arg2[%dma_start3A_15] : memref<160000xi32, #tpu.memory_space<hbm>> -> memref<320xi32, #tpu.memory_space<hbm>>
    tpu.enqueue_dma source(%dma_start3A_16 : memref<320xi32, #tpu.memory_space<hbm>>) target(%arg10 : memref<320xi32, #tpu.memory_space<vmem>>) target_semaphore(%arg20 : memref<!tpu.dma_semaphore, #tpu.memory_space<semaphore_mem>>)
    %dma_start3A_17 = arith.constant 320 : i32
    %dma_start3A_18 = tpu.memref_slice %arg3[%dma_start3A_17] : memref<160000xi32, #tpu.memory_space<hbm>> -> memref<320xi32, #tpu.memory_space<hbm>>
    %dma_start3A_19 = arith.constant 320 : i32
    %dma_start3A_20 = tpu.memref_slice %arg3[%dma_start3A_19] : memref<160000xi32, #tpu.memory_space<hbm>> -> memref<320xi32, #tpu.memory_space<hbm>>
    tpu.enqueue_dma source(%dma_start3A_20 : memref<320xi32, #tpu.memory_space<hbm>>) target(%arg15 : memref<320xi32, #tpu.memory_space<vmem>>) target_semaphore(%arg25 : memref<!tpu.dma_semaphore, #tpu.memory_space<semaphore_mem>>)
    %dma_start3A_21 = arith.constant 640 : i32
    %dma_start3A_22 = tpu.memref_slice %arg2[%dma_start3A_21] : memref<160000xi32, #tpu.memory_space<hbm>> -> memref<320xi32, #tpu.memory_space<hbm>>
    %dma_start3A_23 = arith.constant 640 : i32
    %dma_start3A_24 = tpu.memref_slice %arg2[%dma_start3A_23] : memref<160000xi32, #tpu.memory_space<hbm>> -> memref<320xi32, #tpu.memory_space<hbm>>
    tpu.enqueue_dma source(%dma_start3A_24 : memref<320xi32, #tpu.memory_space<hbm>>) target(%arg11 : memref<320xi32, #tpu.memory_space<vmem>>) target_semaphore(%arg21 : memref<!tpu.dma_semaphore, #tpu.memory_space<semaphore_mem>>)
    %dma_start3A_25 = arith.constant 640 : i32
    %dma_start3A_26 = tpu.memref_slice %arg3[%dma_start3A_25] : memref<160000xi32, #tpu.memory_space<hbm>> -> memref<320xi32, #tpu.memory_space<hbm>>
    %dma_start3A_27 = arith.constant 640 : i32
    %dma_start3A_28 = tpu.memref_slice %arg3[%dma_start3A_27] : memref<160000xi32, #tpu.memory_space<hbm>> -> memref<320xi32, #tpu.memory_space<hbm>>
    tpu.enqueue_dma source(%dma_start3A_28 : memref<320xi32, #tpu.memory_space<hbm>>) target(%arg16 : memref<320xi32, #tpu.memory_space<vmem>>) target_semaphore(%arg26 : memref<!tpu.dma_semaphore, #tpu.memory_space<semaphore_mem>>)
    %dma_start3A_29 = arith.constant 960 : i32
    %dma_start3A_30 = tpu.memref_slice %arg2[%dma_start3A_29] : memref<160000xi32, #tpu.memory_space<hbm>> -> memref<320xi32, #tpu.memory_space<hbm>>
    %dma_start3A_31 = arith.constant 960 : i32
    %dma_start3A_32 = tpu.memref_slice %arg2[%dma_start3A_31] : memref<160000xi32, #tpu.memory_space<hbm>> -> memref<320xi32, #tpu.memory_space<hbm>>
    tpu.enqueue_dma source(%dma_start3A_32 : memref<320xi32, #tpu.memory_space<hbm>>) target(%arg12 : memref<320xi32, #tpu.memory_space<vmem>>) target_semaphore(%arg22 : memref<!tpu.dma_semaphore, #tpu.memory_space<semaphore_mem>>)
    %dma_start3A_33 = arith.constant 960 : i32
    %dma_start3A_34 = tpu.memref_slice %arg3[%dma_start3A_33] : memref<160000xi32, #tpu.memory_space<hbm>> -> memref<320xi32, #tpu.memory_space<hbm>>
    %dma_start3A_35 = arith.constant 960 : i32
    %dma_start3A_36 = tpu.memref_slice %arg3[%dma_start3A_35] : memref<160000xi32, #tpu.memory_space<hbm>> -> memref<320xi32, #tpu.memory_space<hbm>>
    tpu.enqueue_dma source(%dma_start3A_36 : memref<320xi32, #tpu.memory_space<hbm>>) target(%arg17 : memref<320xi32, #tpu.memory_space<vmem>>) target_semaphore(%arg27 : memref<!tpu.dma_semaphore, #tpu.memory_space<semaphore_mem>>)
    %dma_start3A_37 = arith.constant 1280 : i32
    %dma_start3A_38 = tpu.memref_slice %arg2[%dma_start3A_37] : memref<160000xi32, #tpu.memory_space<hbm>> -> memref<320xi32, #tpu.memory_space<hbm>>
    %dma_start3A_39 = arith.constant 1280 : i32
    %dma_start3A_40 = tpu.memref_slice %arg2[%dma_start3A_39] : memref<160000xi32, #tpu.memory_space<hbm>> -> memref<320xi32, #tpu.memory_space<hbm>>
    tpu.enqueue_dma source(%dma_start3A_40 : memref<320xi32, #tpu.memory_space<hbm>>) target(%arg13 : memref<320xi32, #tpu.memory_space<vmem>>) target_semaphore(%arg23 : memref<!tpu.dma_semaphore, #tpu.memory_space<semaphore_mem>>)
    %dma_start3A_41 = arith.constant 1280 : i32
    %dma_start3A_42 = tpu.memref_slice %arg3[%dma_start3A_41] : memref<160000xi32, #tpu.memory_space<hbm>> -> memref<320xi32, #tpu.memory_space<hbm>>
    %dma_start3A_43 = arith.constant 1280 : i32
    %dma_start3A_44 = tpu.memref_slice %arg3[%dma_start3A_43] : memref<160000xi32, #tpu.memory_space<hbm>> -> memref<320xi32, #tpu.memory_space<hbm>>
    tpu.enqueue_dma source(%dma_start3A_44 : memref<320xi32, #tpu.memory_space<hbm>>) target(%arg18 : memref<320xi32, #tpu.memory_space<vmem>>) target_semaphore(%arg28 : memref<!tpu.dma_semaphore, #tpu.memory_space<semaphore_mem>>)
    %broadcast_in_dim3A_45 = arith.constant 1.000000e+00 : f32
    %broadcast_in_dim3A_46 = vector.broadcast %broadcast_in_dim3A_45 : f32 to vector<16xf32>
    %scan3A = arith.constant 0 : i32
    %scan3A_47 = arith.constant 0 : i32
    %scan3A_48 = arith.constant 100 : i32
    %scan3A_49 = arith.addi %scan3A_47, %scan3A_48 : i32
    %scan3A_50 = arith.constant 1 : i32
    scf.for %scan3A_127 = %scan3A_47 to %scan3A_49 step %scan3A_50  : i32 {
      %dma_wait3A = arith.constant 0 : i32
      %dma_wait3A_128 = tpu.memref_slice %arg2[%dma_wait3A] : memref<160000xi32, #tpu.memory_space<hbm>> -> memref<320xi32, #tpu.memory_space<hbm>>
      %dma_wait3A_129 = arith.constant 0 : i32
      %dma_wait3A_130 = tpu.memref_slice %arg2[%dma_wait3A_129] : memref<160000xi32, #tpu.memory_space<hbm>> -> memref<320xi32, #tpu.memory_space<hbm>>
      tpu.wait_dma2 semaphore(%arg19 : memref<!tpu.dma_semaphore, #tpu.memory_space<semaphore_mem>>) src(%dma_wait3A_130 : memref<320xi32, #tpu.memory_space<hbm>>) dst(%arg9 : memref<320xi32, #tpu.memory_space<vmem>>)
      %dma_wait3A_131 = arith.constant 0 : i32
      %dma_wait3A_132 = tpu.memref_slice %arg3[%dma_wait3A_131] : memref<160000xi32, #tpu.memory_space<hbm>> -> memref<320xi32, #tpu.memory_space<hbm>>
      %dma_wait3A_133 = arith.constant 0 : i32
      %dma_wait3A_134 = tpu.memref_slice %arg3[%dma_wait3A_133] : memref<160000xi32, #tpu.memory_space<hbm>> -> memref<320xi32, #tpu.memory_space<hbm>>
      tpu.wait_dma2 semaphore(%arg24 : memref<!tpu.dma_semaphore, #tpu.memory_space<semaphore_mem>>) src(%dma_wait3A_134 : memref<320xi32, #tpu.memory_space<hbm>>) dst(%arg14 : memref<320xi32, #tpu.memory_space<vmem>>)
      %parallel_loop3A_135 = arith.constant 0 : i32
      %parallel_loop3A_136 = arith.constant 20 : i32
      %parallel_loop3A_137 = arith.constant 1 : i32
      scf.for %parallel_loop3A_237 = %parallel_loop3A_135 to %parallel_loop3A_136 step %parallel_loop3A_137  : i32 {
        %parallel_loop3A_238 = arith.constant 16 : i32
        %parallel_loop3A_239 = arith.muli %parallel_loop3A_237, %parallel_loop3A_238 : i32
        %parallel_loop3A_240 = arith.index_cast %parallel_loop3A_239 : i32 to index
        %parallel_loop3A_241 = tpu.vector_load %arg9[%parallel_loop3A_240] {strides = array<i32>} : memref<320xi32, #tpu.memory_space<vmem>>, vector<16xi32>,
        %parallel_loop3A_242 = arith.constant 16 : i32
        %parallel_loop3A_243 = arith.muli %parallel_loop3A_237, %parallel_loop3A_242 : i32
        %parallel_loop3A_244 = arith.index_cast %parallel_loop3A_243 : i32 to index
        %parallel_loop3A_245 = tpu.vector_load %arg14[%parallel_loop3A_244] {strides = array<i32>} : memref<320xi32, #tpu.memory_space<vmem>>, vector<16xi32>,
        %parallel_loop3A_246 = vector.broadcast %mul3A_2 : i32 to vector<16xi32>
        %parallel_loop3A_247 = arith.subi %parallel_loop3A_245, %parallel_loop3A_246 : vector<16xi32>
        %parallel_loop3A_248 = arith.constant 0 : i32
        %parallel_loop3A_249 = vector.broadcast %parallel_loop3A_248 : i32 to vector<16xi32>
        %parallel_loop3A_250 = arith.cmpi sge, %parallel_loop3A_247, %parallel_loop3A_249 : vector<16xi32>
        %parallel_loop3A_251 = arith.constant 63 : i32
        %parallel_loop3A_252 = vector.broadcast %parallel_loop3A_251 : i32 to vector<16xi32>
        %parallel_loop3A_253 = arith.cmpi slt, %parallel_loop3A_247, %parallel_loop3A_252 : vector<16xi32>
        %parallel_loop3A_254 = arith.andi %parallel_loop3A_250, %parallel_loop3A_253 : vector<16xi1>
        %parallel_loop3A_255 = arith.constant 2000 : i32
        %parallel_loop3A_256 = vector.broadcast %parallel_loop3A_255 : i32 to vector<16xi32>
        %parallel_loop3A_257 = arith.muli %parallel_loop3A_247, %parallel_loop3A_256 : vector<16xi32>
        %parallel_loop3A_258 = arith.addi %parallel_loop3A_257, %parallel_loop3A_241 : vector<16xi32>
        tpu.vector_store_idx %arg8[%parallel_loop3A_258], %broadcast_in_dim3A_46 masked %parallel_loop3A_254 {add = true} : memref<126000xf32, #tpu.memory_space<vmem>>[vector<16xi32>], vector<16xf32>, vector<16xi1>
      } {sc.loop_unroll_factor = 5 : i64, sc.parallel_access}
      %mul3A_138 = arith.constant 5 : i32
      %mul3A_139 = arith.muli %mul3A_138, %scan3A_127 : i32
      %add3A_140 = arith.constant 0 : i32
      %add3A_141 = arith.addi %mul3A_139, %add3A_140 : i32
      %add3A_142 = arith.constant 5 : i32
      %add3A_143 = arith.addi %add3A_141, %add3A_142 : i32
      %lt3A_144 = arith.constant 500 : i32
      %lt3A_145 = arith.cmpi slt, %add3A_143, %lt3A_144 : i32
      %convert_element_type3A_146 = arith.extui %lt3A_145 : i1 to i32
      %cond3A_147 = arith.constant 0 : i32
      %cond3A_148 = arith.cmpi ne, %convert_element_type3A_146, %cond3A_147 : i32
      scf.if %cond3A_148 {
        %mul3A_237 = arith.constant 5 : i32
        %mul3A_238 = arith.muli %mul3A_237, %scan3A_127 : i32
        %add3A_239 = arith.constant 0 : i32
        %add3A_240 = arith.addi %mul3A_238, %add3A_239 : i32
        %add3A_241 = arith.constant 5 : i32
        %add3A_242 = arith.addi %add3A_240, %add3A_241 : i32
        %mul3A_243 = arith.constant 320 : i32
        %mul3A_244 = arith.muli %add3A_242, %mul3A_243 : i32
        %dma_start3A_245 = tpu.memref_slice %arg2[%mul3A_244] : memref<160000xi32, #tpu.memory_space<hbm>> -> memref<320xi32, #tpu.memory_space<hbm>>
        %dma_start3A_246 = tpu.memref_slice %arg2[%mul3A_244] : memref<160000xi32, #tpu.memory_space<hbm>> -> memref<320xi32, #tpu.memory_space<hbm>>
        tpu.enqueue_dma source(%dma_start3A_246 : memref<320xi32, #tpu.memory_space<hbm>>) target(%arg9 : memref<320xi32, #tpu.memory_space<vmem>>) target_semaphore(%arg19 : memref<!tpu.dma_semaphore, #tpu.memory_space<semaphore_mem>>)
        %mul3A_247 = arith.constant 320 : i32
        %mul3A_248 = arith.muli %add3A_242, %mul3A_247 : i32
        %dma_start3A_249 = tpu.memref_slice %arg3[%mul3A_248] : memref<160000xi32, #tpu.memory_space<hbm>> -> memref<320xi32, #tpu.memory_space<hbm>>
        %dma_start3A_250 = tpu.memref_slice %arg3[%mul3A_248] : memref<160000xi32, #tpu.memory_space<hbm>> -> memref<320xi32, #tpu.memory_space<hbm>>
        tpu.enqueue_dma source(%dma_start3A_250 : memref<320xi32, #tpu.memory_space<hbm>>) target(%arg14 : memref<320xi32, #tpu.memory_space<vmem>>) target_semaphore(%arg24 : memref<!tpu.dma_semaphore, #tpu.memory_space<semaphore_mem>>)
      } else {
      }
      %dma_wait3A_149 = arith.constant 0 : i32
      %dma_wait3A_150 = tpu.memref_slice %arg2[%dma_wait3A_149] : memref<160000xi32, #tpu.memory_space<hbm>> -> memref<320xi32, #tpu.memory_space<hbm>>
      %dma_wait3A_151 = arith.constant 0 : i32
      %dma_wait3A_152 = tpu.memref_slice %arg2[%dma_wait3A_151] : memref<160000xi32, #tpu.memory_space<hbm>> -> memref<320xi32, #tpu.memory_space<hbm>>
      tpu.wait_dma2 semaphore(%arg20 : memref<!tpu.dma_semaphore, #tpu.memory_space<semaphore_mem>>) src(%dma_wait3A_152 : memref<320xi32, #tpu.memory_space<hbm>>) dst(%arg10 : memref<320xi32, #tpu.memory_space<vmem>>)
      %dma_wait3A_153 = arith.constant 0 : i32
      %dma_wait3A_154 = tpu.memref_slice %arg3[%dma_wait3A_153] : memref<160000xi32, #tpu.memory_space<hbm>> -> memref<320xi32, #tpu.memory_space<hbm>>
      %dma_wait3A_155 = arith.constant 0 : i32
      %dma_wait3A_156 = tpu.memref_slice %arg3[%dma_wait3A_155] : memref<160000xi32, #tpu.memory_space<hbm>> -> memref<320xi32, #tpu.memory_space<hbm>>
      tpu.wait_dma2 semaphore(%arg25 : memref<!tpu.dma_semaphore, #tpu.memory_space<semaphore_mem>>) src(%dma_wait3A_156 : memref<320xi32, #tpu.memory_space<hbm>>) dst(%arg15 : memref<320xi32, #tpu.memory_space<vmem>>)
      %parallel_loop3A_157 = arith.constant 0 : i32
      %parallel_loop3A_158 = arith.constant 20 : i32
      %parallel_loop3A_159 = arith.constant 1 : i32
      scf.for %parallel_loop3A_237 = %parallel_loop3A_157 to %parallel_loop3A_158 step %parallel_loop3A_159  : i32 {
        %parallel_loop3A_238 = arith.constant 16 : i32
        %parallel_loop3A_239 = arith.muli %parallel_loop3A_237, %parallel_loop3A_238 : i32
        %parallel_loop3A_240 = arith.index_cast %parallel_loop3A_239 : i32 to index
        %parallel_loop3A_241 = tpu.vector_load %arg10[%parallel_loop3A_240] {strides = array<i32>} : memref<320xi32, #tpu.memory_space<vmem>>, vector<16xi32>,
        %parallel_loop3A_242 = arith.constant 16 : i32
        %parallel_loop3A_243 = arith.muli %parallel_loop3A_237, %parallel_loop3A_242 : i32
        %parallel_loop3A_244 = arith.index_cast %parallel_loop3A_243 : i32 to index
        %parallel_loop3A_245 = tpu.vector_load %arg15[%parallel_loop3A_244] {strides = array<i32>} : memref<320xi32, #tpu.memory_space<vmem>>, vector<16xi32>,
        %parallel_loop3A_246 = vector.broadcast %mul3A_2 : i32 to vector<16xi32>
        %parallel_loop3A_247 = arith.subi %parallel_loop3A_245, %parallel_loop3A_246 : vector<16xi32>
        %parallel_loop3A_248 = arith.constant 0 : i32
        %parallel_loop3A_249 = vector.broadcast %parallel_loop3A_248 : i32 to vector<16xi32>
        %parallel_loop3A_250 = arith.cmpi sge, %parallel_loop3A_247, %parallel_loop3A_249 : vector<16xi32>
        %parallel_loop3A_251 = arith.constant 63 : i32
        %parallel_loop3A_252 = vector.broadcast %parallel_loop3A_251 : i32 to vector<16xi32>
        %parallel_loop3A_253 = arith.cmpi slt, %parallel_loop3A_247, %parallel_loop3A_252 : vector<16xi32>
        %parallel_loop3A_254 = arith.andi %parallel_loop3A_250, %parallel_loop3A_253 : vector<16xi1>
        %parallel_loop3A_255 = arith.constant 2000 : i32
        %parallel_loop3A_256 = vector.broadcast %parallel_loop3A_255 : i32 to vector<16xi32>
        %parallel_loop3A_257 = arith.muli %parallel_loop3A_247, %parallel_loop3A_256 : vector<16xi32>
        %parallel_loop3A_258 = arith.addi %parallel_loop3A_257, %parallel_loop3A_241 : vector<16xi32>
        tpu.vector_store_idx %arg8[%parallel_loop3A_258], %broadcast_in_dim3A_46 masked %parallel_loop3A_254 {add = true} : memref<126000xf32, #tpu.memory_space<vmem>>[vector<16xi32>], vector<16xf32>, vector<16xi1>
      } {sc.loop_unroll_factor = 5 : i64, sc.parallel_access}
      %mul3A_160 = arith.constant 5 : i32
      %mul3A_161 = arith.muli %mul3A_160, %scan3A_127 : i32
      %add3A_162 = arith.constant 1 : i32
      %add3A_163 = arith.addi %mul3A_161, %add3A_162 : i32
      %add3A_164 = arith.constant 5 : i32
      %add3A_165 = arith.addi %add3A_163, %add3A_164 : i32
      %lt3A_166 = arith.constant 500 : i32
      %lt3A_167 = arith.cmpi slt, %add3A_165, %lt3A_166 : i32
      %convert_element_type3A_168 = arith.extui %lt3A_167 : i1 to i32
      %cond3A_169 = arith.constant 0 : i32
      %cond3A_170 = arith.cmpi ne, %convert_element_type3A_168, %cond3A_169 : i32
      scf.if %cond3A_170 {
        %mul3A_237 = arith.constant 5 : i32
        %mul3A_238 = arith.muli %mul3A_237, %scan3A_127 : i32
        %add3A_239 = arith.constant 1 : i32
        %add3A_240 = arith.addi %mul3A_238, %add3A_239 : i32
        %add3A_241 = arith.constant 5 : i32
        %add3A_242 = arith.addi %add3A_240, %add3A_241 : i32
        %mul3A_243 = arith.constant 320 : i32
        %mul3A_244 = arith.muli %add3A_242, %mul3A_243 : i32
        %dma_start3A_245 = tpu.memref_slice %arg2[%mul3A_244] : memref<160000xi32, #tpu.memory_space<hbm>> -> memref<320xi32, #tpu.memory_space<hbm>>
        %dma_start3A_246 = tpu.memref_slice %arg2[%mul3A_244] : memref<160000xi32, #tpu.memory_space<hbm>> -> memref<320xi32, #tpu.memory_space<hbm>>
        tpu.enqueue_dma source(%dma_start3A_246 : memref<320xi32, #tpu.memory_space<hbm>>) target(%arg10 : memref<320xi32, #tpu.memory_space<vmem>>) target_semaphore(%arg20 : memref<!tpu.dma_semaphore, #tpu.memory_space<semaphore_mem>>)
        %mul3A_247 = arith.constant 320 : i32
        %mul3A_248 = arith.muli %add3A_242, %mul3A_247 : i32
        %dma_start3A_249 = tpu.memref_slice %arg3[%mul3A_248] : memref<160000xi32, #tpu.memory_space<hbm>> -> memref<320xi32, #tpu.memory_space<hbm>>
        %dma_start3A_250 = tpu.memref_slice %arg3[%mul3A_248] : memref<160000xi32, #tpu.memory_space<hbm>> -> memref<320xi32, #tpu.memory_space<hbm>>
        tpu.enqueue_dma source(%dma_start3A_250 : memref<320xi32, #tpu.memory_space<hbm>>) target(%arg15 : memref<320xi32, #tpu.memory_space<vmem>>) target_semaphore(%arg25 : memref<!tpu.dma_semaphore, #tpu.memory_space<semaphore_mem>>)
      } else {
      }
      %dma_wait3A_171 = arith.constant 0 : i32
      %dma_wait3A_172 = tpu.memref_slice %arg2[%dma_wait3A_171] : memref<160000xi32, #tpu.memory_space<hbm>> -> memref<320xi32, #tpu.memory_space<hbm>>
      %dma_wait3A_173 = arith.constant 0 : i32
      %dma_wait3A_174 = tpu.memref_slice %arg2[%dma_wait3A_173] : memref<160000xi32, #tpu.memory_space<hbm>> -> memref<320xi32, #tpu.memory_space<hbm>>
      tpu.wait_dma2 semaphore(%arg21 : memref<!tpu.dma_semaphore, #tpu.memory_space<semaphore_mem>>) src(%dma_wait3A_174 : memref<320xi32, #tpu.memory_space<hbm>>) dst(%arg11 : memref<320xi32, #tpu.memory_space<vmem>>)
      %dma_wait3A_175 = arith.constant 0 : i32
      %dma_wait3A_176 = tpu.memref_slice %arg3[%dma_wait3A_175] : memref<160000xi32, #tpu.memory_space<hbm>> -> memref<320xi32, #tpu.memory_space<hbm>>
      %dma_wait3A_177 = arith.constant 0 : i32
      %dma_wait3A_178 = tpu.memref_slice %arg3[%dma_wait3A_177] : memref<160000xi32, #tpu.memory_space<hbm>> -> memref<320xi32, #tpu.memory_space<hbm>>
      tpu.wait_dma2 semaphore(%arg26 : memref<!tpu.dma_semaphore, #tpu.memory_space<semaphore_mem>>) src(%dma_wait3A_178 : memref<320xi32, #tpu.memory_space<hbm>>) dst(%arg16 : memref<320xi32, #tpu.memory_space<vmem>>)
      %parallel_loop3A_179 = arith.constant 0 : i32
      %parallel_loop3A_180 = arith.constant 20 : i32
      %parallel_loop3A_181 = arith.constant 1 : i32
      scf.for %parallel_loop3A_237 = %parallel_loop3A_179 to %parallel_loop3A_180 step %parallel_loop3A_181  : i32 {
        %parallel_loop3A_238 = arith.constant 16 : i32
        %parallel_loop3A_239 = arith.muli %parallel_loop3A_237, %parallel_loop3A_238 : i32
        %parallel_loop3A_240 = arith.index_cast %parallel_loop3A_239 : i32 to index
        %parallel_loop3A_241 = tpu.vector_load %arg11[%parallel_loop3A_240] {strides = array<i32>} : memref<320xi32, #tpu.memory_space<vmem>>, vector<16xi32>,
        %parallel_loop3A_242 = arith.constant 16 : i32
        %parallel_loop3A_243 = arith.muli %parallel_loop3A_237, %parallel_loop3A_242 : i32
        %parallel_loop3A_244 = arith.index_cast %parallel_loop3A_243 : i32 to index
        %parallel_loop3A_245 = tpu.vector_load %arg16[%parallel_loop3A_244] {strides = array<i32>} : memref<320xi32, #tpu.memory_space<vmem>>, vector<16xi32>,
        %parallel_loop3A_246 = vector.broadcast %mul3A_2 : i32 to vector<16xi32>
        %parallel_loop3A_247 = arith.subi %parallel_loop3A_245, %parallel_loop3A_246 : vector<16xi32>
        %parallel_loop3A_248 = arith.constant 0 : i32
        %parallel_loop3A_249 = vector.broadcast %parallel_loop3A_248 : i32 to vector<16xi32>
        %parallel_loop3A_250 = arith.cmpi sge, %parallel_loop3A_247, %parallel_loop3A_249 : vector<16xi32>
        %parallel_loop3A_251 = arith.constant 63 : i32
        %parallel_loop3A_252 = vector.broadcast %parallel_loop3A_251 : i32 to vector<16xi32>
        %parallel_loop3A_253 = arith.cmpi slt, %parallel_loop3A_247, %parallel_loop3A_252 : vector<16xi32>
        %parallel_loop3A_254 = arith.andi %parallel_loop3A_250, %parallel_loop3A_253 : vector<16xi1>
        %parallel_loop3A_255 = arith.constant 2000 : i32
        %parallel_loop3A_256 = vector.broadcast %parallel_loop3A_255 : i32 to vector<16xi32>
        %parallel_loop3A_257 = arith.muli %parallel_loop3A_247, %parallel_loop3A_256 : vector<16xi32>
        %parallel_loop3A_258 = arith.addi %parallel_loop3A_257, %parallel_loop3A_241 : vector<16xi32>
        tpu.vector_store_idx %arg8[%parallel_loop3A_258], %broadcast_in_dim3A_46 masked %parallel_loop3A_254 {add = true} : memref<126000xf32, #tpu.memory_space<vmem>>[vector<16xi32>], vector<16xf32>, vector<16xi1>
      } {sc.loop_unroll_factor = 5 : i64, sc.parallel_access}
      %mul3A_182 = arith.constant 5 : i32
      %mul3A_183 = arith.muli %mul3A_182, %scan3A_127 : i32
      %add3A_184 = arith.constant 2 : i32
      %add3A_185 = arith.addi %mul3A_183, %add3A_184 : i32
      %add3A_186 = arith.constant 5 : i32
      %add3A_187 = arith.addi %add3A_185, %add3A_186 : i32
      %lt3A_188 = arith.constant 500 : i32
      %lt3A_189 = arith.cmpi slt, %add3A_187, %lt3A_188 : i32
      %convert_element_type3A_190 = arith.extui %lt3A_189 : i1 to i32
      %cond3A_191 = arith.constant 0 : i32
      %cond3A_192 = arith.cmpi ne, %convert_element_type3A_190, %cond3A_191 : i32
      scf.if %cond3A_192 {
        %mul3A_237 = arith.constant 5 : i32
        %mul3A_238 = arith.muli %mul3A_237, %scan3A_127 : i32
        %add3A_239 = arith.constant 2 : i32
        %add3A_240 = arith.addi %mul3A_238, %add3A_239 : i32
        %add3A_241 = arith.constant 5 : i32
        %add3A_242 = arith.addi %add3A_240, %add3A_241 : i32
        %mul3A_243 = arith.constant 320 : i32
        %mul3A_244 = arith.muli %add3A_242, %mul3A_243 : i32
        %dma_start3A_245 = tpu.memref_slice %arg2[%mul3A_244] : memref<160000xi32, #tpu.memory_space<hbm>> -> memref<320xi32, #tpu.memory_space<hbm>>
        %dma_start3A_246 = tpu.memref_slice %arg2[%mul3A_244] : memref<160000xi32, #tpu.memory_space<hbm>> -> memref<320xi32, #tpu.memory_space<hbm>>
        tpu.enqueue_dma source(%dma_start3A_246 : memref<320xi32, #tpu.memory_space<hbm>>) target(%arg11 : memref<320xi32, #tpu.memory_space<vmem>>) target_semaphore(%arg21 : memref<!tpu.dma_semaphore, #tpu.memory_space<semaphore_mem>>)
        %mul3A_247 = arith.constant 320 : i32
        %mul3A_248 = arith.muli %add3A_242, %mul3A_247 : i32
        %dma_start3A_249 = tpu.memref_slice %arg3[%mul3A_248] : memref<160000xi32, #tpu.memory_space<hbm>> -> memref<320xi32, #tpu.memory_space<hbm>>
        %dma_start3A_250 = tpu.memref_slice %arg3[%mul3A_248] : memref<160000xi32, #tpu.memory_space<hbm>> -> memref<320xi32, #tpu.memory_space<hbm>>
        tpu.enqueue_dma source(%dma_start3A_250 : memref<320xi32, #tpu.memory_space<hbm>>) target(%arg16 : memref<320xi32, #tpu.memory_space<vmem>>) target_semaphore(%arg26 : memref<!tpu.dma_semaphore, #tpu.memory_space<semaphore_mem>>)
      } else {
      }
      %dma_wait3A_193 = arith.constant 0 : i32
      %dma_wait3A_194 = tpu.memref_slice %arg2[%dma_wait3A_193] : memref<160000xi32, #tpu.memory_space<hbm>> -> memref<320xi32, #tpu.memory_space<hbm>>
      %dma_wait3A_195 = arith.constant 0 : i32
      %dma_wait3A_196 = tpu.memref_slice %arg2[%dma_wait3A_195] : memref<160000xi32, #tpu.memory_space<hbm>> -> memref<320xi32, #tpu.memory_space<hbm>>
      tpu.wait_dma2 semaphore(%arg22 : memref<!tpu.dma_semaphore, #tpu.memory_space<semaphore_mem>>) src(%dma_wait3A_196 : memref<320xi32, #tpu.memory_space<hbm>>) dst(%arg12 : memref<320xi32, #tpu.memory_space<vmem>>)
      %dma_wait3A_197 = arith.constant 0 : i32
      %dma_wait3A_198 = tpu.memref_slice %arg3[%dma_wait3A_197] : memref<160000xi32, #tpu.memory_space<hbm>> -> memref<320xi32, #tpu.memory_space<hbm>>
      %dma_wait3A_199 = arith.constant 0 : i32
      %dma_wait3A_200 = tpu.memref_slice %arg3[%dma_wait3A_199] : memref<160000xi32, #tpu.memory_space<hbm>> -> memref<320xi32, #tpu.memory_space<hbm>>
      tpu.wait_dma2 semaphore(%arg27 : memref<!tpu.dma_semaphore, #tpu.memory_space<semaphore_mem>>) src(%dma_wait3A_200 : memref<320xi32, #tpu.memory_space<hbm>>) dst(%arg17 : memref<320xi32, #tpu.memory_space<vmem>>)
      %parallel_loop3A_201 = arith.constant 0 : i32
      %parallel_loop3A_202 = arith.constant 20 : i32
      %parallel_loop3A_203 = arith.constant 1 : i32
      scf.for %parallel_loop3A_237 = %parallel_loop3A_201 to %parallel_loop3A_202 step %parallel_loop3A_203  : i32 {
        %parallel_loop3A_238 = arith.constant 16 : i32
        %parallel_loop3A_239 = arith.muli %parallel_loop3A_237, %parallel_loop3A_238 : i32
        %parallel_loop3A_240 = arith.index_cast %parallel_loop3A_239 : i32 to index
        %parallel_loop3A_241 = tpu.vector_load %arg12[%parallel_loop3A_240] {strides = array<i32>} : memref<320xi32, #tpu.memory_space<vmem>>, vector<16xi32>,
        %parallel_loop3A_242 = arith.constant 16 : i32
        %parallel_loop3A_243 = arith.muli %parallel_loop3A_237, %parallel_loop3A_242 : i32
        %parallel_loop3A_244 = arith.index_cast %parallel_loop3A_243 : i32 to index
        %parallel_loop3A_245 = tpu.vector_load %arg17[%parallel_loop3A_244] {strides = array<i32>} : memref<320xi32, #tpu.memory_space<vmem>>, vector<16xi32>,
        %parallel_loop3A_246 = vector.broadcast %mul3A_2 : i32 to vector<16xi32>
        %parallel_loop3A_247 = arith.subi %parallel_loop3A_245, %parallel_loop3A_246 : vector<16xi32>
        %parallel_loop3A_248 = arith.constant 0 : i32
        %parallel_loop3A_249 = vector.broadcast %parallel_loop3A_248 : i32 to vector<16xi32>
        %parallel_loop3A_250 = arith.cmpi sge, %parallel_loop3A_247, %parallel_loop3A_249 : vector<16xi32>
        %parallel_loop3A_251 = arith.constant 63 : i32
        %parallel_loop3A_252 = vector.broadcast %parallel_loop3A_251 : i32 to vector<16xi32>
        %parallel_loop3A_253 = arith.cmpi slt, %parallel_loop3A_247, %parallel_loop3A_252 : vector<16xi32>
        %parallel_loop3A_254 = arith.andi %parallel_loop3A_250, %parallel_loop3A_253 : vector<16xi1>
        %parallel_loop3A_255 = arith.constant 2000 : i32
        %parallel_loop3A_256 = vector.broadcast %parallel_loop3A_255 : i32 to vector<16xi32>
        %parallel_loop3A_257 = arith.muli %parallel_loop3A_247, %parallel_loop3A_256 : vector<16xi32>
        %parallel_loop3A_258 = arith.addi %parallel_loop3A_257, %parallel_loop3A_241 : vector<16xi32>
        tpu.vector_store_idx %arg8[%parallel_loop3A_258], %broadcast_in_dim3A_46 masked %parallel_loop3A_254 {add = true} : memref<126000xf32, #tpu.memory_space<vmem>>[vector<16xi32>], vector<16xf32>, vector<16xi1>
      } {sc.loop_unroll_factor = 5 : i64, sc.parallel_access}
      %mul3A_204 = arith.constant 5 : i32
      %mul3A_205 = arith.muli %mul3A_204, %scan3A_127 : i32
      %add3A_206 = arith.constant 3 : i32
      %add3A_207 = arith.addi %mul3A_205, %add3A_206 : i32
      %add3A_208 = arith.constant 5 : i32
      %add3A_209 = arith.addi %add3A_207, %add3A_208 : i32
      %lt3A_210 = arith.constant 500 : i32
      %lt3A_211 = arith.cmpi slt, %add3A_209, %lt3A_210 : i32
      %convert_element_type3A_212 = arith.extui %lt3A_211 : i1 to i32
      %cond3A_213 = arith.constant 0 : i32
      %cond3A_214 = arith.cmpi ne, %convert_element_type3A_212, %cond3A_213 : i32
      scf.if %cond3A_214 {
        %mul3A_237 = arith.constant 5 : i32
        %mul3A_238 = arith.muli %mul3A_237, %scan3A_127 : i32
        %add3A_239 = arith.constant 3 : i32
        %add3A_240 = arith.addi %mul3A_238, %add3A_239 : i32
        %add3A_241 = arith.constant 5 : i32
        %add3A_242 = arith.addi %add3A_240, %add3A_241 : i32
        %mul3A_243 = arith.constant 320 : i32
        %mul3A_244 = arith.muli %add3A_242, %mul3A_243 : i32
        %dma_start3A_245 = tpu.memref_slice %arg2[%mul3A_244] : memref<160000xi32, #tpu.memory_space<hbm>> -> memref<320xi32, #tpu.memory_space<hbm>>
        %dma_start3A_246 = tpu.memref_slice %arg2[%mul3A_244] : memref<160000xi32, #tpu.memory_space<hbm>> -> memref<320xi32, #tpu.memory_space<hbm>>
        tpu.enqueue_dma source(%dma_start3A_246 : memref<320xi32, #tpu.memory_space<hbm>>) target(%arg12 : memref<320xi32, #tpu.memory_space<vmem>>) target_semaphore(%arg22 : memref<!tpu.dma_semaphore, #tpu.memory_space<semaphore_mem>>)
        %mul3A_247 = arith.constant 320 : i32
        %mul3A_248 = arith.muli %add3A_242, %mul3A_247 : i32
        %dma_start3A_249 = tpu.memref_slice %arg3[%mul3A_248] : memref<160000xi32, #tpu.memory_space<hbm>> -> memref<320xi32, #tpu.memory_space<hbm>>
        %dma_start3A_250 = tpu.memref_slice %arg3[%mul3A_248] : memref<160000xi32, #tpu.memory_space<hbm>> -> memref<320xi32, #tpu.memory_space<hbm>>
        tpu.enqueue_dma source(%dma_start3A_250 : memref<320xi32, #tpu.memory_space<hbm>>) target(%arg17 : memref<320xi32, #tpu.memory_space<vmem>>) target_semaphore(%arg27 : memref<!tpu.dma_semaphore, #tpu.memory_space<semaphore_mem>>)
      } else {
      }
      %dma_wait3A_215 = arith.constant 0 : i32
      %dma_wait3A_216 = tpu.memref_slice %arg2[%dma_wait3A_215] : memref<160000xi32, #tpu.memory_space<hbm>> -> memref<320xi32, #tpu.memory_space<hbm>>
      %dma_wait3A_217 = arith.constant 0 : i32
      %dma_wait3A_218 = tpu.memref_slice %arg2[%dma_wait3A_217] : memref<160000xi32, #tpu.memory_space<hbm>> -> memref<320xi32, #tpu.memory_space<hbm>>
      tpu.wait_dma2 semaphore(%arg23 : memref<!tpu.dma_semaphore, #tpu.memory_space<semaphore_mem>>) src(%dma_wait3A_218 : memref<320xi32, #tpu.memory_space<hbm>>) dst(%arg13 : memref<320xi32, #tpu.memory_space<vmem>>)
      %dma_wait3A_219 = arith.constant 0 : i32
      %dma_wait3A_220 = tpu.memref_slice %arg3[%dma_wait3A_219] : memref<160000xi32, #tpu.memory_space<hbm>> -> memref<320xi32, #tpu.memory_space<hbm>>
      %dma_wait3A_221 = arith.constant 0 : i32
      %dma_wait3A_222 = tpu.memref_slice %arg3[%dma_wait3A_221] : memref<160000xi32, #tpu.memory_space<hbm>> -> memref<320xi32, #tpu.memory_space<hbm>>
      tpu.wait_dma2 semaphore(%arg28 : memref<!tpu.dma_semaphore, #tpu.memory_space<semaphore_mem>>) src(%dma_wait3A_222 : memref<320xi32, #tpu.memory_space<hbm>>) dst(%arg18 : memref<320xi32, #tpu.memory_space<vmem>>)
      %parallel_loop3A_223 = arith.constant 0 : i32
      %parallel_loop3A_224 = arith.constant 20 : i32
      %parallel_loop3A_225 = arith.constant 1 : i32
      scf.for %parallel_loop3A_237 = %parallel_loop3A_223 to %parallel_loop3A_224 step %parallel_loop3A_225  : i32 {
        %parallel_loop3A_238 = arith.constant 16 : i32
        %parallel_loop3A_239 = arith.muli %parallel_loop3A_237, %parallel_loop3A_238 : i32
        %parallel_loop3A_240 = arith.index_cast %parallel_loop3A_239 : i32 to index
        %parallel_loop3A_241 = tpu.vector_load %arg13[%parallel_loop3A_240] {strides = array<i32>} : memref<320xi32, #tpu.memory_space<vmem>>, vector<16xi32>,
        %parallel_loop3A_242 = arith.constant 16 : i32
        %parallel_loop3A_243 = arith.muli %parallel_loop3A_237, %parallel_loop3A_242 : i32
        %parallel_loop3A_244 = arith.index_cast %parallel_loop3A_243 : i32 to index
        %parallel_loop3A_245 = tpu.vector_load %arg18[%parallel_loop3A_244] {strides = array<i32>} : memref<320xi32, #tpu.memory_space<vmem>>, vector<16xi32>,
        %parallel_loop3A_246 = vector.broadcast %mul3A_2 : i32 to vector<16xi32>
        %parallel_loop3A_247 = arith.subi %parallel_loop3A_245, %parallel_loop3A_246 : vector<16xi32>
        %parallel_loop3A_248 = arith.constant 0 : i32
        %parallel_loop3A_249 = vector.broadcast %parallel_loop3A_248 : i32 to vector<16xi32>
        %parallel_loop3A_250 = arith.cmpi sge, %parallel_loop3A_247, %parallel_loop3A_249 : vector<16xi32>
        %parallel_loop3A_251 = arith.constant 63 : i32
        %parallel_loop3A_252 = vector.broadcast %parallel_loop3A_251 : i32 to vector<16xi32>
        %parallel_loop3A_253 = arith.cmpi slt, %parallel_loop3A_247, %parallel_loop3A_252 : vector<16xi32>
        %parallel_loop3A_254 = arith.andi %parallel_loop3A_250, %parallel_loop3A_253 : vector<16xi1>
        %parallel_loop3A_255 = arith.constant 2000 : i32
        %parallel_loop3A_256 = vector.broadcast %parallel_loop3A_255 : i32 to vector<16xi32>
        %parallel_loop3A_257 = arith.muli %parallel_loop3A_247, %parallel_loop3A_256 : vector<16xi32>
        %parallel_loop3A_258 = arith.addi %parallel_loop3A_257, %parallel_loop3A_241 : vector<16xi32>
        tpu.vector_store_idx %arg8[%parallel_loop3A_258], %broadcast_in_dim3A_46 masked %parallel_loop3A_254 {add = true} : memref<126000xf32, #tpu.memory_space<vmem>>[vector<16xi32>], vector<16xf32>, vector<16xi1>
      } {sc.loop_unroll_factor = 5 : i64, sc.parallel_access}
      %mul3A_226 = arith.constant 5 : i32
      %mul3A_227 = arith.muli %mul3A_226, %scan3A_127 : i32
      %add3A_228 = arith.constant 4 : i32
      %add3A_229 = arith.addi %mul3A_227, %add3A_228 : i32
      %add3A_230 = arith.constant 5 : i32
      %add3A_231 = arith.addi %add3A_229, %add3A_230 : i32
      %lt3A_232 = arith.constant 500 : i32
      %lt3A_233 = arith.cmpi slt, %add3A_231, %lt3A_232 : i32
      %convert_element_type3A_234 = arith.extui %lt3A_233 : i1 to i32
      %cond3A_235 = arith.constant 0 : i32
      %cond3A_236 = arith.cmpi ne, %convert_element_type3A_234, %cond3A_235 : i32
      scf.if %cond3A_236 {
        %mul3A_237 = arith.constant 5 : i32
        %mul3A_238 = arith.muli %mul3A_237, %scan3A_127 : i32
        %add3A_239 = arith.constant 4 : i32
        %add3A_240 = arith.addi %mul3A_238, %add3A_239 : i32
        %add3A_241 = arith.constant 5 : i32
        %add3A_242 = arith.addi %add3A_240, %add3A_241 : i32
        %mul3A_243 = arith.constant 320 : i32
        %mul3A_244 = arith.muli %add3A_242, %mul3A_243 : i32
        %dma_start3A_245 = tpu.memref_slice %arg2[%mul3A_244] : memref<160000xi32, #tpu.memory_space<hbm>> -> memref<320xi32, #tpu.memory_space<hbm>>
        %dma_start3A_246 = tpu.memref_slice %arg2[%mul3A_244] : memref<160000xi32, #tpu.memory_space<hbm>> -> memref<320xi32, #tpu.memory_space<hbm>>
        tpu.enqueue_dma source(%dma_start3A_246 : memref<320xi32, #tpu.memory_space<hbm>>) target(%arg13 : memref<320xi32, #tpu.memory_space<vmem>>) target_semaphore(%arg23 : memref<!tpu.dma_semaphore, #tpu.memory_space<semaphore_mem>>)
        %mul3A_247 = arith.constant 320 : i32
        %mul3A_248 = arith.muli %add3A_242, %mul3A_247 : i32
        %dma_start3A_249 = tpu.memref_slice %arg3[%mul3A_248] : memref<160000xi32, #tpu.memory_space<hbm>> -> memref<320xi32, #tpu.memory_space<hbm>>
        %dma_start3A_250 = tpu.memref_slice %arg3[%mul3A_248] : memref<160000xi32, #tpu.memory_space<hbm>> -> memref<320xi32, #tpu.memory_space<hbm>>
        tpu.enqueue_dma source(%dma_start3A_250 : memref<320xi32, #tpu.memory_space<hbm>>) target(%arg18 : memref<320xi32, #tpu.memory_space<vmem>>) target_semaphore(%arg28 : memref<!tpu.dma_semaphore, #tpu.memory_space<semaphore_mem>>)
      } else {
      }
    }
    %scan3A_51 = arith.constant 100 : i32
    %parallel_loop3A_52 = arith.constant 0 : i32
    %parallel_loop3A_53 = arith.constant 63 : i32
    %parallel_loop3A_54 = arith.constant 1 : i32
    scf.for %parallel_loop3A_127 = %parallel_loop3A_52 to %parallel_loop3A_53 step %parallel_loop3A_54  : i32 {
      %parallel_loop3A_128 = arith.constant 0.000000e+00 : f32
      %parallel_loop3A_129 = vector.broadcast %parallel_loop3A_128 : f32 to vector<16xf32>
      %parallel_loop3A_130 = arith.constant 0.000000e+00 : f32
      %parallel_loop3A_131 = vector.broadcast %parallel_loop3A_130 : f32 to vector<16xf32>
      %parallel_loop3A_132 = arith.constant 0.000000e+00 : f32
      %parallel_loop3A_133 = vector.broadcast %parallel_loop3A_132 : f32 to vector<16xf32>
      %parallel_loop3A_134 = arith.constant 0.000000e+00 : f32
      %parallel_loop3A_135 = vector.broadcast %parallel_loop3A_134 : f32 to vector<16xf32>
      %parallel_loop3A_136 = arith.constant 0.000000e+00 : f32
      %parallel_loop3A_137 = vector.broadcast %parallel_loop3A_136 : f32 to vector<16xf32>
      %parallel_loop3A_138 = arith.constant 0 : i32
      %parallel_loop3A_139 = arith.constant 24 : i32
      %parallel_loop3A_140 = arith.addi %parallel_loop3A_138, %parallel_loop3A_139 : i32
      %parallel_loop3A_141 = arith.constant 2 : i32
      %parallel_loop3A_142:5 = scf.for %scan3A_194 = %parallel_loop3A_138 to %parallel_loop3A_140 step %parallel_loop3A_141 iter_args(%scan3A_195 = %parallel_loop3A_129, %scan3A_196 = %parallel_loop3A_131, %scan3A_197 = %parallel_loop3A_133, %scan3A_198 = %parallel_loop3A_135, %scan3A_199 = %parallel_loop3A_137) -> (vector<16xf32>, vector<16xf32>, vector<16xf32>, vector<16xf32>, vector<16xf32>)  : i32 {
        %parallel_loop3A_200 = arith.constant 2000 : i32
        %parallel_loop3A_201 = arith.muli %parallel_loop3A_127, %parallel_loop3A_200 : i32
        %parallel_loop3A_202 = arith.constant 80 : i32
        %parallel_loop3A_203 = arith.muli %scan3A_194, %parallel_loop3A_202 : i32
        %parallel_loop3A_204 = arith.addi %parallel_loop3A_201, %parallel_loop3A_203 : i32
        %parallel_loop3A_205 = arith.constant 0 : i32
        %parallel_loop3A_206 = arith.addi %parallel_loop3A_204, %parallel_loop3A_205 : i32
        %parallel_loop3A_207 = arith.index_cast %parallel_loop3A_206 : i32 to index
        %parallel_loop3A_208 = tpu.vector_load %arg8[%parallel_loop3A_207] {strides = array<i32>} : memref<126000xf32, #tpu.memory_space<vmem>>, vector<16xf32>,
        %parallel_loop3A_209 = arith.addf %scan3A_195, %parallel_loop3A_208 : vector<16xf32>
        %parallel_loop3A_210 = arith.constant 16 : i32
        %parallel_loop3A_211 = arith.addi %parallel_loop3A_204, %parallel_loop3A_210 : i32
        %parallel_loop3A_212 = arith.index_cast %parallel_loop3A_211 : i32 to index
        %parallel_loop3A_213 = tpu.vector_load %arg8[%parallel_loop3A_212] {strides = array<i32>} : memref<126000xf32, #tpu.memory_space<vmem>>, vector<16xf32>,
        %parallel_loop3A_214 = arith.addf %scan3A_196, %parallel_loop3A_213 : vector<16xf32>
        %parallel_loop3A_215 = arith.constant 32 : i32
        %parallel_loop3A_216 = arith.addi %parallel_loop3A_204, %parallel_loop3A_215 : i32
        %parallel_loop3A_217 = arith.index_cast %parallel_loop3A_216 : i32 to index
        %parallel_loop3A_218 = tpu.vector_load %arg8[%parallel_loop3A_217] {strides = array<i32>} : memref<126000xf32, #tpu.memory_space<vmem>>, vector<16xf32>,
        %parallel_loop3A_219 = arith.addf %scan3A_197, %parallel_loop3A_218 : vector<16xf32>
        %parallel_loop3A_220 = arith.constant 48 : i32
        %parallel_loop3A_221 = arith.addi %parallel_loop3A_204, %parallel_loop3A_220 : i32
        %parallel_loop3A_222 = arith.index_cast %parallel_loop3A_221 : i32 to index
        %parallel_loop3A_223 = tpu.vector_load %arg8[%parallel_loop3A_222] {strides = array<i32>} : memref<126000xf32, #tpu.memory_space<vmem>>, vector<16xf32>,
        %parallel_loop3A_224 = arith.addf %scan3A_198, %parallel_loop3A_223 : vector<16xf32>
        %parallel_loop3A_225 = arith.constant 64 : i32
        %parallel_loop3A_226 = arith.addi %parallel_loop3A_204, %parallel_loop3A_225 : i32
        %parallel_loop3A_227 = arith.index_cast %parallel_loop3A_226 : i32 to index
        %parallel_loop3A_228 = tpu.vector_load %arg8[%parallel_loop3A_227] {strides = array<i32>} : memref<126000xf32, #tpu.memory_space<vmem>>, vector<16xf32>,
        %parallel_loop3A_229 = arith.addf %scan3A_199, %parallel_loop3A_228 : vector<16xf32>
        %parallel_loop3A_230 = arith.constant 1 : i32
        %parallel_loop3A_231 = arith.addi %scan3A_194, %parallel_loop3A_230 : i32
        %parallel_loop3A_232 = arith.constant 2000 : i32
        %parallel_loop3A_233 = arith.muli %parallel_loop3A_127, %parallel_loop3A_232 : i32
        %parallel_loop3A_234 = arith.constant 80 : i32
        %parallel_loop3A_235 = arith.muli %parallel_loop3A_231, %parallel_loop3A_234 : i32
        %parallel_loop3A_236 = arith.addi %parallel_loop3A_233, %parallel_loop3A_235 : i32
        %parallel_loop3A_237 = arith.constant 0 : i32
        %parallel_loop3A_238 = arith.addi %parallel_loop3A_236, %parallel_loop3A_237 : i32
        %parallel_loop3A_239 = arith.index_cast %parallel_loop3A_238 : i32 to index
        %parallel_loop3A_240 = tpu.vector_load %arg8[%parallel_loop3A_239] {strides = array<i32>} : memref<126000xf32, #tpu.memory_space<vmem>>, vector<16xf32>,
        %parallel_loop3A_241 = arith.addf %parallel_loop3A_209, %parallel_loop3A_240 : vector<16xf32>
        %parallel_loop3A_242 = arith.constant 16 : i32
        %parallel_loop3A_243 = arith.addi %parallel_loop3A_236, %parallel_loop3A_242 : i32
        %parallel_loop3A_244 = arith.index_cast %parallel_loop3A_243 : i32 to index
        %parallel_loop3A_245 = tpu.vector_load %arg8[%parallel_loop3A_244] {strides = array<i32>} : memref<126000xf32, #tpu.memory_space<vmem>>, vector<16xf32>,
        %parallel_loop3A_246 = arith.addf %parallel_loop3A_214, %parallel_loop3A_245 : vector<16xf32>
        %parallel_loop3A_247 = arith.constant 32 : i32
        %parallel_loop3A_248 = arith.addi %parallel_loop3A_236, %parallel_loop3A_247 : i32
        %parallel_loop3A_249 = arith.index_cast %parallel_loop3A_248 : i32 to index
        %parallel_loop3A_250 = tpu.vector_load %arg8[%parallel_loop3A_249] {strides = array<i32>} : memref<126000xf32, #tpu.memory_space<vmem>>, vector<16xf32>,
        %parallel_loop3A_251 = arith.addf %parallel_loop3A_219, %parallel_loop3A_250 : vector<16xf32>
        %parallel_loop3A_252 = arith.constant 48 : i32
        %parallel_loop3A_253 = arith.addi %parallel_loop3A_236, %parallel_loop3A_252 : i32
        %parallel_loop3A_254 = arith.index_cast %parallel_loop3A_253 : i32 to index
        %parallel_loop3A_255 = tpu.vector_load %arg8[%parallel_loop3A_254] {strides = array<i32>} : memref<126000xf32, #tpu.memory_space<vmem>>, vector<16xf32>,
        %parallel_loop3A_256 = arith.addf %parallel_loop3A_224, %parallel_loop3A_255 : vector<16xf32>
        %parallel_loop3A_257 = arith.constant 64 : i32
        %parallel_loop3A_258 = arith.addi %parallel_loop3A_236, %parallel_loop3A_257 : i32
        %parallel_loop3A_259 = arith.index_cast %parallel_loop3A_258 : i32 to index
        %parallel_loop3A_260 = tpu.vector_load %arg8[%parallel_loop3A_259] {strides = array<i32>} : memref<126000xf32, #tpu.memory_space<vmem>>, vector<16xf32>,
        %parallel_loop3A_261 = arith.addf %parallel_loop3A_229, %parallel_loop3A_260 : vector<16xf32>
        scf.yield %parallel_loop3A_241, %parallel_loop3A_246, %parallel_loop3A_251, %parallel_loop3A_256, %parallel_loop3A_261 : vector<16xf32>, vector<16xf32>, vector<16xf32>, vector<16xf32>, vector<16xf32>
      }
      %parallel_loop3A_143 = arith.constant 24 : i32
      %parallel_loop3A_144 = arith.addi %parallel_loop3A_138, %parallel_loop3A_143 : i32
      %parallel_loop3A_145 = arith.constant 2000 : i32
      %parallel_loop3A_146 = arith.muli %parallel_loop3A_127, %parallel_loop3A_145 : i32
      %parallel_loop3A_147 = arith.constant 80 : i32
      %parallel_loop3A_148 = arith.muli %parallel_loop3A_144, %parallel_loop3A_147 : i32
      %parallel_loop3A_149 = arith.addi %parallel_loop3A_146, %parallel_loop3A_148 : i32
      %parallel_loop3A_150 = arith.constant 0 : i32
      %parallel_loop3A_151 = arith.addi %parallel_loop3A_149, %parallel_loop3A_150 : i32
      %parallel_loop3A_152 = arith.index_cast %parallel_loop3A_151 : i32 to index
      %parallel_loop3A_153 = tpu.vector_load %arg8[%parallel_loop3A_152] {strides = array<i32>} : memref<126000xf32, #tpu.memory_space<vmem>>, vector<16xf32>,
      %parallel_loop3A_154 = arith.addf %parallel_loop3A_142#0, %parallel_loop3A_153 : vector<16xf32>
      %parallel_loop3A_155 = arith.constant 16 : i32
      %parallel_loop3A_156 = arith.addi %parallel_loop3A_149, %parallel_loop3A_155 : i32
      %parallel_loop3A_157 = arith.index_cast %parallel_loop3A_156 : i32 to index
      %parallel_loop3A_158 = tpu.vector_load %arg8[%parallel_loop3A_157] {strides = array<i32>} : memref<126000xf32, #tpu.memory_space<vmem>>, vector<16xf32>,
      %parallel_loop3A_159 = arith.addf %parallel_loop3A_142#1, %parallel_loop3A_158 : vector<16xf32>
      %parallel_loop3A_160 = arith.constant 32 : i32
      %parallel_loop3A_161 = arith.addi %parallel_loop3A_149, %parallel_loop3A_160 : i32
      %parallel_loop3A_162 = arith.index_cast %parallel_loop3A_161 : i32 to index
      %parallel_loop3A_163 = tpu.vector_load %arg8[%parallel_loop3A_162] {strides = array<i32>} : memref<126000xf32, #tpu.memory_space<vmem>>, vector<16xf32>,
      %parallel_loop3A_164 = arith.addf %parallel_loop3A_142#2, %parallel_loop3A_163 : vector<16xf32>
      %parallel_loop3A_165 = arith.constant 48 : i32
      %parallel_loop3A_166 = arith.addi %parallel_loop3A_149, %parallel_loop3A_165 : i32
      %parallel_loop3A_167 = arith.index_cast %parallel_loop3A_166 : i32 to index
      %parallel_loop3A_168 = tpu.vector_load %arg8[%parallel_loop3A_167] {strides = array<i32>} : memref<126000xf32, #tpu.memory_space<vmem>>, vector<16xf32>,
      %parallel_loop3A_169 = arith.addf %parallel_loop3A_142#3, %parallel_loop3A_168 : vector<16xf32>
      %parallel_loop3A_170 = arith.constant 64 : i32
      %parallel_loop3A_171 = arith.addi %parallel_loop3A_149, %parallel_loop3A_170 : i32
      %parallel_loop3A_172 = arith.index_cast %parallel_loop3A_171 : i32 to index
      %parallel_loop3A_173 = tpu.vector_load %arg8[%parallel_loop3A_172] {strides = array<i32>} : memref<126000xf32, #tpu.memory_space<vmem>>, vector<16xf32>,
      %parallel_loop3A_174 = arith.addf %parallel_loop3A_142#4, %parallel_loop3A_173 : vector<16xf32>
      %parallel_loop3A_175 = arith.constant 25 : i32
      %parallel_loop3A_176 = arith.addf %parallel_loop3A_154, %parallel_loop3A_159 : vector<16xf32>
      %parallel_loop3A_177 = arith.addf %parallel_loop3A_164, %parallel_loop3A_169 : vector<16xf32>
      %parallel_loop3A_178 = arith.addf %parallel_loop3A_176, %parallel_loop3A_177 : vector<16xf32>
      %parallel_loop3A_179 = arith.addf %parallel_loop3A_178, %parallel_loop3A_174 : vector<16xf32>
      %parallel_loop3A_180 = arith.constant true
      %parallel_loop3A_181 = vector.broadcast %parallel_loop3A_180 : i1 to vector<16xi1>
      %parallel_loop3A_182 = tpu.scan <sum>, %parallel_loop3A_179 masked %parallel_loop3A_181 : vector<16xf32>, vector<16xi1> -> vector<16xf32>
      %parallel_loop3A_183 = vector.extract %parallel_loop3A_182[15] : f32 from vector<16xf32>
      %parallel_loop3A_184 = vector.broadcast %parallel_loop3A_183 : f32 to vector<16xf32>
      %parallel_loop3A_185 = arith.constant 1.000000e+00 : f32
      %parallel_loop3A_186 = vector.broadcast %parallel_loop3A_185 : f32 to vector<16xf32>
      %parallel_loop3A_187 = arith.constant 1.000000e+00 : f32
      %parallel_loop3A_188 = vector.broadcast %parallel_loop3A_187 : f32 to vector<16xf32>
      %parallel_loop3A_189 = arith.maximumf %parallel_loop3A_184, %parallel_loop3A_188 : vector<16xf32>
      %parallel_loop3A_190 = arith.divf %parallel_loop3A_186, %parallel_loop3A_189 : vector<16xf32>
      %parallel_loop3A_191 = arith.constant 0 : i32
      %parallel_loop3A_192 = arith.constant 125 : i32
      %parallel_loop3A_193 = arith.constant 1 : i32
      scf.for %parallel_loop3A_194 = %parallel_loop3A_191 to %parallel_loop3A_192 step %parallel_loop3A_193  : i32 {
        %parallel_loop3A_195 = arith.constant 2000 : i32
        %parallel_loop3A_196 = arith.muli %parallel_loop3A_127, %parallel_loop3A_195 : i32
        %parallel_loop3A_197 = arith.constant 16 : i32
        %parallel_loop3A_198 = arith.muli %parallel_loop3A_194, %parallel_loop3A_197 : i32
        %parallel_loop3A_199 = arith.addi %parallel_loop3A_196, %parallel_loop3A_198 : i32
        %parallel_loop3A_200 = arith.index_cast %parallel_loop3A_199 : i32 to index
        %parallel_loop3A_201 = tpu.vector_load %arg8[%parallel_loop3A_200] {strides = array<i32>} : memref<126000xf32, #tpu.memory_space<vmem>>, vector<16xf32>,
        %parallel_loop3A_202 = arith.mulf %parallel_loop3A_201, %parallel_loop3A_190 : vector<16xf32>
        %parallel_loop3A_203 = arith.index_cast %parallel_loop3A_199 : i32 to index
        %parallel_loop3A_204 = tpu.vector_load %arg8[%parallel_loop3A_203] {strides = array<i32>} : memref<126000xf32, #tpu.memory_space<vmem>>, vector<16xf32>,
        tpu.vector_store %arg8[%parallel_loop3A_203], %parallel_loop3A_202 {strides = array<i32>} : memref<126000xf32, #tpu.memory_space<vmem>>, vector<16xf32>,
      } {sc.loop_unroll_factor = 5 : i64, sc.parallel_access}
    } {sc.loop_unroll_factor = 1 : i64, sc.parallel_access}
    %lt3A = arith.constant 31 : i32
    %lt3A_55 = arith.cmpi slt, %add3A, %lt3A : i32
    %convert_element_type3A = arith.extui %lt3A_55 : i1 to i32
    %cond3A = arith.constant 0 : i32
    %cond3A_56 = arith.cmpi ne, %convert_element_type3A, %cond3A : i32
    scf.if %cond3A_56 {
      %mul3A_127 = arith.constant 2000 : i32
      %mul3A_128 = arith.muli %mul3A_2, %mul3A_127 : i32
      "tpu.region"() ({
        %run_scoped3A = tpu.sem_alloc : memref<!tpu.dma_semaphore, #tpu.memory_space<semaphore_mem>>
        %dma_start3A_129 = tpu.memref_slice %arg6[%mul3A_128] : memref<4000000xf32, #tpu.memory_space<hbm>> -> memref<126000xf32, #tpu.memory_space<hbm>>
        %dma_start3A_130 = tpu.memref_slice %arg6[%mul3A_128] : memref<4000000xf32, #tpu.memory_space<hbm>> -> memref<126000xf32, #tpu.memory_space<hbm>>
        tpu.enqueue_dma source(%arg8 : memref<126000xf32, #tpu.memory_space<vmem>>) target(%dma_start3A_130 : memref<126000xf32, #tpu.memory_space<hbm>>) target_semaphore(%run_scoped3A : memref<!tpu.dma_semaphore, #tpu.memory_space<semaphore_mem>>)
        %dma_wait3A = tpu.memref_slice %arg6[%mul3A_128] : memref<4000000xf32, #tpu.memory_space<hbm>> -> memref<126000xf32, #tpu.memory_space<hbm>>
        %dma_wait3A_131 = tpu.memref_slice %arg6[%mul3A_128] : memref<4000000xf32, #tpu.memory_space<hbm>> -> memref<126000xf32, #tpu.memory_space<hbm>>
        tpu.wait_dma2 semaphore(%run_scoped3A : memref<!tpu.dma_semaphore, #tpu.memory_space<semaphore_mem>>) src(%arg8 : memref<126000xf32, #tpu.memory_space<vmem>>) dst(%dma_wait3A_131 : memref<126000xf32, #tpu.memory_space<hbm>>)
        tpu.yield
      }) : () -> ()
    } else {
    }
    %eq3A = arith.constant 31 : i32
    %eq3A_57 = arith.cmpi eq, %add3A, %eq3A : i32
    %convert_element_type3A_58 = arith.extui %eq3A_57 : i1 to i32
    %cond3A_59 = arith.constant 0 : i32
    %cond3A_60 = arith.cmpi ne, %convert_element_type3A_58, %cond3A_59 : i32
    scf.if %cond3A_60 {
      %mul3A_127 = arith.constant 2000 : i32
      %mul3A_128 = arith.muli %mul3A_2, %mul3A_127 : i32
      "tpu.region"() ({
        %run_scoped3A = tpu.sem_alloc : memref<!tpu.dma_semaphore, #tpu.memory_space<semaphore_mem>>
        %dma_start3A_129 = arith.constant 0 : i32
        %dma_start3A_130 = tpu.memref_slice %arg8[%dma_start3A_129] : memref<126000xf32, #tpu.memory_space<vmem>> -> memref<94000xf32, #tpu.memory_space<vmem>>
        %dma_start3A_131 = tpu.memref_slice %arg6[%mul3A_128] : memref<4000000xf32, #tpu.memory_space<hbm>> -> memref<94000xf32, #tpu.memory_space<hbm>>
        %dma_start3A_132 = tpu.memref_slice %arg6[%mul3A_128] : memref<4000000xf32, #tpu.memory_space<hbm>> -> memref<94000xf32, #tpu.memory_space<hbm>>
        %dma_start3A_133 = arith.constant 0 : i32
        %dma_start3A_134 = tpu.memref_slice %arg8[%dma_start3A_133] : memref<126000xf32, #tpu.memory_space<vmem>> -> memref<94000xf32, #tpu.memory_space<vmem>>
        tpu.enqueue_dma source(%dma_start3A_134 : memref<94000xf32, #tpu.memory_space<vmem>>) target(%dma_start3A_132 : memref<94000xf32, #tpu.memory_space<hbm>>) target_semaphore(%run_scoped3A : memref<!tpu.dma_semaphore, #tpu.memory_space<semaphore_mem>>)
        %dma_wait3A = arith.constant 0 : i32
        %dma_wait3A_135 = tpu.memref_slice %arg8[%dma_wait3A] : memref<126000xf32, #tpu.memory_space<vmem>> -> memref<94000xf32, #tpu.memory_space<vmem>>
        %dma_wait3A_136 = tpu.memref_slice %arg6[%mul3A_128] : memref<4000000xf32, #tpu.memory_space<hbm>> -> memref<94000xf32, #tpu.memory_space<hbm>>
        %dma_wait3A_137 = tpu.memref_slice %arg6[%mul3A_128] : memref<4000000xf32, #tpu.memory_space<hbm>> -> memref<94000xf32, #tpu.memory_space<hbm>>
        %dma_wait3A_138 = arith.constant 0 : i32
        %dma_wait3A_139 = tpu.memref_slice %arg8[%dma_wait3A_138] : memref<126000xf32, #tpu.memory_space<vmem>> -> memref<94000xf32, #tpu.memory_space<vmem>>
        tpu.wait_dma2 semaphore(%run_scoped3A : memref<!tpu.dma_semaphore, #tpu.memory_space<semaphore_mem>>) src(%dma_wait3A_139 : memref<94000xf32, #tpu.memory_space<vmem>>) dst(%dma_wait3A_137 : memref<94000xf32, #tpu.memory_space<hbm>>)
        tpu.yield
      }) : () -> ()
    } else {
    }
    %broadcast_in_dim3A_61 = arith.constant 0.000000e+00 : f32
    %broadcast_in_dim3A_62 = vector.broadcast %broadcast_in_dim3A_61 : f32 to vector<16xf32>
    %parallel_loop3A_63 = arith.constant 0 : i32
    %parallel_loop3A_64 = arith.constant 7875 : i32
    %parallel_loop3A_65 = arith.constant 1 : i32
    scf.for %parallel_loop3A_127 = %parallel_loop3A_63 to %parallel_loop3A_64 step %parallel_loop3A_65  : i32 {
      %parallel_loop3A_128 = arith.constant 16 : i32
      %parallel_loop3A_129 = arith.muli %parallel_loop3A_127, %parallel_loop3A_128 : i32
      %parallel_loop3A_130 = arith.index_cast %parallel_loop3A_129 : i32 to index
      %parallel_loop3A_131 = tpu.vector_load %arg8[%parallel_loop3A_130] {strides = array<i32>} : memref<126000xf32, #tpu.memory_space<vmem>>, vector<16xf32>,
      tpu.vector_store %arg8[%parallel_loop3A_130], %broadcast_in_dim3A_62 {strides = array<i32>} : memref<126000xf32, #tpu.memory_space<vmem>>, vector<16xf32>,
    } {sc.loop_unroll_factor = 8 : i64, sc.parallel_access}
    %dma_start3A_66 = arith.constant 0 : i32
    %dma_start3A_67 = tpu.memref_slice %arg4[%dma_start3A_66] : memref<160000xi32, #tpu.memory_space<hbm>> -> memref<320xi32, #tpu.memory_space<hbm>>
    %dma_start3A_68 = arith.constant 0 : i32
    %dma_start3A_69 = tpu.memref_slice %arg4[%dma_start3A_68] : memref<160000xi32, #tpu.memory_space<hbm>> -> memref<320xi32, #tpu.memory_space<hbm>>
    tpu.enqueue_dma source(%dma_start3A_69 : memref<320xi32, #tpu.memory_space<hbm>>) target(%arg9 : memref<320xi32, #tpu.memory_space<vmem>>) target_semaphore(%arg19 : memref<!tpu.dma_semaphore, #tpu.memory_space<semaphore_mem>>)
    %dma_start3A_70 = arith.constant 0 : i32
    %dma_start3A_71 = tpu.memref_slice %arg5[%dma_start3A_70] : memref<160000xi32, #tpu.memory_space<hbm>> -> memref<320xi32, #tpu.memory_space<hbm>>
    %dma_start3A_72 = arith.constant 0 : i32
    %dma_start3A_73 = tpu.memref_slice %arg5[%dma_start3A_72] : memref<160000xi32, #tpu.memory_space<hbm>> -> memref<320xi32, #tpu.memory_space<hbm>>
    tpu.enqueue_dma source(%dma_start3A_73 : memref<320xi32, #tpu.memory_space<hbm>>) target(%arg14 : memref<320xi32, #tpu.memory_space<vmem>>) target_semaphore(%arg24 : memref<!tpu.dma_semaphore, #tpu.memory_space<semaphore_mem>>)
    %dma_start3A_74 = arith.constant 320 : i32
    %dma_start3A_75 = tpu.memref_slice %arg4[%dma_start3A_74] : memref<160000xi32, #tpu.memory_space<hbm>> -> memref<320xi32, #tpu.memory_space<hbm>>
    %dma_start3A_76 = arith.constant 320 : i32
    %dma_start3A_77 = tpu.memref_slice %arg4[%dma_start3A_76] : memref<160000xi32, #tpu.memory_space<hbm>> -> memref<320xi32, #tpu.memory_space<hbm>>
    tpu.enqueue_dma source(%dma_start3A_77 : memref<320xi32, #tpu.memory_space<hbm>>) target(%arg10 : memref<320xi32, #tpu.memory_space<vmem>>) target_semaphore(%arg20 : memref<!tpu.dma_semaphore, #tpu.memory_space<semaphore_mem>>)
    %dma_start3A_78 = arith.constant 320 : i32
    %dma_start3A_79 = tpu.memref_slice %arg5[%dma_start3A_78] : memref<160000xi32, #tpu.memory_space<hbm>> -> memref<320xi32, #tpu.memory_space<hbm>>
    %dma_start3A_80 = arith.constant 320 : i32
    %dma_start3A_81 = tpu.memref_slice %arg5[%dma_start3A_80] : memref<160000xi32, #tpu.memory_space<hbm>> -> memref<320xi32, #tpu.memory_space<hbm>>
    tpu.enqueue_dma source(%dma_start3A_81 : memref<320xi32, #tpu.memory_space<hbm>>) target(%arg15 : memref<320xi32, #tpu.memory_space<vmem>>) target_semaphore(%arg25 : memref<!tpu.dma_semaphore, #tpu.memory_space<semaphore_mem>>)
    %dma_start3A_82 = arith.constant 640 : i32
    %dma_start3A_83 = tpu.memref_slice %arg4[%dma_start3A_82] : memref<160000xi32, #tpu.memory_space<hbm>> -> memref<320xi32, #tpu.memory_space<hbm>>
    %dma_start3A_84 = arith.constant 640 : i32
    %dma_start3A_85 = tpu.memref_slice %arg4[%dma_start3A_84] : memref<160000xi32, #tpu.memory_space<hbm>> -> memref<320xi32, #tpu.memory_space<hbm>>
    tpu.enqueue_dma source(%dma_start3A_85 : memref<320xi32, #tpu.memory_space<hbm>>) target(%arg11 : memref<320xi32, #tpu.memory_space<vmem>>) target_semaphore(%arg21 : memref<!tpu.dma_semaphore, #tpu.memory_space<semaphore_mem>>)
    %dma_start3A_86 = arith.constant 640 : i32
    %dma_start3A_87 = tpu.memref_slice %arg5[%dma_start3A_86] : memref<160000xi32, #tpu.memory_space<hbm>> -> memref<320xi32, #tpu.memory_space<hbm>>
    %dma_start3A_88 = arith.constant 640 : i32
    %dma_start3A_89 = tpu.memref_slice %arg5[%dma_start3A_88] : memref<160000xi32, #tpu.memory_space<hbm>> -> memref<320xi32, #tpu.memory_space<hbm>>
    tpu.enqueue_dma source(%dma_start3A_89 : memref<320xi32, #tpu.memory_space<hbm>>) target(%arg16 : memref<320xi32, #tpu.memory_space<vmem>>) target_semaphore(%arg26 : memref<!tpu.dma_semaphore, #tpu.memory_space<semaphore_mem>>)
    %dma_start3A_90 = arith.constant 960 : i32
    %dma_start3A_91 = tpu.memref_slice %arg4[%dma_start3A_90] : memref<160000xi32, #tpu.memory_space<hbm>> -> memref<320xi32, #tpu.memory_space<hbm>>
    %dma_start3A_92 = arith.constant 960 : i32
    %dma_start3A_93 = tpu.memref_slice %arg4[%dma_start3A_92] : memref<160000xi32, #tpu.memory_space<hbm>> -> memref<320xi32, #tpu.memory_space<hbm>>
    tpu.enqueue_dma source(%dma_start3A_93 : memref<320xi32, #tpu.memory_space<hbm>>) target(%arg12 : memref<320xi32, #tpu.memory_space<vmem>>) target_semaphore(%arg22 : memref<!tpu.dma_semaphore, #tpu.memory_space<semaphore_mem>>)
    %dma_start3A_94 = arith.constant 960 : i32
    %dma_start3A_95 = tpu.memref_slice %arg5[%dma_start3A_94] : memref<160000xi32, #tpu.memory_space<hbm>> -> memref<320xi32, #tpu.memory_space<hbm>>
    %dma_start3A_96 = arith.constant 960 : i32
    %dma_start3A_97 = tpu.memref_slice %arg5[%dma_start3A_96] : memref<160000xi32, #tpu.memory_space<hbm>> -> memref<320xi32, #tpu.memory_space<hbm>>
    tpu.enqueue_dma source(%dma_start3A_97 : memref<320xi32, #tpu.memory_space<hbm>>) target(%arg17 : memref<320xi32, #tpu.memory_space<vmem>>) target_semaphore(%arg27 : memref<!tpu.dma_semaphore, #tpu.memory_space<semaphore_mem>>)
    %dma_start3A_98 = arith.constant 1280 : i32
    %dma_start3A_99 = tpu.memref_slice %arg4[%dma_start3A_98] : memref<160000xi32, #tpu.memory_space<hbm>> -> memref<320xi32, #tpu.memory_space<hbm>>
    %dma_start3A_100 = arith.constant 1280 : i32
    %dma_start3A_101 = tpu.memref_slice %arg4[%dma_start3A_100] : memref<160000xi32, #tpu.memory_space<hbm>> -> memref<320xi32, #tpu.memory_space<hbm>>
    tpu.enqueue_dma source(%dma_start3A_101 : memref<320xi32, #tpu.memory_space<hbm>>) target(%arg13 : memref<320xi32, #tpu.memory_space<vmem>>) target_semaphore(%arg23 : memref<!tpu.dma_semaphore, #tpu.memory_space<semaphore_mem>>)
    %dma_start3A_102 = arith.constant 1280 : i32
    %dma_start3A_103 = tpu.memref_slice %arg5[%dma_start3A_102] : memref<160000xi32, #tpu.memory_space<hbm>> -> memref<320xi32, #tpu.memory_space<hbm>>
    %dma_start3A_104 = arith.constant 1280 : i32
    %dma_start3A_105 = tpu.memref_slice %arg5[%dma_start3A_104] : memref<160000xi32, #tpu.memory_space<hbm>> -> memref<320xi32, #tpu.memory_space<hbm>>
    tpu.enqueue_dma source(%dma_start3A_105 : memref<320xi32, #tpu.memory_space<hbm>>) target(%arg18 : memref<320xi32, #tpu.memory_space<vmem>>) target_semaphore(%arg28 : memref<!tpu.dma_semaphore, #tpu.memory_space<semaphore_mem>>)
    %broadcast_in_dim3A_106 = arith.constant 1.000000e+00 : f32
    %broadcast_in_dim3A_107 = vector.broadcast %broadcast_in_dim3A_106 : f32 to vector<16xf32>
    %scan3A_108 = arith.constant 0 : i32
    %scan3A_109 = arith.constant 0 : i32
    %scan3A_110 = arith.constant 100 : i32
    %scan3A_111 = arith.addi %scan3A_109, %scan3A_110 : i32
    %scan3A_112 = arith.constant 1 : i32
    scf.for %scan3A_127 = %scan3A_109 to %scan3A_111 step %scan3A_112  : i32 {
      %dma_wait3A = arith.constant 0 : i32
      %dma_wait3A_128 = tpu.memref_slice %arg4[%dma_wait3A] : memref<160000xi32, #tpu.memory_space<hbm>> -> memref<320xi32, #tpu.memory_space<hbm>>
      %dma_wait3A_129 = arith.constant 0 : i32
      %dma_wait3A_130 = tpu.memref_slice %arg4[%dma_wait3A_129] : memref<160000xi32, #tpu.memory_space<hbm>> -> memref<320xi32, #tpu.memory_space<hbm>>
      tpu.wait_dma2 semaphore(%arg19 : memref<!tpu.dma_semaphore, #tpu.memory_space<semaphore_mem>>) src(%dma_wait3A_130 : memref<320xi32, #tpu.memory_space<hbm>>) dst(%arg9 : memref<320xi32, #tpu.memory_space<vmem>>)
      %dma_wait3A_131 = arith.constant 0 : i32
      %dma_wait3A_132 = tpu.memref_slice %arg5[%dma_wait3A_131] : memref<160000xi32, #tpu.memory_space<hbm>> -> memref<320xi32, #tpu.memory_space<hbm>>
      %dma_wait3A_133 = arith.constant 0 : i32
      %dma_wait3A_134 = tpu.memref_slice %arg5[%dma_wait3A_133] : memref<160000xi32, #tpu.memory_space<hbm>> -> memref<320xi32, #tpu.memory_space<hbm>>
      tpu.wait_dma2 semaphore(%arg24 : memref<!tpu.dma_semaphore, #tpu.memory_space<semaphore_mem>>) src(%dma_wait3A_134 : memref<320xi32, #tpu.memory_space<hbm>>) dst(%arg14 : memref<320xi32, #tpu.memory_space<vmem>>)
      %parallel_loop3A_135 = arith.constant 0 : i32
      %parallel_loop3A_136 = arith.constant 20 : i32
      %parallel_loop3A_137 = arith.constant 1 : i32
      scf.for %parallel_loop3A_237 = %parallel_loop3A_135 to %parallel_loop3A_136 step %parallel_loop3A_137  : i32 {
        %parallel_loop3A_238 = arith.constant 16 : i32
        %parallel_loop3A_239 = arith.muli %parallel_loop3A_237, %parallel_loop3A_238 : i32
        %parallel_loop3A_240 = arith.index_cast %parallel_loop3A_239 : i32 to index
        %parallel_loop3A_241 = tpu.vector_load %arg9[%parallel_loop3A_240] {strides = array<i32>} : memref<320xi32, #tpu.memory_space<vmem>>, vector<16xi32>,
        %parallel_loop3A_242 = arith.constant 16 : i32
        %parallel_loop3A_243 = arith.muli %parallel_loop3A_237, %parallel_loop3A_242 : i32
        %parallel_loop3A_244 = arith.index_cast %parallel_loop3A_243 : i32 to index
        %parallel_loop3A_245 = tpu.vector_load %arg14[%parallel_loop3A_244] {strides = array<i32>} : memref<320xi32, #tpu.memory_space<vmem>>, vector<16xi32>,
        %parallel_loop3A_246 = vector.broadcast %mul3A_2 : i32 to vector<16xi32>
        %parallel_loop3A_247 = arith.subi %parallel_loop3A_245, %parallel_loop3A_246 : vector<16xi32>
        %parallel_loop3A_248 = arith.constant 0 : i32
        %parallel_loop3A_249 = vector.broadcast %parallel_loop3A_248 : i32 to vector<16xi32>
        %parallel_loop3A_250 = arith.cmpi sge, %parallel_loop3A_247, %parallel_loop3A_249 : vector<16xi32>
        %parallel_loop3A_251 = arith.constant 63 : i32
        %parallel_loop3A_252 = vector.broadcast %parallel_loop3A_251 : i32 to vector<16xi32>
        %parallel_loop3A_253 = arith.cmpi slt, %parallel_loop3A_247, %parallel_loop3A_252 : vector<16xi32>
        %parallel_loop3A_254 = arith.andi %parallel_loop3A_250, %parallel_loop3A_253 : vector<16xi1>
        %parallel_loop3A_255 = arith.constant 2000 : i32
        %parallel_loop3A_256 = vector.broadcast %parallel_loop3A_255 : i32 to vector<16xi32>
        %parallel_loop3A_257 = arith.muli %parallel_loop3A_247, %parallel_loop3A_256 : vector<16xi32>
        %parallel_loop3A_258 = arith.addi %parallel_loop3A_257, %parallel_loop3A_241 : vector<16xi32>
        tpu.vector_store_idx %arg8[%parallel_loop3A_258], %broadcast_in_dim3A_107 masked %parallel_loop3A_254 {add = true} : memref<126000xf32, #tpu.memory_space<vmem>>[vector<16xi32>], vector<16xf32>, vector<16xi1>
      } {sc.loop_unroll_factor = 5 : i64, sc.parallel_access}
      %mul3A_138 = arith.constant 5 : i32
      %mul3A_139 = arith.muli %mul3A_138, %scan3A_127 : i32
      %add3A_140 = arith.constant 0 : i32
      %add3A_141 = arith.addi %mul3A_139, %add3A_140 : i32
      %add3A_142 = arith.constant 5 : i32
      %add3A_143 = arith.addi %add3A_141, %add3A_142 : i32
      %lt3A_144 = arith.constant 500 : i32
      %lt3A_145 = arith.cmpi slt, %add3A_143, %lt3A_144 : i32
      %convert_element_type3A_146 = arith.extui %lt3A_145 : i1 to i32
      %cond3A_147 = arith.constant 0 : i32
      %cond3A_148 = arith.cmpi ne, %convert_element_type3A_146, %cond3A_147 : i32
      scf.if %cond3A_148 {
        %mul3A_237 = arith.constant 5 : i32
        %mul3A_238 = arith.muli %mul3A_237, %scan3A_127 : i32
        %add3A_239 = arith.constant 0 : i32
        %add3A_240 = arith.addi %mul3A_238, %add3A_239 : i32
        %add3A_241 = arith.constant 5 : i32
        %add3A_242 = arith.addi %add3A_240, %add3A_241 : i32
        %mul3A_243 = arith.constant 320 : i32
        %mul3A_244 = arith.muli %add3A_242, %mul3A_243 : i32
        %dma_start3A_245 = tpu.memref_slice %arg4[%mul3A_244] : memref<160000xi32, #tpu.memory_space<hbm>> -> memref<320xi32, #tpu.memory_space<hbm>>
        %dma_start3A_246 = tpu.memref_slice %arg4[%mul3A_244] : memref<160000xi32, #tpu.memory_space<hbm>> -> memref<320xi32, #tpu.memory_space<hbm>>
        tpu.enqueue_dma source(%dma_start3A_246 : memref<320xi32, #tpu.memory_space<hbm>>) target(%arg9 : memref<320xi32, #tpu.memory_space<vmem>>) target_semaphore(%arg19 : memref<!tpu.dma_semaphore, #tpu.memory_space<semaphore_mem>>)
        %mul3A_247 = arith.constant 320 : i32
        %mul3A_248 = arith.muli %add3A_242, %mul3A_247 : i32
        %dma_start3A_249 = tpu.memref_slice %arg5[%mul3A_248] : memref<160000xi32, #tpu.memory_space<hbm>> -> memref<320xi32, #tpu.memory_space<hbm>>
        %dma_start3A_250 = tpu.memref_slice %arg5[%mul3A_248] : memref<160000xi32, #tpu.memory_space<hbm>> -> memref<320xi32, #tpu.memory_space<hbm>>
        tpu.enqueue_dma source(%dma_start3A_250 : memref<320xi32, #tpu.memory_space<hbm>>) target(%arg14 : memref<320xi32, #tpu.memory_space<vmem>>) target_semaphore(%arg24 : memref<!tpu.dma_semaphore, #tpu.memory_space<semaphore_mem>>)
      } else {
      }
      %dma_wait3A_149 = arith.constant 0 : i32
      %dma_wait3A_150 = tpu.memref_slice %arg4[%dma_wait3A_149] : memref<160000xi32, #tpu.memory_space<hbm>> -> memref<320xi32, #tpu.memory_space<hbm>>
      %dma_wait3A_151 = arith.constant 0 : i32
      %dma_wait3A_152 = tpu.memref_slice %arg4[%dma_wait3A_151] : memref<160000xi32, #tpu.memory_space<hbm>> -> memref<320xi32, #tpu.memory_space<hbm>>
      tpu.wait_dma2 semaphore(%arg20 : memref<!tpu.dma_semaphore, #tpu.memory_space<semaphore_mem>>) src(%dma_wait3A_152 : memref<320xi32, #tpu.memory_space<hbm>>) dst(%arg10 : memref<320xi32, #tpu.memory_space<vmem>>)
      %dma_wait3A_153 = arith.constant 0 : i32
      %dma_wait3A_154 = tpu.memref_slice %arg5[%dma_wait3A_153] : memref<160000xi32, #tpu.memory_space<hbm>> -> memref<320xi32, #tpu.memory_space<hbm>>
      %dma_wait3A_155 = arith.constant 0 : i32
      %dma_wait3A_156 = tpu.memref_slice %arg5[%dma_wait3A_155] : memref<160000xi32, #tpu.memory_space<hbm>> -> memref<320xi32, #tpu.memory_space<hbm>>
      tpu.wait_dma2 semaphore(%arg25 : memref<!tpu.dma_semaphore, #tpu.memory_space<semaphore_mem>>) src(%dma_wait3A_156 : memref<320xi32, #tpu.memory_space<hbm>>) dst(%arg15 : memref<320xi32, #tpu.memory_space<vmem>>)
      %parallel_loop3A_157 = arith.constant 0 : i32
      %parallel_loop3A_158 = arith.constant 20 : i32
      %parallel_loop3A_159 = arith.constant 1 : i32
      scf.for %parallel_loop3A_237 = %parallel_loop3A_157 to %parallel_loop3A_158 step %parallel_loop3A_159  : i32 {
        %parallel_loop3A_238 = arith.constant 16 : i32
        %parallel_loop3A_239 = arith.muli %parallel_loop3A_237, %parallel_loop3A_238 : i32
        %parallel_loop3A_240 = arith.index_cast %parallel_loop3A_239 : i32 to index
        %parallel_loop3A_241 = tpu.vector_load %arg10[%parallel_loop3A_240] {strides = array<i32>} : memref<320xi32, #tpu.memory_space<vmem>>, vector<16xi32>,
        %parallel_loop3A_242 = arith.constant 16 : i32
        %parallel_loop3A_243 = arith.muli %parallel_loop3A_237, %parallel_loop3A_242 : i32
        %parallel_loop3A_244 = arith.index_cast %parallel_loop3A_243 : i32 to index
        %parallel_loop3A_245 = tpu.vector_load %arg15[%parallel_loop3A_244] {strides = array<i32>} : memref<320xi32, #tpu.memory_space<vmem>>, vector<16xi32>,
        %parallel_loop3A_246 = vector.broadcast %mul3A_2 : i32 to vector<16xi32>
        %parallel_loop3A_247 = arith.subi %parallel_loop3A_245, %parallel_loop3A_246 : vector<16xi32>
        %parallel_loop3A_248 = arith.constant 0 : i32
        %parallel_loop3A_249 = vector.broadcast %parallel_loop3A_248 : i32 to vector<16xi32>
        %parallel_loop3A_250 = arith.cmpi sge, %parallel_loop3A_247, %parallel_loop3A_249 : vector<16xi32>
        %parallel_loop3A_251 = arith.constant 63 : i32
        %parallel_loop3A_252 = vector.broadcast %parallel_loop3A_251 : i32 to vector<16xi32>
        %parallel_loop3A_253 = arith.cmpi slt, %parallel_loop3A_247, %parallel_loop3A_252 : vector<16xi32>
        %parallel_loop3A_254 = arith.andi %parallel_loop3A_250, %parallel_loop3A_253 : vector<16xi1>
        %parallel_loop3A_255 = arith.constant 2000 : i32
        %parallel_loop3A_256 = vector.broadcast %parallel_loop3A_255 : i32 to vector<16xi32>
        %parallel_loop3A_257 = arith.muli %parallel_loop3A_247, %parallel_loop3A_256 : vector<16xi32>
        %parallel_loop3A_258 = arith.addi %parallel_loop3A_257, %parallel_loop3A_241 : vector<16xi32>
        tpu.vector_store_idx %arg8[%parallel_loop3A_258], %broadcast_in_dim3A_107 masked %parallel_loop3A_254 {add = true} : memref<126000xf32, #tpu.memory_space<vmem>>[vector<16xi32>], vector<16xf32>, vector<16xi1>
      } {sc.loop_unroll_factor = 5 : i64, sc.parallel_access}
      %mul3A_160 = arith.constant 5 : i32
      %mul3A_161 = arith.muli %mul3A_160, %scan3A_127 : i32
      %add3A_162 = arith.constant 1 : i32
      %add3A_163 = arith.addi %mul3A_161, %add3A_162 : i32
      %add3A_164 = arith.constant 5 : i32
      %add3A_165 = arith.addi %add3A_163, %add3A_164 : i32
      %lt3A_166 = arith.constant 500 : i32
      %lt3A_167 = arith.cmpi slt, %add3A_165, %lt3A_166 : i32
      %convert_element_type3A_168 = arith.extui %lt3A_167 : i1 to i32
      %cond3A_169 = arith.constant 0 : i32
      %cond3A_170 = arith.cmpi ne, %convert_element_type3A_168, %cond3A_169 : i32
      scf.if %cond3A_170 {
        %mul3A_237 = arith.constant 5 : i32
        %mul3A_238 = arith.muli %mul3A_237, %scan3A_127 : i32
        %add3A_239 = arith.constant 1 : i32
        %add3A_240 = arith.addi %mul3A_238, %add3A_239 : i32
        %add3A_241 = arith.constant 5 : i32
        %add3A_242 = arith.addi %add3A_240, %add3A_241 : i32
        %mul3A_243 = arith.constant 320 : i32
        %mul3A_244 = arith.muli %add3A_242, %mul3A_243 : i32
        %dma_start3A_245 = tpu.memref_slice %arg4[%mul3A_244] : memref<160000xi32, #tpu.memory_space<hbm>> -> memref<320xi32, #tpu.memory_space<hbm>>
        %dma_start3A_246 = tpu.memref_slice %arg4[%mul3A_244] : memref<160000xi32, #tpu.memory_space<hbm>> -> memref<320xi32, #tpu.memory_space<hbm>>
        tpu.enqueue_dma source(%dma_start3A_246 : memref<320xi32, #tpu.memory_space<hbm>>) target(%arg10 : memref<320xi32, #tpu.memory_space<vmem>>) target_semaphore(%arg20 : memref<!tpu.dma_semaphore, #tpu.memory_space<semaphore_mem>>)
        %mul3A_247 = arith.constant 320 : i32
        %mul3A_248 = arith.muli %add3A_242, %mul3A_247 : i32
        %dma_start3A_249 = tpu.memref_slice %arg5[%mul3A_248] : memref<160000xi32, #tpu.memory_space<hbm>> -> memref<320xi32, #tpu.memory_space<hbm>>
        %dma_start3A_250 = tpu.memref_slice %arg5[%mul3A_248] : memref<160000xi32, #tpu.memory_space<hbm>> -> memref<320xi32, #tpu.memory_space<hbm>>
        tpu.enqueue_dma source(%dma_start3A_250 : memref<320xi32, #tpu.memory_space<hbm>>) target(%arg15 : memref<320xi32, #tpu.memory_space<vmem>>) target_semaphore(%arg25 : memref<!tpu.dma_semaphore, #tpu.memory_space<semaphore_mem>>)
      } else {
      }
      %dma_wait3A_171 = arith.constant 0 : i32
      %dma_wait3A_172 = tpu.memref_slice %arg4[%dma_wait3A_171] : memref<160000xi32, #tpu.memory_space<hbm>> -> memref<320xi32, #tpu.memory_space<hbm>>
      %dma_wait3A_173 = arith.constant 0 : i32
      %dma_wait3A_174 = tpu.memref_slice %arg4[%dma_wait3A_173] : memref<160000xi32, #tpu.memory_space<hbm>> -> memref<320xi32, #tpu.memory_space<hbm>>
      tpu.wait_dma2 semaphore(%arg21 : memref<!tpu.dma_semaphore, #tpu.memory_space<semaphore_mem>>) src(%dma_wait3A_174 : memref<320xi32, #tpu.memory_space<hbm>>) dst(%arg11 : memref<320xi32, #tpu.memory_space<vmem>>)
      %dma_wait3A_175 = arith.constant 0 : i32
      %dma_wait3A_176 = tpu.memref_slice %arg5[%dma_wait3A_175] : memref<160000xi32, #tpu.memory_space<hbm>> -> memref<320xi32, #tpu.memory_space<hbm>>
      %dma_wait3A_177 = arith.constant 0 : i32
      %dma_wait3A_178 = tpu.memref_slice %arg5[%dma_wait3A_177] : memref<160000xi32, #tpu.memory_space<hbm>> -> memref<320xi32, #tpu.memory_space<hbm>>
      tpu.wait_dma2 semaphore(%arg26 : memref<!tpu.dma_semaphore, #tpu.memory_space<semaphore_mem>>) src(%dma_wait3A_178 : memref<320xi32, #tpu.memory_space<hbm>>) dst(%arg16 : memref<320xi32, #tpu.memory_space<vmem>>)
      %parallel_loop3A_179 = arith.constant 0 : i32
      %parallel_loop3A_180 = arith.constant 20 : i32
      %parallel_loop3A_181 = arith.constant 1 : i32
      scf.for %parallel_loop3A_237 = %parallel_loop3A_179 to %parallel_loop3A_180 step %parallel_loop3A_181  : i32 {
        %parallel_loop3A_238 = arith.constant 16 : i32
        %parallel_loop3A_239 = arith.muli %parallel_loop3A_237, %parallel_loop3A_238 : i32
        %parallel_loop3A_240 = arith.index_cast %parallel_loop3A_239 : i32 to index
        %parallel_loop3A_241 = tpu.vector_load %arg11[%parallel_loop3A_240] {strides = array<i32>} : memref<320xi32, #tpu.memory_space<vmem>>, vector<16xi32>,
        %parallel_loop3A_242 = arith.constant 16 : i32
        %parallel_loop3A_243 = arith.muli %parallel_loop3A_237, %parallel_loop3A_242 : i32
        %parallel_loop3A_244 = arith.index_cast %parallel_loop3A_243 : i32 to index
        %parallel_loop3A_245 = tpu.vector_load %arg16[%parallel_loop3A_244] {strides = array<i32>} : memref<320xi32, #tpu.memory_space<vmem>>, vector<16xi32>,
        %parallel_loop3A_246 = vector.broadcast %mul3A_2 : i32 to vector<16xi32>
        %parallel_loop3A_247 = arith.subi %parallel_loop3A_245, %parallel_loop3A_246 : vector<16xi32>
        %parallel_loop3A_248 = arith.constant 0 : i32
        %parallel_loop3A_249 = vector.broadcast %parallel_loop3A_248 : i32 to vector<16xi32>
        %parallel_loop3A_250 = arith.cmpi sge, %parallel_loop3A_247, %parallel_loop3A_249 : vector<16xi32>
        %parallel_loop3A_251 = arith.constant 63 : i32
        %parallel_loop3A_252 = vector.broadcast %parallel_loop3A_251 : i32 to vector<16xi32>
        %parallel_loop3A_253 = arith.cmpi slt, %parallel_loop3A_247, %parallel_loop3A_252 : vector<16xi32>
        %parallel_loop3A_254 = arith.andi %parallel_loop3A_250, %parallel_loop3A_253 : vector<16xi1>
        %parallel_loop3A_255 = arith.constant 2000 : i32
        %parallel_loop3A_256 = vector.broadcast %parallel_loop3A_255 : i32 to vector<16xi32>
        %parallel_loop3A_257 = arith.muli %parallel_loop3A_247, %parallel_loop3A_256 : vector<16xi32>
        %parallel_loop3A_258 = arith.addi %parallel_loop3A_257, %parallel_loop3A_241 : vector<16xi32>
        tpu.vector_store_idx %arg8[%parallel_loop3A_258], %broadcast_in_dim3A_107 masked %parallel_loop3A_254 {add = true} : memref<126000xf32, #tpu.memory_space<vmem>>[vector<16xi32>], vector<16xf32>, vector<16xi1>
      } {sc.loop_unroll_factor = 5 : i64, sc.parallel_access}
      %mul3A_182 = arith.constant 5 : i32
      %mul3A_183 = arith.muli %mul3A_182, %scan3A_127 : i32
      %add3A_184 = arith.constant 2 : i32
      %add3A_185 = arith.addi %mul3A_183, %add3A_184 : i32
      %add3A_186 = arith.constant 5 : i32
      %add3A_187 = arith.addi %add3A_185, %add3A_186 : i32
      %lt3A_188 = arith.constant 500 : i32
      %lt3A_189 = arith.cmpi slt, %add3A_187, %lt3A_188 : i32
      %convert_element_type3A_190 = arith.extui %lt3A_189 : i1 to i32
      %cond3A_191 = arith.constant 0 : i32
      %cond3A_192 = arith.cmpi ne, %convert_element_type3A_190, %cond3A_191 : i32
      scf.if %cond3A_192 {
        %mul3A_237 = arith.constant 5 : i32
        %mul3A_238 = arith.muli %mul3A_237, %scan3A_127 : i32
        %add3A_239 = arith.constant 2 : i32
        %add3A_240 = arith.addi %mul3A_238, %add3A_239 : i32
        %add3A_241 = arith.constant 5 : i32
        %add3A_242 = arith.addi %add3A_240, %add3A_241 : i32
        %mul3A_243 = arith.constant 320 : i32
        %mul3A_244 = arith.muli %add3A_242, %mul3A_243 : i32
        %dma_start3A_245 = tpu.memref_slice %arg4[%mul3A_244] : memref<160000xi32, #tpu.memory_space<hbm>> -> memref<320xi32, #tpu.memory_space<hbm>>
        %dma_start3A_246 = tpu.memref_slice %arg4[%mul3A_244] : memref<160000xi32, #tpu.memory_space<hbm>> -> memref<320xi32, #tpu.memory_space<hbm>>
        tpu.enqueue_dma source(%dma_start3A_246 : memref<320xi32, #tpu.memory_space<hbm>>) target(%arg11 : memref<320xi32, #tpu.memory_space<vmem>>) target_semaphore(%arg21 : memref<!tpu.dma_semaphore, #tpu.memory_space<semaphore_mem>>)
        %mul3A_247 = arith.constant 320 : i32
        %mul3A_248 = arith.muli %add3A_242, %mul3A_247 : i32
        %dma_start3A_249 = tpu.memref_slice %arg5[%mul3A_248] : memref<160000xi32, #tpu.memory_space<hbm>> -> memref<320xi32, #tpu.memory_space<hbm>>
        %dma_start3A_250 = tpu.memref_slice %arg5[%mul3A_248] : memref<160000xi32, #tpu.memory_space<hbm>> -> memref<320xi32, #tpu.memory_space<hbm>>
        tpu.enqueue_dma source(%dma_start3A_250 : memref<320xi32, #tpu.memory_space<hbm>>) target(%arg16 : memref<320xi32, #tpu.memory_space<vmem>>) target_semaphore(%arg26 : memref<!tpu.dma_semaphore, #tpu.memory_space<semaphore_mem>>)
      } else {
      }
      %dma_wait3A_193 = arith.constant 0 : i32
      %dma_wait3A_194 = tpu.memref_slice %arg4[%dma_wait3A_193] : memref<160000xi32, #tpu.memory_space<hbm>> -> memref<320xi32, #tpu.memory_space<hbm>>
      %dma_wait3A_195 = arith.constant 0 : i32
      %dma_wait3A_196 = tpu.memref_slice %arg4[%dma_wait3A_195] : memref<160000xi32, #tpu.memory_space<hbm>> -> memref<320xi32, #tpu.memory_space<hbm>>
      tpu.wait_dma2 semaphore(%arg22 : memref<!tpu.dma_semaphore, #tpu.memory_space<semaphore_mem>>) src(%dma_wait3A_196 : memref<320xi32, #tpu.memory_space<hbm>>) dst(%arg12 : memref<320xi32, #tpu.memory_space<vmem>>)
      %dma_wait3A_197 = arith.constant 0 : i32
      %dma_wait3A_198 = tpu.memref_slice %arg5[%dma_wait3A_197] : memref<160000xi32, #tpu.memory_space<hbm>> -> memref<320xi32, #tpu.memory_space<hbm>>
      %dma_wait3A_199 = arith.constant 0 : i32
      %dma_wait3A_200 = tpu.memref_slice %arg5[%dma_wait3A_199] : memref<160000xi32, #tpu.memory_space<hbm>> -> memref<320xi32, #tpu.memory_space<hbm>>
      tpu.wait_dma2 semaphore(%arg27 : memref<!tpu.dma_semaphore, #tpu.memory_space<semaphore_mem>>) src(%dma_wait3A_200 : memref<320xi32, #tpu.memory_space<hbm>>) dst(%arg17 : memref<320xi32, #tpu.memory_space<vmem>>)
      %parallel_loop3A_201 = arith.constant 0 : i32
      %parallel_loop3A_202 = arith.constant 20 : i32
      %parallel_loop3A_203 = arith.constant 1 : i32
      scf.for %parallel_loop3A_237 = %parallel_loop3A_201 to %parallel_loop3A_202 step %parallel_loop3A_203  : i32 {
        %parallel_loop3A_238 = arith.constant 16 : i32
        %parallel_loop3A_239 = arith.muli %parallel_loop3A_237, %parallel_loop3A_238 : i32
        %parallel_loop3A_240 = arith.index_cast %parallel_loop3A_239 : i32 to index
        %parallel_loop3A_241 = tpu.vector_load %arg12[%parallel_loop3A_240] {strides = array<i32>} : memref<320xi32, #tpu.memory_space<vmem>>, vector<16xi32>,
        %parallel_loop3A_242 = arith.constant 16 : i32
        %parallel_loop3A_243 = arith.muli %parallel_loop3A_237, %parallel_loop3A_242 : i32
        %parallel_loop3A_244 = arith.index_cast %parallel_loop3A_243 : i32 to index
        %parallel_loop3A_245 = tpu.vector_load %arg17[%parallel_loop3A_244] {strides = array<i32>} : memref<320xi32, #tpu.memory_space<vmem>>, vector<16xi32>,
        %parallel_loop3A_246 = vector.broadcast %mul3A_2 : i32 to vector<16xi32>
        %parallel_loop3A_247 = arith.subi %parallel_loop3A_245, %parallel_loop3A_246 : vector<16xi32>
        %parallel_loop3A_248 = arith.constant 0 : i32
        %parallel_loop3A_249 = vector.broadcast %parallel_loop3A_248 : i32 to vector<16xi32>
        %parallel_loop3A_250 = arith.cmpi sge, %parallel_loop3A_247, %parallel_loop3A_249 : vector<16xi32>
        %parallel_loop3A_251 = arith.constant 63 : i32
        %parallel_loop3A_252 = vector.broadcast %parallel_loop3A_251 : i32 to vector<16xi32>
        %parallel_loop3A_253 = arith.cmpi slt, %parallel_loop3A_247, %parallel_loop3A_252 : vector<16xi32>
        %parallel_loop3A_254 = arith.andi %parallel_loop3A_250, %parallel_loop3A_253 : vector<16xi1>
        %parallel_loop3A_255 = arith.constant 2000 : i32
        %parallel_loop3A_256 = vector.broadcast %parallel_loop3A_255 : i32 to vector<16xi32>
        %parallel_loop3A_257 = arith.muli %parallel_loop3A_247, %parallel_loop3A_256 : vector<16xi32>
        %parallel_loop3A_258 = arith.addi %parallel_loop3A_257, %parallel_loop3A_241 : vector<16xi32>
        tpu.vector_store_idx %arg8[%parallel_loop3A_258], %broadcast_in_dim3A_107 masked %parallel_loop3A_254 {add = true} : memref<126000xf32, #tpu.memory_space<vmem>>[vector<16xi32>], vector<16xf32>, vector<16xi1>
      } {sc.loop_unroll_factor = 5 : i64, sc.parallel_access}
      %mul3A_204 = arith.constant 5 : i32
      %mul3A_205 = arith.muli %mul3A_204, %scan3A_127 : i32
      %add3A_206 = arith.constant 3 : i32
      %add3A_207 = arith.addi %mul3A_205, %add3A_206 : i32
      %add3A_208 = arith.constant 5 : i32
      %add3A_209 = arith.addi %add3A_207, %add3A_208 : i32
      %lt3A_210 = arith.constant 500 : i32
      %lt3A_211 = arith.cmpi slt, %add3A_209, %lt3A_210 : i32
      %convert_element_type3A_212 = arith.extui %lt3A_211 : i1 to i32
      %cond3A_213 = arith.constant 0 : i32
      %cond3A_214 = arith.cmpi ne, %convert_element_type3A_212, %cond3A_213 : i32
      scf.if %cond3A_214 {
        %mul3A_237 = arith.constant 5 : i32
        %mul3A_238 = arith.muli %mul3A_237, %scan3A_127 : i32
        %add3A_239 = arith.constant 3 : i32
        %add3A_240 = arith.addi %mul3A_238, %add3A_239 : i32
        %add3A_241 = arith.constant 5 : i32
        %add3A_242 = arith.addi %add3A_240, %add3A_241 : i32
        %mul3A_243 = arith.constant 320 : i32
        %mul3A_244 = arith.muli %add3A_242, %mul3A_243 : i32
        %dma_start3A_245 = tpu.memref_slice %arg4[%mul3A_244] : memref<160000xi32, #tpu.memory_space<hbm>> -> memref<320xi32, #tpu.memory_space<hbm>>
        %dma_start3A_246 = tpu.memref_slice %arg4[%mul3A_244] : memref<160000xi32, #tpu.memory_space<hbm>> -> memref<320xi32, #tpu.memory_space<hbm>>
        tpu.enqueue_dma source(%dma_start3A_246 : memref<320xi32, #tpu.memory_space<hbm>>) target(%arg12 : memref<320xi32, #tpu.memory_space<vmem>>) target_semaphore(%arg22 : memref<!tpu.dma_semaphore, #tpu.memory_space<semaphore_mem>>)
        %mul3A_247 = arith.constant 320 : i32
        %mul3A_248 = arith.muli %add3A_242, %mul3A_247 : i32
        %dma_start3A_249 = tpu.memref_slice %arg5[%mul3A_248] : memref<160000xi32, #tpu.memory_space<hbm>> -> memref<320xi32, #tpu.memory_space<hbm>>
        %dma_start3A_250 = tpu.memref_slice %arg5[%mul3A_248] : memref<160000xi32, #tpu.memory_space<hbm>> -> memref<320xi32, #tpu.memory_space<hbm>>
        tpu.enqueue_dma source(%dma_start3A_250 : memref<320xi32, #tpu.memory_space<hbm>>) target(%arg17 : memref<320xi32, #tpu.memory_space<vmem>>) target_semaphore(%arg27 : memref<!tpu.dma_semaphore, #tpu.memory_space<semaphore_mem>>)
      } else {
      }
      %dma_wait3A_215 = arith.constant 0 : i32
      %dma_wait3A_216 = tpu.memref_slice %arg4[%dma_wait3A_215] : memref<160000xi32, #tpu.memory_space<hbm>> -> memref<320xi32, #tpu.memory_space<hbm>>
      %dma_wait3A_217 = arith.constant 0 : i32
      %dma_wait3A_218 = tpu.memref_slice %arg4[%dma_wait3A_217] : memref<160000xi32, #tpu.memory_space<hbm>> -> memref<320xi32, #tpu.memory_space<hbm>>
      tpu.wait_dma2 semaphore(%arg23 : memref<!tpu.dma_semaphore, #tpu.memory_space<semaphore_mem>>) src(%dma_wait3A_218 : memref<320xi32, #tpu.memory_space<hbm>>) dst(%arg13 : memref<320xi32, #tpu.memory_space<vmem>>)
      %dma_wait3A_219 = arith.constant 0 : i32
      %dma_wait3A_220 = tpu.memref_slice %arg5[%dma_wait3A_219] : memref<160000xi32, #tpu.memory_space<hbm>> -> memref<320xi32, #tpu.memory_space<hbm>>
      %dma_wait3A_221 = arith.constant 0 : i32
      %dma_wait3A_222 = tpu.memref_slice %arg5[%dma_wait3A_221] : memref<160000xi32, #tpu.memory_space<hbm>> -> memref<320xi32, #tpu.memory_space<hbm>>
      tpu.wait_dma2 semaphore(%arg28 : memref<!tpu.dma_semaphore, #tpu.memory_space<semaphore_mem>>) src(%dma_wait3A_222 : memref<320xi32, #tpu.memory_space<hbm>>) dst(%arg18 : memref<320xi32, #tpu.memory_space<vmem>>)
      %parallel_loop3A_223 = arith.constant 0 : i32
      %parallel_loop3A_224 = arith.constant 20 : i32
      %parallel_loop3A_225 = arith.constant 1 : i32
      scf.for %parallel_loop3A_237 = %parallel_loop3A_223 to %parallel_loop3A_224 step %parallel_loop3A_225  : i32 {
        %parallel_loop3A_238 = arith.constant 16 : i32
        %parallel_loop3A_239 = arith.muli %parallel_loop3A_237, %parallel_loop3A_238 : i32
        %parallel_loop3A_240 = arith.index_cast %parallel_loop3A_239 : i32 to index
        %parallel_loop3A_241 = tpu.vector_load %arg13[%parallel_loop3A_240] {strides = array<i32>} : memref<320xi32, #tpu.memory_space<vmem>>, vector<16xi32>,
        %parallel_loop3A_242 = arith.constant 16 : i32
        %parallel_loop3A_243 = arith.muli %parallel_loop3A_237, %parallel_loop3A_242 : i32
        %parallel_loop3A_244 = arith.index_cast %parallel_loop3A_243 : i32 to index
        %parallel_loop3A_245 = tpu.vector_load %arg18[%parallel_loop3A_244] {strides = array<i32>} : memref<320xi32, #tpu.memory_space<vmem>>, vector<16xi32>,
        %parallel_loop3A_246 = vector.broadcast %mul3A_2 : i32 to vector<16xi32>
        %parallel_loop3A_247 = arith.subi %parallel_loop3A_245, %parallel_loop3A_246 : vector<16xi32>
        %parallel_loop3A_248 = arith.constant 0 : i32
        %parallel_loop3A_249 = vector.broadcast %parallel_loop3A_248 : i32 to vector<16xi32>
        %parallel_loop3A_250 = arith.cmpi sge, %parallel_loop3A_247, %parallel_loop3A_249 : vector<16xi32>
        %parallel_loop3A_251 = arith.constant 63 : i32
        %parallel_loop3A_252 = vector.broadcast %parallel_loop3A_251 : i32 to vector<16xi32>
        %parallel_loop3A_253 = arith.cmpi slt, %parallel_loop3A_247, %parallel_loop3A_252 : vector<16xi32>
        %parallel_loop3A_254 = arith.andi %parallel_loop3A_250, %parallel_loop3A_253 : vector<16xi1>
        %parallel_loop3A_255 = arith.constant 2000 : i32
        %parallel_loop3A_256 = vector.broadcast %parallel_loop3A_255 : i32 to vector<16xi32>
        %parallel_loop3A_257 = arith.muli %parallel_loop3A_247, %parallel_loop3A_256 : vector<16xi32>
        %parallel_loop3A_258 = arith.addi %parallel_loop3A_257, %parallel_loop3A_241 : vector<16xi32>
        tpu.vector_store_idx %arg8[%parallel_loop3A_258], %broadcast_in_dim3A_107 masked %parallel_loop3A_254 {add = true} : memref<126000xf32, #tpu.memory_space<vmem>>[vector<16xi32>], vector<16xf32>, vector<16xi1>
      } {sc.loop_unroll_factor = 5 : i64, sc.parallel_access}
      %mul3A_226 = arith.constant 5 : i32
      %mul3A_227 = arith.muli %mul3A_226, %scan3A_127 : i32
      %add3A_228 = arith.constant 4 : i32
      %add3A_229 = arith.addi %mul3A_227, %add3A_228 : i32
      %add3A_230 = arith.constant 5 : i32
      %add3A_231 = arith.addi %add3A_229, %add3A_230 : i32
      %lt3A_232 = arith.constant 500 : i32
      %lt3A_233 = arith.cmpi slt, %add3A_231, %lt3A_232 : i32
      %convert_element_type3A_234 = arith.extui %lt3A_233 : i1 to i32
      %cond3A_235 = arith.constant 0 : i32
      %cond3A_236 = arith.cmpi ne, %convert_element_type3A_234, %cond3A_235 : i32
      scf.if %cond3A_236 {
        %mul3A_237 = arith.constant 5 : i32
        %mul3A_238 = arith.muli %mul3A_237, %scan3A_127 : i32
        %add3A_239 = arith.constant 4 : i32
        %add3A_240 = arith.addi %mul3A_238, %add3A_239 : i32
        %add3A_241 = arith.constant 5 : i32
        %add3A_242 = arith.addi %add3A_240, %add3A_241 : i32
        %mul3A_243 = arith.constant 320 : i32
        %mul3A_244 = arith.muli %add3A_242, %mul3A_243 : i32
        %dma_start3A_245 = tpu.memref_slice %arg4[%mul3A_244] : memref<160000xi32, #tpu.memory_space<hbm>> -> memref<320xi32, #tpu.memory_space<hbm>>
        %dma_start3A_246 = tpu.memref_slice %arg4[%mul3A_244] : memref<160000xi32, #tpu.memory_space<hbm>> -> memref<320xi32, #tpu.memory_space<hbm>>
        tpu.enqueue_dma source(%dma_start3A_246 : memref<320xi32, #tpu.memory_space<hbm>>) target(%arg13 : memref<320xi32, #tpu.memory_space<vmem>>) target_semaphore(%arg23 : memref<!tpu.dma_semaphore, #tpu.memory_space<semaphore_mem>>)
        %mul3A_247 = arith.constant 320 : i32
        %mul3A_248 = arith.muli %add3A_242, %mul3A_247 : i32
        %dma_start3A_249 = tpu.memref_slice %arg5[%mul3A_248] : memref<160000xi32, #tpu.memory_space<hbm>> -> memref<320xi32, #tpu.memory_space<hbm>>
        %dma_start3A_250 = tpu.memref_slice %arg5[%mul3A_248] : memref<160000xi32, #tpu.memory_space<hbm>> -> memref<320xi32, #tpu.memory_space<hbm>>
        tpu.enqueue_dma source(%dma_start3A_250 : memref<320xi32, #tpu.memory_space<hbm>>) target(%arg18 : memref<320xi32, #tpu.memory_space<vmem>>) target_semaphore(%arg28 : memref<!tpu.dma_semaphore, #tpu.memory_space<semaphore_mem>>)
      } else {
      }
    }
    %scan3A_113 = arith.constant 100 : i32
    %parallel_loop3A_114 = arith.constant 0 : i32
    %parallel_loop3A_115 = arith.constant 63 : i32
    %parallel_loop3A_116 = arith.constant 1 : i32
    scf.for %parallel_loop3A_127 = %parallel_loop3A_114 to %parallel_loop3A_115 step %parallel_loop3A_116  : i32 {
      %parallel_loop3A_128 = arith.constant 0.000000e+00 : f32
      %parallel_loop3A_129 = vector.broadcast %parallel_loop3A_128 : f32 to vector<16xf32>
      %parallel_loop3A_130 = arith.constant 0.000000e+00 : f32
      %parallel_loop3A_131 = vector.broadcast %parallel_loop3A_130 : f32 to vector<16xf32>
      %parallel_loop3A_132 = arith.constant 0.000000e+00 : f32
      %parallel_loop3A_133 = vector.broadcast %parallel_loop3A_132 : f32 to vector<16xf32>
      %parallel_loop3A_134 = arith.constant 0.000000e+00 : f32
      %parallel_loop3A_135 = vector.broadcast %parallel_loop3A_134 : f32 to vector<16xf32>
      %parallel_loop3A_136 = arith.constant 0.000000e+00 : f32
      %parallel_loop3A_137 = vector.broadcast %parallel_loop3A_136 : f32 to vector<16xf32>
      %parallel_loop3A_138 = arith.constant 0 : i32
      %parallel_loop3A_139 = arith.constant 24 : i32
      %parallel_loop3A_140 = arith.addi %parallel_loop3A_138, %parallel_loop3A_139 : i32
      %parallel_loop3A_141 = arith.constant 2 : i32
      %parallel_loop3A_142:5 = scf.for %scan3A_194 = %parallel_loop3A_138 to %parallel_loop3A_140 step %parallel_loop3A_141 iter_args(%scan3A_195 = %parallel_loop3A_129, %scan3A_196 = %parallel_loop3A_131, %scan3A_197 = %parallel_loop3A_133, %scan3A_198 = %parallel_loop3A_135, %scan3A_199 = %parallel_loop3A_137) -> (vector<16xf32>, vector<16xf32>, vector<16xf32>, vector<16xf32>, vector<16xf32>)  : i32 {
        %parallel_loop3A_200 = arith.constant 2000 : i32
        %parallel_loop3A_201 = arith.muli %parallel_loop3A_127, %parallel_loop3A_200 : i32
        %parallel_loop3A_202 = arith.constant 80 : i32
        %parallel_loop3A_203 = arith.muli %scan3A_194, %parallel_loop3A_202 : i32
        %parallel_loop3A_204 = arith.addi %parallel_loop3A_201, %parallel_loop3A_203 : i32
        %parallel_loop3A_205 = arith.constant 0 : i32
        %parallel_loop3A_206 = arith.addi %parallel_loop3A_204, %parallel_loop3A_205 : i32
        %parallel_loop3A_207 = arith.index_cast %parallel_loop3A_206 : i32 to index
        %parallel_loop3A_208 = tpu.vector_load %arg8[%parallel_loop3A_207] {strides = array<i32>} : memref<126000xf32, #tpu.memory_space<vmem>>, vector<16xf32>,
        %parallel_loop3A_209 = arith.addf %scan3A_195, %parallel_loop3A_208 : vector<16xf32>
        %parallel_loop3A_210 = arith.constant 16 : i32
        %parallel_loop3A_211 = arith.addi %parallel_loop3A_204, %parallel_loop3A_210 : i32
        %parallel_loop3A_212 = arith.index_cast %parallel_loop3A_211 : i32 to index
        %parallel_loop3A_213 = tpu.vector_load %arg8[%parallel_loop3A_212] {strides = array<i32>} : memref<126000xf32, #tpu.memory_space<vmem>>, vector<16xf32>,
        %parallel_loop3A_214 = arith.addf %scan3A_196, %parallel_loop3A_213 : vector<16xf32>
        %parallel_loop3A_215 = arith.constant 32 : i32
        %parallel_loop3A_216 = arith.addi %parallel_loop3A_204, %parallel_loop3A_215 : i32
        %parallel_loop3A_217 = arith.index_cast %parallel_loop3A_216 : i32 to index
        %parallel_loop3A_218 = tpu.vector_load %arg8[%parallel_loop3A_217] {strides = array<i32>} : memref<126000xf32, #tpu.memory_space<vmem>>, vector<16xf32>,
        %parallel_loop3A_219 = arith.addf %scan3A_197, %parallel_loop3A_218 : vector<16xf32>
        %parallel_loop3A_220 = arith.constant 48 : i32
        %parallel_loop3A_221 = arith.addi %parallel_loop3A_204, %parallel_loop3A_220 : i32
        %parallel_loop3A_222 = arith.index_cast %parallel_loop3A_221 : i32 to index
        %parallel_loop3A_223 = tpu.vector_load %arg8[%parallel_loop3A_222] {strides = array<i32>} : memref<126000xf32, #tpu.memory_space<vmem>>, vector<16xf32>,
        %parallel_loop3A_224 = arith.addf %scan3A_198, %parallel_loop3A_223 : vector<16xf32>
        %parallel_loop3A_225 = arith.constant 64 : i32
        %parallel_loop3A_226 = arith.addi %parallel_loop3A_204, %parallel_loop3A_225 : i32
        %parallel_loop3A_227 = arith.index_cast %parallel_loop3A_226 : i32 to index
        %parallel_loop3A_228 = tpu.vector_load %arg8[%parallel_loop3A_227] {strides = array<i32>} : memref<126000xf32, #tpu.memory_space<vmem>>, vector<16xf32>,
        %parallel_loop3A_229 = arith.addf %scan3A_199, %parallel_loop3A_228 : vector<16xf32>
        %parallel_loop3A_230 = arith.constant 1 : i32
        %parallel_loop3A_231 = arith.addi %scan3A_194, %parallel_loop3A_230 : i32
        %parallel_loop3A_232 = arith.constant 2000 : i32
        %parallel_loop3A_233 = arith.muli %parallel_loop3A_127, %parallel_loop3A_232 : i32
        %parallel_loop3A_234 = arith.constant 80 : i32
        %parallel_loop3A_235 = arith.muli %parallel_loop3A_231, %parallel_loop3A_234 : i32
        %parallel_loop3A_236 = arith.addi %parallel_loop3A_233, %parallel_loop3A_235 : i32
        %parallel_loop3A_237 = arith.constant 0 : i32
        %parallel_loop3A_238 = arith.addi %parallel_loop3A_236, %parallel_loop3A_237 : i32
        %parallel_loop3A_239 = arith.index_cast %parallel_loop3A_238 : i32 to index
        %parallel_loop3A_240 = tpu.vector_load %arg8[%parallel_loop3A_239] {strides = array<i32>} : memref<126000xf32, #tpu.memory_space<vmem>>, vector<16xf32>,
        %parallel_loop3A_241 = arith.addf %parallel_loop3A_209, %parallel_loop3A_240 : vector<16xf32>
        %parallel_loop3A_242 = arith.constant 16 : i32
        %parallel_loop3A_243 = arith.addi %parallel_loop3A_236, %parallel_loop3A_242 : i32
        %parallel_loop3A_244 = arith.index_cast %parallel_loop3A_243 : i32 to index
        %parallel_loop3A_245 = tpu.vector_load %arg8[%parallel_loop3A_244] {strides = array<i32>} : memref<126000xf32, #tpu.memory_space<vmem>>, vector<16xf32>,
        %parallel_loop3A_246 = arith.addf %parallel_loop3A_214, %parallel_loop3A_245 : vector<16xf32>
        %parallel_loop3A_247 = arith.constant 32 : i32
        %parallel_loop3A_248 = arith.addi %parallel_loop3A_236, %parallel_loop3A_247 : i32
        %parallel_loop3A_249 = arith.index_cast %parallel_loop3A_248 : i32 to index
        %parallel_loop3A_250 = tpu.vector_load %arg8[%parallel_loop3A_249] {strides = array<i32>} : memref<126000xf32, #tpu.memory_space<vmem>>, vector<16xf32>,
        %parallel_loop3A_251 = arith.addf %parallel_loop3A_219, %parallel_loop3A_250 : vector<16xf32>
        %parallel_loop3A_252 = arith.constant 48 : i32
        %parallel_loop3A_253 = arith.addi %parallel_loop3A_236, %parallel_loop3A_252 : i32
        %parallel_loop3A_254 = arith.index_cast %parallel_loop3A_253 : i32 to index
        %parallel_loop3A_255 = tpu.vector_load %arg8[%parallel_loop3A_254] {strides = array<i32>} : memref<126000xf32, #tpu.memory_space<vmem>>, vector<16xf32>,
        %parallel_loop3A_256 = arith.addf %parallel_loop3A_224, %parallel_loop3A_255 : vector<16xf32>
        %parallel_loop3A_257 = arith.constant 64 : i32
        %parallel_loop3A_258 = arith.addi %parallel_loop3A_236, %parallel_loop3A_257 : i32
        %parallel_loop3A_259 = arith.index_cast %parallel_loop3A_258 : i32 to index
        %parallel_loop3A_260 = tpu.vector_load %arg8[%parallel_loop3A_259] {strides = array<i32>} : memref<126000xf32, #tpu.memory_space<vmem>>, vector<16xf32>,
        %parallel_loop3A_261 = arith.addf %parallel_loop3A_229, %parallel_loop3A_260 : vector<16xf32>
        scf.yield %parallel_loop3A_241, %parallel_loop3A_246, %parallel_loop3A_251, %parallel_loop3A_256, %parallel_loop3A_261 : vector<16xf32>, vector<16xf32>, vector<16xf32>, vector<16xf32>, vector<16xf32>
      }
      %parallel_loop3A_143 = arith.constant 24 : i32
      %parallel_loop3A_144 = arith.addi %parallel_loop3A_138, %parallel_loop3A_143 : i32
      %parallel_loop3A_145 = arith.constant 2000 : i32
      %parallel_loop3A_146 = arith.muli %parallel_loop3A_127, %parallel_loop3A_145 : i32
      %parallel_loop3A_147 = arith.constant 80 : i32
      %parallel_loop3A_148 = arith.muli %parallel_loop3A_144, %parallel_loop3A_147 : i32
      %parallel_loop3A_149 = arith.addi %parallel_loop3A_146, %parallel_loop3A_148 : i32
      %parallel_loop3A_150 = arith.constant 0 : i32
      %parallel_loop3A_151 = arith.addi %parallel_loop3A_149, %parallel_loop3A_150 : i32
      %parallel_loop3A_152 = arith.index_cast %parallel_loop3A_151 : i32 to index
      %parallel_loop3A_153 = tpu.vector_load %arg8[%parallel_loop3A_152] {strides = array<i32>} : memref<126000xf32, #tpu.memory_space<vmem>>, vector<16xf32>,
      %parallel_loop3A_154 = arith.addf %parallel_loop3A_142#0, %parallel_loop3A_153 : vector<16xf32>
      %parallel_loop3A_155 = arith.constant 16 : i32
      %parallel_loop3A_156 = arith.addi %parallel_loop3A_149, %parallel_loop3A_155 : i32
      %parallel_loop3A_157 = arith.index_cast %parallel_loop3A_156 : i32 to index
      %parallel_loop3A_158 = tpu.vector_load %arg8[%parallel_loop3A_157] {strides = array<i32>} : memref<126000xf32, #tpu.memory_space<vmem>>, vector<16xf32>,
      %parallel_loop3A_159 = arith.addf %parallel_loop3A_142#1, %parallel_loop3A_158 : vector<16xf32>
      %parallel_loop3A_160 = arith.constant 32 : i32
      %parallel_loop3A_161 = arith.addi %parallel_loop3A_149, %parallel_loop3A_160 : i32
      %parallel_loop3A_162 = arith.index_cast %parallel_loop3A_161 : i32 to index
      %parallel_loop3A_163 = tpu.vector_load %arg8[%parallel_loop3A_162] {strides = array<i32>} : memref<126000xf32, #tpu.memory_space<vmem>>, vector<16xf32>,
      %parallel_loop3A_164 = arith.addf %parallel_loop3A_142#2, %parallel_loop3A_163 : vector<16xf32>
      %parallel_loop3A_165 = arith.constant 48 : i32
      %parallel_loop3A_166 = arith.addi %parallel_loop3A_149, %parallel_loop3A_165 : i32
      %parallel_loop3A_167 = arith.index_cast %parallel_loop3A_166 : i32 to index
      %parallel_loop3A_168 = tpu.vector_load %arg8[%parallel_loop3A_167] {strides = array<i32>} : memref<126000xf32, #tpu.memory_space<vmem>>, vector<16xf32>,
      %parallel_loop3A_169 = arith.addf %parallel_loop3A_142#3, %parallel_loop3A_168 : vector<16xf32>
      %parallel_loop3A_170 = arith.constant 64 : i32
      %parallel_loop3A_171 = arith.addi %parallel_loop3A_149, %parallel_loop3A_170 : i32
      %parallel_loop3A_172 = arith.index_cast %parallel_loop3A_171 : i32 to index
      %parallel_loop3A_173 = tpu.vector_load %arg8[%parallel_loop3A_172] {strides = array<i32>} : memref<126000xf32, #tpu.memory_space<vmem>>, vector<16xf32>,
      %parallel_loop3A_174 = arith.addf %parallel_loop3A_142#4, %parallel_loop3A_173 : vector<16xf32>
      %parallel_loop3A_175 = arith.constant 25 : i32
      %parallel_loop3A_176 = arith.addf %parallel_loop3A_154, %parallel_loop3A_159 : vector<16xf32>
      %parallel_loop3A_177 = arith.addf %parallel_loop3A_164, %parallel_loop3A_169 : vector<16xf32>
      %parallel_loop3A_178 = arith.addf %parallel_loop3A_176, %parallel_loop3A_177 : vector<16xf32>
      %parallel_loop3A_179 = arith.addf %parallel_loop3A_178, %parallel_loop3A_174 : vector<16xf32>
      %parallel_loop3A_180 = arith.constant true
      %parallel_loop3A_181 = vector.broadcast %parallel_loop3A_180 : i1 to vector<16xi1>
      %parallel_loop3A_182 = tpu.scan <sum>, %parallel_loop3A_179 masked %parallel_loop3A_181 : vector<16xf32>, vector<16xi1> -> vector<16xf32>
      %parallel_loop3A_183 = vector.extract %parallel_loop3A_182[15] : f32 from vector<16xf32>
      %parallel_loop3A_184 = vector.broadcast %parallel_loop3A_183 : f32 to vector<16xf32>
      %parallel_loop3A_185 = arith.constant 1.000000e+00 : f32
      %parallel_loop3A_186 = vector.broadcast %parallel_loop3A_185 : f32 to vector<16xf32>
      %parallel_loop3A_187 = arith.constant 1.000000e+00 : f32
      %parallel_loop3A_188 = vector.broadcast %parallel_loop3A_187 : f32 to vector<16xf32>
      %parallel_loop3A_189 = arith.maximumf %parallel_loop3A_184, %parallel_loop3A_188 : vector<16xf32>
      %parallel_loop3A_190 = arith.divf %parallel_loop3A_186, %parallel_loop3A_189 : vector<16xf32>
      %parallel_loop3A_191 = arith.constant 0 : i32
      %parallel_loop3A_192 = arith.constant 125 : i32
      %parallel_loop3A_193 = arith.constant 1 : i32
      scf.for %parallel_loop3A_194 = %parallel_loop3A_191 to %parallel_loop3A_192 step %parallel_loop3A_193  : i32 {
        %parallel_loop3A_195 = arith.constant 2000 : i32
        %parallel_loop3A_196 = arith.muli %parallel_loop3A_127, %parallel_loop3A_195 : i32
        %parallel_loop3A_197 = arith.constant 16 : i32
        %parallel_loop3A_198 = arith.muli %parallel_loop3A_194, %parallel_loop3A_197 : i32
        %parallel_loop3A_199 = arith.addi %parallel_loop3A_196, %parallel_loop3A_198 : i32
        %parallel_loop3A_200 = arith.index_cast %parallel_loop3A_199 : i32 to index
        %parallel_loop3A_201 = tpu.vector_load %arg8[%parallel_loop3A_200] {strides = array<i32>} : memref<126000xf32, #tpu.memory_space<vmem>>, vector<16xf32>,
        %parallel_loop3A_202 = arith.mulf %parallel_loop3A_201, %parallel_loop3A_190 : vector<16xf32>
        %parallel_loop3A_203 = arith.index_cast %parallel_loop3A_199 : i32 to index
        %parallel_loop3A_204 = tpu.vector_load %arg8[%parallel_loop3A_203] {strides = array<i32>} : memref<126000xf32, #tpu.memory_space<vmem>>, vector<16xf32>,
        tpu.vector_store %arg8[%parallel_loop3A_203], %parallel_loop3A_202 {strides = array<i32>} : memref<126000xf32, #tpu.memory_space<vmem>>, vector<16xf32>,
      } {sc.loop_unroll_factor = 5 : i64, sc.parallel_access}
    } {sc.loop_unroll_factor = 1 : i64, sc.parallel_access}
    %lt3A_117 = arith.constant 31 : i32
    %lt3A_118 = arith.cmpi slt, %add3A, %lt3A_117 : i32
    %convert_element_type3A_119 = arith.extui %lt3A_118 : i1 to i32
    %cond3A_120 = arith.constant 0 : i32
    %cond3A_121 = arith.cmpi ne, %convert_element_type3A_119, %cond3A_120 : i32
    scf.if %cond3A_121 {
      %mul3A_127 = arith.constant 2000 : i32
      %mul3A_128 = arith.muli %mul3A_2, %mul3A_127 : i32
      "tpu.region"() ({
        %run_scoped3A = tpu.sem_alloc : memref<!tpu.dma_semaphore, #tpu.memory_space<semaphore_mem>>
        %dma_start3A_129 = tpu.memref_slice %arg7[%mul3A_128] : memref<4000000xf32, #tpu.memory_space<hbm>> -> memref<126000xf32, #tpu.memory_space<hbm>>
        %dma_start3A_130 = tpu.memref_slice %arg7[%mul3A_128] : memref<4000000xf32, #tpu.memory_space<hbm>> -> memref<126000xf32, #tpu.memory_space<hbm>>
        tpu.enqueue_dma source(%arg8 : memref<126000xf32, #tpu.memory_space<vmem>>) target(%dma_start3A_130 : memref<126000xf32, #tpu.memory_space<hbm>>) target_semaphore(%run_scoped3A : memref<!tpu.dma_semaphore, #tpu.memory_space<semaphore_mem>>)
        %dma_wait3A = tpu.memref_slice %arg7[%mul3A_128] : memref<4000000xf32, #tpu.memory_space<hbm>> -> memref<126000xf32, #tpu.memory_space<hbm>>
        %dma_wait3A_131 = tpu.memref_slice %arg7[%mul3A_128] : memref<4000000xf32, #tpu.memory_space<hbm>> -> memref<126000xf32, #tpu.memory_space<hbm>>
        tpu.wait_dma2 semaphore(%run_scoped3A : memref<!tpu.dma_semaphore, #tpu.memory_space<semaphore_mem>>) src(%arg8 : memref<126000xf32, #tpu.memory_space<vmem>>) dst(%dma_wait3A_131 : memref<126000xf32, #tpu.memory_space<hbm>>)
        tpu.yield
      }) : () -> ()
    } else {
    }
    %eq3A_122 = arith.constant 31 : i32
    %eq3A_123 = arith.cmpi eq, %add3A, %eq3A_122 : i32
    %convert_element_type3A_124 = arith.extui %eq3A_123 : i1 to i32
    %cond3A_125 = arith.constant 0 : i32
    %cond3A_126 = arith.cmpi ne, %convert_element_type3A_124, %cond3A_125 : i32
    scf.if %cond3A_126 {
      %mul3A_127 = arith.constant 2000 : i32
      %mul3A_128 = arith.muli %mul3A_2, %mul3A_127 : i32
      "tpu.region"() ({
        %run_scoped3A = tpu.sem_alloc : memref<!tpu.dma_semaphore, #tpu.memory_space<semaphore_mem>>
        %dma_start3A_129 = arith.constant 0 : i32
        %dma_start3A_130 = tpu.memref_slice %arg8[%dma_start3A_129] : memref<126000xf32, #tpu.memory_space<vmem>> -> memref<94000xf32, #tpu.memory_space<vmem>>
        %dma_start3A_131 = tpu.memref_slice %arg7[%mul3A_128] : memref<4000000xf32, #tpu.memory_space<hbm>> -> memref<94000xf32, #tpu.memory_space<hbm>>
        %dma_start3A_132 = tpu.memref_slice %arg7[%mul3A_128] : memref<4000000xf32, #tpu.memory_space<hbm>> -> memref<94000xf32, #tpu.memory_space<hbm>>
        %dma_start3A_133 = arith.constant 0 : i32
        %dma_start3A_134 = tpu.memref_slice %arg8[%dma_start3A_133] : memref<126000xf32, #tpu.memory_space<vmem>> -> memref<94000xf32, #tpu.memory_space<vmem>>
        tpu.enqueue_dma source(%dma_start3A_134 : memref<94000xf32, #tpu.memory_space<vmem>>) target(%dma_start3A_132 : memref<94000xf32, #tpu.memory_space<hbm>>) target_semaphore(%run_scoped3A : memref<!tpu.dma_semaphore, #tpu.memory_space<semaphore_mem>>)
        %dma_wait3A = arith.constant 0 : i32
        %dma_wait3A_135 = tpu.memref_slice %arg8[%dma_wait3A] : memref<126000xf32, #tpu.memory_space<vmem>> -> memref<94000xf32, #tpu.memory_space<vmem>>
        %dma_wait3A_136 = tpu.memref_slice %arg7[%mul3A_128] : memref<4000000xf32, #tpu.memory_space<hbm>> -> memref<94000xf32, #tpu.memory_space<hbm>>
        %dma_wait3A_137 = tpu.memref_slice %arg7[%mul3A_128] : memref<4000000xf32, #tpu.memory_space<hbm>> -> memref<94000xf32, #tpu.memory_space<hbm>>
        %dma_wait3A_138 = arith.constant 0 : i32
        %dma_wait3A_139 = tpu.memref_slice %arg8[%dma_wait3A_138] : memref<126000xf32, #tpu.memory_space<vmem>> -> memref<94000xf32, #tpu.memory_space<vmem>>
        tpu.wait_dma2 semaphore(%run_scoped3A : memref<!tpu.dma_semaphore, #tpu.memory_space<semaphore_mem>>) src(%dma_wait3A_139 : memref<94000xf32, #tpu.memory_space<vmem>>) dst(%dma_wait3A_137 : memref<94000xf32, #tpu.memory_space<hbm>>)
        tpu.yield
      }) : () -> ()
    } else {
    }
    return
  }
}

module attributes {stable_mosaic.version = 14 : i64} {
  func.func @_fused_body(%arg0: i32, %arg1: memref<400x128xf32, #tpu.memory_space<vmem>>, %arg2: memref<128x128xf32, #tpu.memory_space<vmem>>, %arg3: memref<1x128xf32, #tpu.memory_space<vmem>>, %arg4: memref<400x128xf32, #tpu.memory_space<vmem>>, %arg5: memref<128x128xf32, #tpu.memory_space<vmem>>, %arg6: memref<1x128xf32, #tpu.memory_space<vmem>>, %arg7: memref<128x128xf32, #tpu.memory_space<vmem>>, %arg8: memref<1x128xf32, #tpu.memory_space<vmem>>, %arg9: memref<256x128xf32, #tpu.memory_space<vmem>>, %arg10: memref<2x2xf32, #tpu.memory_space<smem>>, %arg11: memref<128x128xf32, #tpu.memory_space<vmem>>, %arg12: memref<1x128xf32, #tpu.memory_space<vmem>>, %arg13: memref<256x128xf32, #tpu.memory_space<vmem>>, %arg14: memref<2x2xf32, #tpu.memory_space<smem>>, %arg15: memref<400x2000xf32, #tpu.memory_space<vmem>>, %arg16: memref<400x2000xf32, #tpu.memory_space<vmem>>, %arg17: memref<128x128xf32, #tpu.memory_space<vmem>>, %arg18: memref<1x128xf32, #tpu.memory_space<vmem>>, %arg19: memref<400x128xf32, #tpu.memory_space<vmem>>, %arg20: memref<10000x128xf32, #tpu.memory_space<vmem>>, %arg21: memref<10000x128xf32, #tpu.memory_space<vmem>>) attributes {dimension_semantics = [#tpu.dimension_semantics<arbitrary>], iteration_bounds = array<i64: 70>, scalar_prefetch = 0 : i64, scratch_operands = 2 : i64, tpu.core_type = #tpu.core_type<tc>, window_params = [{transform_indices = @transform_0, window_bounds = array<i64: 400, 128>}, {pipeline_mode = #tpu.pipeline_mode<synchronous>, transform_indices = @transform_1, window_bounds = array<i64: 128, 128>}, {pipeline_mode = #tpu.pipeline_mode<synchronous>, transform_indices = @transform_2, window_bounds = array<i64: 1, 128>}, {transform_indices = @transform_3, window_bounds = array<i64: 400, 128>}, {pipeline_mode = #tpu.pipeline_mode<synchronous>, transform_indices = @transform_4, window_bounds = array<i64: 128, 128>}, {pipeline_mode = #tpu.pipeline_mode<synchronous>, transform_indices = @transform_5, window_bounds = array<i64: 1, 128>}, {pipeline_mode = #tpu.pipeline_mode<synchronous>, transform_indices = @transform_6, window_bounds = array<i64: 128, 128>}, {pipeline_mode = #tpu.pipeline_mode<synchronous>, transform_indices = @transform_7, window_bounds = array<i64: 1, 128>}, {pipeline_mode = #tpu.pipeline_mode<synchronous>, transform_indices = @transform_8, window_bounds = array<i64: 256, 128>}, {transform_indices = @transform_9, window_bounds = array<i64: 2, 2>}, {pipeline_mode = #tpu.pipeline_mode<synchronous>, transform_indices = @transform_10, window_bounds = array<i64: 128, 128>}, {pipeline_mode = #tpu.pipeline_mode<synchronous>, transform_indices = @transform_11, window_bounds = array<i64: 1, 128>}, {pipeline_mode = #tpu.pipeline_mode<synchronous>, transform_indices = @transform_12, window_bounds = array<i64: 256, 128>}, {transform_indices = @transform_13, window_bounds = array<i64: 2, 2>}, {transform_indices = @transform_14, window_bounds = array<i64: 400, 2000>}, {transform_indices = @transform_15, window_bounds = array<i64: 400, 2000>}, {pipeline_mode = #tpu.pipeline_mode<synchronous>, transform_indices = @transform_16, window_bounds = array<i64: 128, 128>}, {pipeline_mode = #tpu.pipeline_mode<synchronous>, transform_indices = @transform_17, window_bounds = array<i64: 1, 128>}, {transform_indices = @transform_18, window_bounds = array<i64: 400, 128>}]} {
    %lt3A = arith.constant 20 : i32
    %lt3A_0 = arith.cmpi slt, %arg0, %lt3A : i32
    %convert_element_type3A = arith.extui %lt3A_0 : i1 to i32
    %cond3A = arith.constant 0 : i32
    %cond3A_1 = arith.cmpi ne, %convert_element_type3A, %cond3A : i32
    scf.if %cond3A_1 {
      %get3A = arith.constant 0 : index
      %get3A_48 = arith.constant 0 : index
      %get3A_49 = vector.load %arg1[%get3A, %get3A_48] : memref<400x128xf32, #tpu.memory_space<vmem>>, vector<400x128xf32>
      %get3A_50 = arith.constant 0 : index
      %get3A_51 = arith.constant 0 : index
      %get3A_52 = vector.load %arg2[%get3A_50, %get3A_51] : memref<128x128xf32, #tpu.memory_space<vmem>>, vector<128x128xf32>
      %dot_general3A = arith.constant dense<0.000000e+00> : vector<400x128xf32>
      %dot_general3A_53 = tpu.matmul %get3A_49, %get3A_52, %dot_general3A {dimension_numbers = #tpu.dot_dimension_numbers<[1], [0], [0], [1], [0, 0, 1, 1], [], []>, transpose_lhs_hint = false} : vector<400x128xf32>, vector<128x128xf32>, vector<400x128xf32> -> vector<400x128xf32>
      %get3A_54 = arith.constant 0 : index
      %get3A_55 = arith.constant 0 : index
      %get3A_56 = vector.load %arg3[%get3A_54, %get3A_55] : memref<1x128xf32, #tpu.memory_space<vmem>>, vector<1x128xf32>
      %add3A = vector.broadcast %get3A_56 : vector<1x128xf32> to vector<400x128xf32>
      %add3A_57 = arith.addf %dot_general3A_53, %add3A : vector<400x128xf32>
      %max3A = arith.constant 0.000000e+00 : f32
      %max3A_58 = vector.broadcast %max3A : f32 to vector<400x128xf32>
      %max3A_59 = arith.maximumf %add3A_57, %max3A_58 : vector<400x128xf32>
      %mul3A = arith.constant 400 : i32
      %mul3A_60 = arith.muli %arg0, %mul3A : i32
      %swap3A = arith.index_cast %mul3A_60 : i32 to index
      %swap3A_61 = arith.constant 0 : index
      %swap3A_62 = vector.load %arg20[%swap3A, %swap3A_61] : memref<10000x128xf32, #tpu.memory_space<vmem>>, vector<400x128xf32>
      tpu.vector_store %arg20[%swap3A, %swap3A_61], %max3A_59 {strides = array<i32>} : memref<10000x128xf32, #tpu.memory_space<vmem>>, vector<400x128xf32>,
    } else {
    }
    %ge3A = arith.constant 20 : i32
    %ge3A_2 = arith.cmpi sge, %arg0, %ge3A : i32
    %lt3A_3 = arith.constant 25 : i32
    %lt3A_4 = arith.cmpi slt, %arg0, %lt3A_3 : i32
    %and3A = arith.andi %ge3A_2, %lt3A_4 : i1
    %convert_element_type3A_5 = arith.extui %and3A : i1 to i32
    %cond3A_6 = arith.constant 0 : i32
    %cond3A_7 = arith.cmpi ne, %convert_element_type3A_5, %cond3A_6 : i32
    scf.if %cond3A_7 {
      %get3A = arith.constant 0 : index
      %get3A_48 = arith.constant 0 : index
      %get3A_49 = vector.load %arg4[%get3A, %get3A_48] : memref<400x128xf32, #tpu.memory_space<vmem>>, vector<400x128xf32>
      %get3A_50 = arith.constant 0 : index
      %get3A_51 = arith.constant 0 : index
      %get3A_52 = vector.load %arg5[%get3A_50, %get3A_51] : memref<128x128xf32, #tpu.memory_space<vmem>>, vector<128x128xf32>
      %dot_general3A = arith.constant dense<0.000000e+00> : vector<400x128xf32>
      %dot_general3A_53 = tpu.matmul %get3A_49, %get3A_52, %dot_general3A {dimension_numbers = #tpu.dot_dimension_numbers<[1], [0], [0], [1], [0, 0, 1, 1], [], []>, transpose_lhs_hint = false} : vector<400x128xf32>, vector<128x128xf32>, vector<400x128xf32> -> vector<400x128xf32>
      %get3A_54 = arith.constant 0 : index
      %get3A_55 = arith.constant 0 : index
      %get3A_56 = vector.load %arg6[%get3A_54, %get3A_55] : memref<1x128xf32, #tpu.memory_space<vmem>>, vector<1x128xf32>
      %add3A = vector.broadcast %get3A_56 : vector<1x128xf32> to vector<400x128xf32>
      %add3A_57 = arith.addf %dot_general3A_53, %add3A : vector<400x128xf32>
      %max3A = arith.constant 0.000000e+00 : f32
      %max3A_58 = vector.broadcast %max3A : f32 to vector<400x128xf32>
      %max3A_59 = arith.maximumf %add3A_57, %max3A_58 : vector<400x128xf32>
      %mul3A = arith.constant 400 : i32
      %mul3A_60 = arith.muli %arg0, %mul3A : i32
      %swap3A = arith.index_cast %mul3A_60 : i32 to index
      %swap3A_61 = arith.constant 0 : index
      %swap3A_62 = vector.load %arg20[%swap3A, %swap3A_61] : memref<10000x128xf32, #tpu.memory_space<vmem>>, vector<400x128xf32>
      tpu.vector_store %arg20[%swap3A, %swap3A_61], %max3A_59 {strides = array<i32>} : memref<10000x128xf32, #tpu.memory_space<vmem>>, vector<400x128xf32>,
    } else {
    }
    %sub3A = arith.constant 25 : i32
    %sub3A_8 = arith.subi %arg0, %sub3A : i32
    %ge3A_9 = arith.constant 25 : i32
    %ge3A_10 = arith.cmpi sge, %arg0, %ge3A_9 : i32
    %lt3A_11 = arith.constant 30 : i32
    %lt3A_12 = arith.cmpi slt, %arg0, %lt3A_11 : i32
    %and3A_13 = arith.andi %ge3A_10, %lt3A_12 : i1
    %convert_element_type3A_14 = arith.extui %and3A_13 : i1 to i32
    %cond3A_15 = arith.constant 0 : i32
    %cond3A_16 = arith.cmpi ne, %convert_element_type3A_14, %cond3A_15 : i32
    scf.if %cond3A_16 {
      %mul3A = arith.constant 400 : i32
      %mul3A_48 = arith.muli %sub3A_8, %mul3A : i32
      %get3A = arith.index_cast %mul3A_48 : i32 to index
      %get3A_49 = arith.constant 0 : index
      %get3A_50 = vector.load %arg20[%get3A, %get3A_49] : memref<10000x128xf32, #tpu.memory_space<vmem>>, vector<400x128xf32>
      %get3A_51 = arith.constant 0 : index
      %get3A_52 = arith.constant 0 : index
      %get3A_53 = vector.load %arg7[%get3A_51, %get3A_52] : memref<128x128xf32, #tpu.memory_space<vmem>>, vector<128x128xf32>
      %dot_general3A = arith.constant dense<0.000000e+00> : vector<400x128xf32>
      %dot_general3A_54 = tpu.matmul %get3A_50, %get3A_53, %dot_general3A {dimension_numbers = #tpu.dot_dimension_numbers<[1], [0], [0], [1], [0, 0, 1, 1], [], []>, transpose_lhs_hint = false} : vector<400x128xf32>, vector<128x128xf32>, vector<400x128xf32> -> vector<400x128xf32>
      %get3A_55 = arith.constant 0 : index
      %get3A_56 = arith.constant 0 : index
      %get3A_57 = vector.load %arg8[%get3A_55, %get3A_56] : memref<1x128xf32, #tpu.memory_space<vmem>>, vector<1x128xf32>
      %add3A = vector.broadcast %get3A_57 : vector<1x128xf32> to vector<400x128xf32>
      %add3A_58 = arith.addf %dot_general3A_54, %add3A : vector<400x128xf32>
      %get3A_59 = arith.constant 0 : index
      %get3A_60 = arith.constant 0 : index
      %get3A_61 = vector.load %arg16[%get3A_59, %get3A_60] : memref<400x2000xf32, #tpu.memory_space<vmem>>, vector<400x2000xf32>
      %get3A_62 = arith.constant 8000 : index
      %get3A_63 = arith.constant 0 : index
      %get3A_64 = vector.load %arg20[%get3A_62, %get3A_63] : memref<10000x128xf32, #tpu.memory_space<vmem>>, vector<2000x128xf32>
      %dot_general3A_65 = arith.constant dense<0.000000e+00> : vector<400x128xf32>
      %dot_general3A_66 = tpu.matmul %get3A_61, %get3A_64, %dot_general3A_65 {dimension_numbers = #tpu.dot_dimension_numbers<[1], [0], [0], [1], [0, 0, 1, 1], [], []>, transpose_lhs_hint = false} : vector<400x2000xf32>, vector<2000x128xf32>, vector<400x128xf32> -> vector<400x128xf32>
      %get3A_67 = arith.constant 1 : index
      %get3A_68 = arith.constant 0 : index
      %get3A_69 = memref.load %arg10[%get3A_67, %get3A_68] : memref<2x2xf32, #tpu.memory_space<smem>>
      %get3A_70 = arith.constant 0 : index
      %get3A_71 = arith.constant 0 : index
      %get3A_72 = vector.load %arg9[%get3A_70, %get3A_71] : memref<256x128xf32, #tpu.memory_space<vmem>>, vector<128x128xf32>
      %mul3A_73 = vector.broadcast %get3A_69 : f32 to vector<128x128xf32>
      %mul3A_74 = arith.mulf %mul3A_73, %get3A_72 : vector<128x128xf32>
      %get3A_75 = arith.constant 1 : index
      %get3A_76 = arith.constant 1 : index
      %get3A_77 = memref.load %arg10[%get3A_75, %get3A_76] : memref<2x2xf32, #tpu.memory_space<smem>>
      %get3A_78 = arith.constant 128 : index
      %get3A_79 = arith.constant 0 : index
      %get3A_80 = vector.load %arg9[%get3A_78, %get3A_79] : memref<256x128xf32, #tpu.memory_space<vmem>>, vector<128x128xf32>
      %mul3A_81 = vector.broadcast %get3A_77 : f32 to vector<128x128xf32>
      %mul3A_82 = arith.mulf %mul3A_81, %get3A_80 : vector<128x128xf32>
      %add3A_83 = arith.addf %mul3A_74, %mul3A_82 : vector<128x128xf32>
      %dot_general3A_84 = arith.constant dense<0.000000e+00> : vector<400x128xf32>
      %dot_general3A_85 = tpu.matmul %dot_general3A_66, %add3A_83, %dot_general3A_84 {dimension_numbers = #tpu.dot_dimension_numbers<[1], [0], [0], [1], [0, 0, 1, 1], [], []>, transpose_lhs_hint = false} : vector<400x128xf32>, vector<128x128xf32>, vector<400x128xf32> -> vector<400x128xf32>
      %add3A_86 = arith.addf %add3A_58, %dot_general3A_85 : vector<400x128xf32>
      %max3A = arith.constant 0.000000e+00 : f32
      %max3A_87 = vector.broadcast %max3A : f32 to vector<400x128xf32>
      %max3A_88 = arith.maximumf %add3A_86, %max3A_87 : vector<400x128xf32>
      %mul3A_89 = arith.constant 400 : i32
      %mul3A_90 = arith.muli %sub3A_8, %mul3A_89 : i32
      %swap3A = arith.index_cast %mul3A_90 : i32 to index
      %swap3A_91 = arith.constant 0 : index
      %swap3A_92 = vector.load %arg21[%swap3A, %swap3A_91] : memref<10000x128xf32, #tpu.memory_space<vmem>>, vector<400x128xf32>
      tpu.vector_store %arg21[%swap3A, %swap3A_91], %max3A_88 {strides = array<i32>} : memref<10000x128xf32, #tpu.memory_space<vmem>>, vector<400x128xf32>,
    } else {
    }
    %ge3A_17 = arith.constant 30 : i32
    %ge3A_18 = arith.cmpi sge, %arg0, %ge3A_17 : i32
    %lt3A_19 = arith.constant 45 : i32
    %lt3A_20 = arith.cmpi slt, %arg0, %lt3A_19 : i32
    %and3A_21 = arith.andi %ge3A_18, %lt3A_20 : i1
    %convert_element_type3A_22 = arith.extui %and3A_21 : i1 to i32
    %cond3A_23 = arith.constant 0 : i32
    %cond3A_24 = arith.cmpi ne, %convert_element_type3A_22, %cond3A_23 : i32
    scf.if %cond3A_24 {
      %mul3A = arith.constant 400 : i32
      %mul3A_48 = arith.muli %sub3A_8, %mul3A : i32
      %get3A = arith.index_cast %mul3A_48 : i32 to index
      %get3A_49 = arith.constant 0 : index
      %get3A_50 = vector.load %arg20[%get3A, %get3A_49] : memref<10000x128xf32, #tpu.memory_space<vmem>>, vector<400x128xf32>
      %get3A_51 = arith.constant 0 : index
      %get3A_52 = arith.constant 0 : index
      %get3A_53 = vector.load %arg7[%get3A_51, %get3A_52] : memref<128x128xf32, #tpu.memory_space<vmem>>, vector<128x128xf32>
      %dot_general3A = arith.constant dense<0.000000e+00> : vector<400x128xf32>
      %dot_general3A_54 = tpu.matmul %get3A_50, %get3A_53, %dot_general3A {dimension_numbers = #tpu.dot_dimension_numbers<[1], [0], [0], [1], [0, 0, 1, 1], [], []>, transpose_lhs_hint = false} : vector<400x128xf32>, vector<128x128xf32>, vector<400x128xf32> -> vector<400x128xf32>
      %get3A_55 = arith.constant 0 : index
      %get3A_56 = arith.constant 0 : index
      %get3A_57 = vector.load %arg8[%get3A_55, %get3A_56] : memref<1x128xf32, #tpu.memory_space<vmem>>, vector<1x128xf32>
      %add3A = vector.broadcast %get3A_57 : vector<1x128xf32> to vector<400x128xf32>
      %add3A_58 = arith.addf %dot_general3A_54, %add3A : vector<400x128xf32>
      %max3A = arith.constant 0.000000e+00 : f32
      %max3A_59 = vector.broadcast %max3A : f32 to vector<400x128xf32>
      %max3A_60 = arith.maximumf %add3A_58, %max3A_59 : vector<400x128xf32>
      %mul3A_61 = arith.constant 400 : i32
      %mul3A_62 = arith.muli %sub3A_8, %mul3A_61 : i32
      %swap3A = arith.index_cast %mul3A_62 : i32 to index
      %swap3A_63 = arith.constant 0 : index
      %swap3A_64 = vector.load %arg21[%swap3A, %swap3A_63] : memref<10000x128xf32, #tpu.memory_space<vmem>>, vector<400x128xf32>
      tpu.vector_store %arg21[%swap3A, %swap3A_63], %max3A_60 {strides = array<i32>} : memref<10000x128xf32, #tpu.memory_space<vmem>>, vector<400x128xf32>,
    } else {
    }
    %ge3A_25 = arith.constant 45 : i32
    %ge3A_26 = arith.cmpi sge, %arg0, %ge3A_25 : i32
    %lt3A_27 = arith.constant 50 : i32
    %lt3A_28 = arith.cmpi slt, %arg0, %lt3A_27 : i32
    %and3A_29 = arith.andi %ge3A_26, %lt3A_28 : i1
    %convert_element_type3A_30 = arith.extui %and3A_29 : i1 to i32
    %cond3A_31 = arith.constant 0 : i32
    %cond3A_32 = arith.cmpi ne, %convert_element_type3A_30, %cond3A_31 : i32
    scf.if %cond3A_32 {
      %mul3A = arith.constant 400 : i32
      %mul3A_48 = arith.muli %sub3A_8, %mul3A : i32
      %get3A = arith.index_cast %mul3A_48 : i32 to index
      %get3A_49 = arith.constant 0 : index
      %get3A_50 = vector.load %arg20[%get3A, %get3A_49] : memref<10000x128xf32, #tpu.memory_space<vmem>>, vector<400x128xf32>
      %get3A_51 = arith.constant 0 : index
      %get3A_52 = arith.constant 0 : index
      %get3A_53 = vector.load %arg7[%get3A_51, %get3A_52] : memref<128x128xf32, #tpu.memory_space<vmem>>, vector<128x128xf32>
      %dot_general3A = arith.constant dense<0.000000e+00> : vector<400x128xf32>
      %dot_general3A_54 = tpu.matmul %get3A_50, %get3A_53, %dot_general3A {dimension_numbers = #tpu.dot_dimension_numbers<[1], [0], [0], [1], [0, 0, 1, 1], [], []>, transpose_lhs_hint = false} : vector<400x128xf32>, vector<128x128xf32>, vector<400x128xf32> -> vector<400x128xf32>
      %get3A_55 = arith.constant 0 : index
      %get3A_56 = arith.constant 0 : index
      %get3A_57 = vector.load %arg8[%get3A_55, %get3A_56] : memref<1x128xf32, #tpu.memory_space<vmem>>, vector<1x128xf32>
      %add3A = vector.broadcast %get3A_57 : vector<1x128xf32> to vector<400x128xf32>
      %add3A_58 = arith.addf %dot_general3A_54, %add3A : vector<400x128xf32>
      %get3A_59 = arith.constant 0 : index
      %get3A_60 = arith.constant 0 : index
      %get3A_61 = vector.load %arg15[%get3A_59, %get3A_60] : memref<400x2000xf32, #tpu.memory_space<vmem>>, vector<400x2000xf32>
      %get3A_62 = arith.constant 0 : index
      %get3A_63 = arith.constant 0 : index
      %get3A_64 = vector.load %arg20[%get3A_62, %get3A_63] : memref<10000x128xf32, #tpu.memory_space<vmem>>, vector<2000x128xf32>
      %dot_general3A_65 = arith.constant dense<0.000000e+00> : vector<400x128xf32>
      %dot_general3A_66 = tpu.matmul %get3A_61, %get3A_64, %dot_general3A_65 {dimension_numbers = #tpu.dot_dimension_numbers<[1], [0], [0], [1], [0, 0, 1, 1], [], []>, transpose_lhs_hint = false} : vector<400x2000xf32>, vector<2000x128xf32>, vector<400x128xf32> -> vector<400x128xf32>
      %get3A_67 = arith.constant 0 : index
      %get3A_68 = arith.constant 0 : index
      %get3A_69 = memref.load %arg10[%get3A_67, %get3A_68] : memref<2x2xf32, #tpu.memory_space<smem>>
      %get3A_70 = arith.constant 0 : index
      %get3A_71 = arith.constant 0 : index
      %get3A_72 = vector.load %arg9[%get3A_70, %get3A_71] : memref<256x128xf32, #tpu.memory_space<vmem>>, vector<128x128xf32>
      %mul3A_73 = vector.broadcast %get3A_69 : f32 to vector<128x128xf32>
      %mul3A_74 = arith.mulf %mul3A_73, %get3A_72 : vector<128x128xf32>
      %get3A_75 = arith.constant 0 : index
      %get3A_76 = arith.constant 1 : index
      %get3A_77 = memref.load %arg10[%get3A_75, %get3A_76] : memref<2x2xf32, #tpu.memory_space<smem>>
      %get3A_78 = arith.constant 128 : index
      %get3A_79 = arith.constant 0 : index
      %get3A_80 = vector.load %arg9[%get3A_78, %get3A_79] : memref<256x128xf32, #tpu.memory_space<vmem>>, vector<128x128xf32>
      %mul3A_81 = vector.broadcast %get3A_77 : f32 to vector<128x128xf32>
      %mul3A_82 = arith.mulf %mul3A_81, %get3A_80 : vector<128x128xf32>
      %add3A_83 = arith.addf %mul3A_74, %mul3A_82 : vector<128x128xf32>
      %dot_general3A_84 = arith.constant dense<0.000000e+00> : vector<400x128xf32>
      %dot_general3A_85 = tpu.matmul %dot_general3A_66, %add3A_83, %dot_general3A_84 {dimension_numbers = #tpu.dot_dimension_numbers<[1], [0], [0], [1], [0, 0, 1, 1], [], []>, transpose_lhs_hint = false} : vector<400x128xf32>, vector<128x128xf32>, vector<400x128xf32> -> vector<400x128xf32>
      %add3A_86 = arith.addf %add3A_58, %dot_general3A_85 : vector<400x128xf32>
      %max3A = arith.constant 0.000000e+00 : f32
      %max3A_87 = vector.broadcast %max3A : f32 to vector<400x128xf32>
      %max3A_88 = arith.maximumf %add3A_86, %max3A_87 : vector<400x128xf32>
      %mul3A_89 = arith.constant 400 : i32
      %mul3A_90 = arith.muli %sub3A_8, %mul3A_89 : i32
      %swap3A = arith.index_cast %mul3A_90 : i32 to index
      %swap3A_91 = arith.constant 0 : index
      %swap3A_92 = vector.load %arg21[%swap3A, %swap3A_91] : memref<10000x128xf32, #tpu.memory_space<vmem>>, vector<400x128xf32>
      tpu.vector_store %arg21[%swap3A, %swap3A_91], %max3A_88 {strides = array<i32>} : memref<10000x128xf32, #tpu.memory_space<vmem>>, vector<400x128xf32>,
    } else {
    }
    %sub3A_33 = arith.constant 50 : i32
    %sub3A_34 = arith.subi %arg0, %sub3A_33 : i32
    %ge3A_35 = arith.constant 50 : i32
    %ge3A_36 = arith.cmpi sge, %arg0, %ge3A_35 : i32
    %lt3A_37 = arith.constant 55 : i32
    %lt3A_38 = arith.cmpi slt, %arg0, %lt3A_37 : i32
    %and3A_39 = arith.andi %ge3A_36, %lt3A_38 : i1
    %convert_element_type3A_40 = arith.extui %and3A_39 : i1 to i32
    %cond3A_41 = arith.constant 0 : i32
    %cond3A_42 = arith.cmpi ne, %convert_element_type3A_40, %cond3A_41 : i32
    scf.if %cond3A_42 {
      %mul3A = arith.constant 400 : i32
      %mul3A_48 = arith.muli %sub3A_34, %mul3A : i32
      %get3A = arith.index_cast %mul3A_48 : i32 to index
      %get3A_49 = arith.constant 0 : index
      %get3A_50 = vector.load %arg21[%get3A, %get3A_49] : memref<10000x128xf32, #tpu.memory_space<vmem>>, vector<400x128xf32>
      %get3A_51 = arith.constant 0 : index
      %get3A_52 = arith.constant 0 : index
      %get3A_53 = vector.load %arg11[%get3A_51, %get3A_52] : memref<128x128xf32, #tpu.memory_space<vmem>>, vector<128x128xf32>
      %dot_general3A = arith.constant dense<0.000000e+00> : vector<400x128xf32>
      %dot_general3A_54 = tpu.matmul %get3A_50, %get3A_53, %dot_general3A {dimension_numbers = #tpu.dot_dimension_numbers<[1], [0], [0], [1], [0, 0, 1, 1], [], []>, transpose_lhs_hint = false} : vector<400x128xf32>, vector<128x128xf32>, vector<400x128xf32> -> vector<400x128xf32>
      %get3A_55 = arith.constant 0 : index
      %get3A_56 = arith.constant 0 : index
      %get3A_57 = vector.load %arg12[%get3A_55, %get3A_56] : memref<1x128xf32, #tpu.memory_space<vmem>>, vector<1x128xf32>
      %add3A = vector.broadcast %get3A_57 : vector<1x128xf32> to vector<400x128xf32>
      %add3A_58 = arith.addf %dot_general3A_54, %add3A : vector<400x128xf32>
      %get3A_59 = arith.constant 0 : index
      %get3A_60 = arith.constant 0 : index
      %get3A_61 = vector.load %arg16[%get3A_59, %get3A_60] : memref<400x2000xf32, #tpu.memory_space<vmem>>, vector<400x2000xf32>
      %get3A_62 = arith.constant 8000 : index
      %get3A_63 = arith.constant 0 : index
      %get3A_64 = vector.load %arg21[%get3A_62, %get3A_63] : memref<10000x128xf32, #tpu.memory_space<vmem>>, vector<2000x128xf32>
      %dot_general3A_65 = arith.constant dense<0.000000e+00> : vector<400x128xf32>
      %dot_general3A_66 = tpu.matmul %get3A_61, %get3A_64, %dot_general3A_65 {dimension_numbers = #tpu.dot_dimension_numbers<[1], [0], [0], [1], [0, 0, 1, 1], [], []>, transpose_lhs_hint = false} : vector<400x2000xf32>, vector<2000x128xf32>, vector<400x128xf32> -> vector<400x128xf32>
      %get3A_67 = arith.constant 1 : index
      %get3A_68 = arith.constant 0 : index
      %get3A_69 = memref.load %arg14[%get3A_67, %get3A_68] : memref<2x2xf32, #tpu.memory_space<smem>>
      %get3A_70 = arith.constant 0 : index
      %get3A_71 = arith.constant 0 : index
      %get3A_72 = vector.load %arg13[%get3A_70, %get3A_71] : memref<256x128xf32, #tpu.memory_space<vmem>>, vector<128x128xf32>
      %mul3A_73 = vector.broadcast %get3A_69 : f32 to vector<128x128xf32>
      %mul3A_74 = arith.mulf %mul3A_73, %get3A_72 : vector<128x128xf32>
      %get3A_75 = arith.constant 1 : index
      %get3A_76 = arith.constant 1 : index
      %get3A_77 = memref.load %arg14[%get3A_75, %get3A_76] : memref<2x2xf32, #tpu.memory_space<smem>>
      %get3A_78 = arith.constant 128 : index
      %get3A_79 = arith.constant 0 : index
      %get3A_80 = vector.load %arg13[%get3A_78, %get3A_79] : memref<256x128xf32, #tpu.memory_space<vmem>>, vector<128x128xf32>
      %mul3A_81 = vector.broadcast %get3A_77 : f32 to vector<128x128xf32>
      %mul3A_82 = arith.mulf %mul3A_81, %get3A_80 : vector<128x128xf32>
      %add3A_83 = arith.addf %mul3A_74, %mul3A_82 : vector<128x128xf32>
      %dot_general3A_84 = arith.constant dense<0.000000e+00> : vector<400x128xf32>
      %dot_general3A_85 = tpu.matmul %dot_general3A_66, %add3A_83, %dot_general3A_84 {dimension_numbers = #tpu.dot_dimension_numbers<[1], [0], [0], [1], [0, 0, 1, 1], [], []>, transpose_lhs_hint = false} : vector<400x128xf32>, vector<128x128xf32>, vector<400x128xf32> -> vector<400x128xf32>
      %add3A_86 = arith.addf %add3A_58, %dot_general3A_85 : vector<400x128xf32>
      %max3A = arith.constant 0.000000e+00 : f32
      %max3A_87 = vector.broadcast %max3A : f32 to vector<400x128xf32>
      %max3A_88 = arith.maximumf %add3A_86, %max3A_87 : vector<400x128xf32>
      %get3A_89 = arith.constant 0 : index
      %get3A_90 = arith.constant 0 : index
      %get3A_91 = vector.load %arg17[%get3A_89, %get3A_90] : memref<128x128xf32, #tpu.memory_space<vmem>>, vector<128x128xf32>
      %dot_general3A_92 = arith.constant dense<0.000000e+00> : vector<400x128xf32>
      %dot_general3A_93 = tpu.matmul %max3A_88, %get3A_91, %dot_general3A_92 {dimension_numbers = #tpu.dot_dimension_numbers<[1], [0], [0], [1], [0, 0, 1, 1], [], []>, transpose_lhs_hint = false} : vector<400x128xf32>, vector<128x128xf32>, vector<400x128xf32> -> vector<400x128xf32>
      %get3A_94 = arith.constant 0 : index
      %get3A_95 = arith.constant 0 : index
      %get3A_96 = vector.load %arg18[%get3A_94, %get3A_95] : memref<1x128xf32, #tpu.memory_space<vmem>>, vector<1x128xf32>
      %add3A_97 = vector.broadcast %get3A_96 : vector<1x128xf32> to vector<400x128xf32>
      %add3A_98 = arith.addf %dot_general3A_93, %add3A_97 : vector<400x128xf32>
      %swap3A = arith.constant 0 : index
      %swap3A_99 = arith.constant 0 : index
      %swap3A_100 = vector.load %arg19[%swap3A, %swap3A_99] : memref<400x128xf32, #tpu.memory_space<vmem>>, vector<400x128xf32>
      tpu.vector_store %arg19[%swap3A, %swap3A_99], %add3A_98 {strides = array<i32>} : memref<400x128xf32, #tpu.memory_space<vmem>>, vector<400x128xf32>,
    } else {
    }
    %ge3A_43 = arith.constant 55 : i32
    %ge3A_44 = arith.cmpi sge, %arg0, %ge3A_43 : i32
    %convert_element_type3A_45 = arith.extui %ge3A_44 : i1 to i32
    %cond3A_46 = arith.constant 0 : i32
    %cond3A_47 = arith.cmpi ne, %convert_element_type3A_45, %cond3A_46 : i32
    scf.if %cond3A_47 {
      %mul3A = arith.constant 400 : i32
      %mul3A_48 = arith.muli %sub3A_34, %mul3A : i32
      %get3A = arith.index_cast %mul3A_48 : i32 to index
      %get3A_49 = arith.constant 0 : index
      %get3A_50 = vector.load %arg21[%get3A, %get3A_49] : memref<10000x128xf32, #tpu.memory_space<vmem>>, vector<400x128xf32>
      %get3A_51 = arith.constant 0 : index
      %get3A_52 = arith.constant 0 : index
      %get3A_53 = vector.load %arg11[%get3A_51, %get3A_52] : memref<128x128xf32, #tpu.memory_space<vmem>>, vector<128x128xf32>
      %dot_general3A = arith.constant dense<0.000000e+00> : vector<400x128xf32>
      %dot_general3A_54 = tpu.matmul %get3A_50, %get3A_53, %dot_general3A {dimension_numbers = #tpu.dot_dimension_numbers<[1], [0], [0], [1], [0, 0, 1, 1], [], []>, transpose_lhs_hint = false} : vector<400x128xf32>, vector<128x128xf32>, vector<400x128xf32> -> vector<400x128xf32>
      %get3A_55 = arith.constant 0 : index
      %get3A_56 = arith.constant 0 : index
      %get3A_57 = vector.load %arg12[%get3A_55, %get3A_56] : memref<1x128xf32, #tpu.memory_space<vmem>>, vector<1x128xf32>
      %add3A = vector.broadcast %get3A_57 : vector<1x128xf32> to vector<400x128xf32>
      %add3A_58 = arith.addf %dot_general3A_54, %add3A : vector<400x128xf32>
      %max3A = arith.constant 0.000000e+00 : f32
      %max3A_59 = vector.broadcast %max3A : f32 to vector<400x128xf32>
      %max3A_60 = arith.maximumf %add3A_58, %max3A_59 : vector<400x128xf32>
      %get3A_61 = arith.constant 0 : index
      %get3A_62 = arith.constant 0 : index
      %get3A_63 = vector.load %arg17[%get3A_61, %get3A_62] : memref<128x128xf32, #tpu.memory_space<vmem>>, vector<128x128xf32>
      %dot_general3A_64 = arith.constant dense<0.000000e+00> : vector<400x128xf32>
      %dot_general3A_65 = tpu.matmul %max3A_60, %get3A_63, %dot_general3A_64 {dimension_numbers = #tpu.dot_dimension_numbers<[1], [0], [0], [1], [0, 0, 1, 1], [], []>, transpose_lhs_hint = false} : vector<400x128xf32>, vector<128x128xf32>, vector<400x128xf32> -> vector<400x128xf32>
      %get3A_66 = arith.constant 0 : index
      %get3A_67 = arith.constant 0 : index
      %get3A_68 = vector.load %arg18[%get3A_66, %get3A_67] : memref<1x128xf32, #tpu.memory_space<vmem>>, vector<1x128xf32>
      %add3A_69 = vector.broadcast %get3A_68 : vector<1x128xf32> to vector<400x128xf32>
      %add3A_70 = arith.addf %dot_general3A_65, %add3A_69 : vector<400x128xf32>
      %swap3A = arith.constant 0 : index
      %swap3A_71 = arith.constant 0 : index
      %swap3A_72 = vector.load %arg19[%swap3A, %swap3A_71] : memref<400x128xf32, #tpu.memory_space<vmem>>, vector<400x128xf32>
      tpu.vector_store %arg19[%swap3A, %swap3A_71], %add3A_70 {strides = array<i32>} : memref<400x128xf32, #tpu.memory_space<vmem>>, vector<400x128xf32>,
    } else {
    }
    return
  }
  func.func @transform_0(%arg0: i32) -> (i32, i32) {
    %max3A = arith.constant 0 : i32
    %max3A_0 = arith.maxsi %arg0, %max3A : i32
    %min3A = arith.constant 19 : i32
    %min3A_1 = arith.minsi %max3A_0, %min3A : i32
    %c0_i32 = arith.constant 0 : i32
    %c0_i32_2 = arith.constant 0 : i32
    return %min3A_1, %c0_i32 : i32, i32
  }
  func.func @transform_1(%arg0: i32) -> (i32, i32) {
    %c0_i32 = arith.constant 0 : i32
    %c0_i32_0 = arith.constant 0 : i32
    %c0_i32_1 = arith.constant 0 : i32
    return %c0_i32, %c0_i32_0 : i32, i32
  }
  func.func @transform_2(%arg0: i32) -> (i32, i32) {
    %c0_i32 = arith.constant 0 : i32
    %c0_i32_0 = arith.constant 0 : i32
    %c0_i32_1 = arith.constant 0 : i32
    return %c0_i32, %c0_i32_0 : i32, i32
  }
  func.func @transform_3(%arg0: i32) -> (i32, i32) {
    %sub3A = arith.constant 20 : i32
    %sub3A_0 = arith.subi %arg0, %sub3A : i32
    %max3A = arith.constant 0 : i32
    %max3A_1 = arith.maxsi %sub3A_0, %max3A : i32
    %min3A = arith.constant 4 : i32
    %min3A_2 = arith.minsi %max3A_1, %min3A : i32
    %c0_i32 = arith.constant 0 : i32
    %c0_i32_3 = arith.constant 0 : i32
    return %min3A_2, %c0_i32 : i32, i32
  }
  func.func @transform_4(%arg0: i32) -> (i32, i32) {
    %c0_i32 = arith.constant 0 : i32
    %c0_i32_0 = arith.constant 0 : i32
    %c0_i32_1 = arith.constant 0 : i32
    return %c0_i32, %c0_i32_0 : i32, i32
  }
  func.func @transform_5(%arg0: i32) -> (i32, i32) {
    %c0_i32 = arith.constant 0 : i32
    %c0_i32_0 = arith.constant 0 : i32
    %c0_i32_1 = arith.constant 0 : i32
    return %c0_i32, %c0_i32_0 : i32, i32
  }
  func.func @transform_6(%arg0: i32) -> (i32, i32) {
    %c0_i32 = arith.constant 0 : i32
    %c0_i32_0 = arith.constant 0 : i32
    %c0_i32_1 = arith.constant 0 : i32
    return %c0_i32, %c0_i32_0 : i32, i32
  }
  func.func @transform_7(%arg0: i32) -> (i32, i32) {
    %c0_i32 = arith.constant 0 : i32
    %c0_i32_0 = arith.constant 0 : i32
    %c0_i32_1 = arith.constant 0 : i32
    return %c0_i32, %c0_i32_0 : i32, i32
  }
  func.func @transform_8(%arg0: i32) -> (i32, i32) {
    %c0_i32 = arith.constant 0 : i32
    %c0_i32_0 = arith.constant 0 : i32
    %c0_i32_1 = arith.constant 0 : i32
    return %c0_i32, %c0_i32_0 : i32, i32
  }
  func.func @transform_9(%arg0: i32) -> (i32, i32) {
    %c0_i32 = arith.constant 0 : i32
    %c0_i32_0 = arith.constant 0 : i32
    %c0_i32_1 = arith.constant 0 : i32
    return %c0_i32, %c0_i32_0 : i32, i32
  }
  func.func @transform_10(%arg0: i32) -> (i32, i32) {
    %c0_i32 = arith.constant 0 : i32
    %c0_i32_0 = arith.constant 0 : i32
    %c0_i32_1 = arith.constant 0 : i32
    return %c0_i32, %c0_i32_0 : i32, i32
  }
  func.func @transform_11(%arg0: i32) -> (i32, i32) {
    %c0_i32 = arith.constant 0 : i32
    %c0_i32_0 = arith.constant 0 : i32
    %c0_i32_1 = arith.constant 0 : i32
    return %c0_i32, %c0_i32_0 : i32, i32
  }
  func.func @transform_12(%arg0: i32) -> (i32, i32) {
    %c0_i32 = arith.constant 0 : i32
    %c0_i32_0 = arith.constant 0 : i32
    %c0_i32_1 = arith.constant 0 : i32
    return %c0_i32, %c0_i32_0 : i32, i32
  }
  func.func @transform_13(%arg0: i32) -> (i32, i32) {
    %c0_i32 = arith.constant 0 : i32
    %c0_i32_0 = arith.constant 0 : i32
    %c0_i32_1 = arith.constant 0 : i32
    return %c0_i32, %c0_i32_0 : i32, i32
  }
  func.func @transform_14(%arg0: i32) -> (i32, i32) {
    %sub3A = arith.constant 45 : i32
    %sub3A_0 = arith.subi %arg0, %sub3A : i32
    %max3A = arith.constant 0 : i32
    %max3A_1 = arith.maxsi %sub3A_0, %max3A : i32
    %min3A = arith.constant 4 : i32
    %min3A_2 = arith.minsi %max3A_1, %min3A : i32
    %c0_i32 = arith.constant 0 : i32
    %c0_i32_3 = arith.constant 0 : i32
    return %min3A_2, %c0_i32 : i32, i32
  }
  func.func @transform_15(%arg0: i32) -> (i32, i32) {
    %lt3A = arith.constant 50 : i32
    %lt3A_0 = arith.cmpi slt, %arg0, %lt3A : i32
    %sub3A = arith.constant 25 : i32
    %sub3A_1 = arith.subi %arg0, %sub3A : i32
    %max3A = arith.constant 0 : i32
    %max3A_2 = arith.maxsi %sub3A_1, %max3A : i32
    %min3A = arith.constant 4 : i32
    %min3A_3 = arith.minsi %max3A_2, %min3A : i32
    %sub3A_4 = arith.constant 50 : i32
    %sub3A_5 = arith.subi %arg0, %sub3A_4 : i32
    %max3A_6 = arith.constant 0 : i32
    %max3A_7 = arith.maxsi %sub3A_5, %max3A_6 : i32
    %min3A_8 = arith.constant 4 : i32
    %min3A_9 = arith.minsi %max3A_7, %min3A_8 : i32
    %select_n3A = arith.select %lt3A_0, %min3A_3, %min3A_9 : i32
    %c0_i32 = arith.constant 0 : i32
    %c0_i32_10 = arith.constant 0 : i32
    return %select_n3A, %c0_i32 : i32, i32
  }
  func.func @transform_16(%arg0: i32) -> (i32, i32) {
    %c0_i32 = arith.constant 0 : i32
    %c0_i32_0 = arith.constant 0 : i32
    %c0_i32_1 = arith.constant 0 : i32
    return %c0_i32, %c0_i32_0 : i32, i32
  }
  func.func @transform_17(%arg0: i32) -> (i32, i32) {
    %c0_i32 = arith.constant 0 : i32
    %c0_i32_0 = arith.constant 0 : i32
    %c0_i32_1 = arith.constant 0 : i32
    return %c0_i32, %c0_i32_0 : i32, i32
  }
  func.func @transform_18(%arg0: i32) -> (i32, i32) {
    %sub3A = arith.constant 50 : i32
    %sub3A_0 = arith.subi %arg0, %sub3A : i32
    %max3A = arith.constant 0 : i32
    %max3A_1 = arith.maxsi %sub3A_0, %max3A : i32
    %min3A = arith.constant 19 : i32
    %min3A_2 = arith.minsi %max3A_1, %min3A : i32
    %c0_i32 = arith.constant 0 : i32
    %c0_i32_3 = arith.constant 0 : i32
    return %min3A_2, %c0_i32 : i32, i32
  }
}

</mosaic_0001>

<sc_bundles>
// kernel: kernel.4.cloned.1.call-start
scs
__scs_entry_jumppad:
0x0: {  	(pc) =	sbr.rel $0x88, $3  }
0x1: {  	(tag) =	ssettag $0x0;
	lr =	simm.s32 $0x1  }
0x2: {  	[smem:$0x3F8F] =	sst lr;
	_ =	strace $0xD0000000  }
0x3: {  	_ = 	snop  }
0x4: {  	_ = 	snop  }
0x5: {  	_ = 	snop  }
0x6: {  	_ = 	snop  }
0x7: {  	_ = 	snop  }
__scs_overlays_trampoline_lowered:
0x8: {  	[smem:$0x3F9E] =	sst s0  }
0x9: {  	[smem:$0x3F9F] =	sst s1  }
0xa: {  	[smem:$0x3FA0] =	sst s2  }
0xb: {  	[smem:$0x3FA1] =	sst s3  }
0xc: {  	[smem:$0x3FA2] =	sst s4  }
0xd: {  	[smem:$0x3FA3] =	sst s5  }
0xe: {  	[smem:$0x3FA4] =	sst s6  }
0xf: {  	[smem:$0x3FA5] =	sst s7  }
0x10: {  	[smem:$0x3FA6] =	sst s8  }
0x11: {  	[smem:$0x3FA7] =	sst s9;
	s0 =	simm.s32 @!p0 $0x0  }
0x12: {  	s1 =	sld [smem:$0x3F8D];
	s0 =	simm.s32 @p0 $0x1  }
0x13: {  	[smem:$0x3FA8] =	sst s0;
	s0 =	simm.s32 @!p1 $0x0  }
0x14: {  	s2 =	sld [smem:$0x3F8C];
	s0 =	simm.s32 @p1 $0x1  }
0x15: {  	[smem:$0x3FA9] =	sst s0;
	s0 =	simm.s32 @!p2 $0x0  }
0x16: {  	s3 =	sld [smem:$0x3FDB];
	s0 =	simm.s32 @p2 $0x1  }
0x17: {  	s4 =	simm.s32 $0x1BF5;
	[smem:$0x3FAB] =	sst s0  }
0x18: {  	s0 =	sld [smem:$0x3F8E];
	_ =	swait.ge [sflag:s4], $0x0  }
0x19: {  	s7 =	sld [smem:$0x3F8F]  }
0x1a: {  	s8 =	sadd.s32 $0xFFFFE003, lr  }
0x1b: {  	s9 =	sadd.s32 $0xFFFFFEF7, lr;
	s5 =	simm.s32 $0xFFFFFFFF;
	p2 =	slt.u32 s8, $0xFFFFF086  }
0x1c: {  	p1 =	slt.u32 s9, $0xF7A;
	s5 =	simm.s32 @!p2 $0x0  }
0x1d: {  	s5 =	simm.s32 @p1 $0x1;
	p0 =	seq.s32 s7, s2  }
0x1e: {  	s7 =	smul.u32 @!p0 $0xF7A, s2;
	p2 =	seq.s32 @!p0 s5, $0x0  }
0x1f: {  	s9 =	smul.u32 $0xF7A, s1;
	s8 =	simm.s32 @!p0 $0x1BF5;
	p2 =	por !p2, p0  }
0x20: {  	[sflag:s8] =	ssyncset.s32 @!p0 $0xFFFFF086;
	s6 =	sadd.s32 @!p0 s3, s7;
	s7 =	simm.s32 @!p0 $0x108  }
0x21: {  	s3 =	sadd.s32 s3, s9;
	s6 =	sadd.s32 @!p0 $0x88, s6;
	s7 =	simm.s32 @p2 $0x1082  }
0x22: {  	[simem:s7], [sflag:s8] =	dma.local @!p0 [hbm:s6], $0xF7A  }
0x23: {  	s9 =	sor.u32 $0xD0000000, s2;
	s6 =	simm.s32 $0x108;
	_ =	swait.ge @!p0 [sflag:s8], $0x0  }
0x24: {  	s3 =	sadd.s32 $0x88, s3;
	s6 =	simm.s32 @!p1 $0x1082;
	[sflag:s4] =	ssyncset.s32 $0xFFFFF086  }
0x25: {  	[simem:s6], [sflag:s4] =	dma.local [hbm:s3], $0xF7A  }
0x26: {  	[smem:$0x3F8F] =	sst s1;
	(tag) =	ssettag s2;
	_ =	strace s9  }
0x27: {  	s1 =	sld [smem:$0x3F9F]  }
0x28: {  	s2 =	sld [smem:$0x3FA0]  }
0x29: {  	s4 =	sld [smem:$0x3FA2]  }
0x2a: {  	p0 =	seq.s32 s5, $0x0;
	s5 =	sld [smem:$0x3FA3]  }
0x2b: {  	s6 =	sld [smem:$0x3FA4]  }
0x2c: {  	s7 =	sld [smem:$0x3FA5]  }
0x2d: {  	s3 =	simm.s32 $0x108;
	s8 =	sld [smem:$0x3FA6]  }
0x2e: {  	s3 =	simm.s32 @!p0 $0x1082;
	s9 =	sld [smem:$0x3FA7]  }
0x2f: {  	lr =	sadd.s32 s0, s3;
	s0 =	sld [smem:$0x3F9E]  }
0x30: {  	s3 =	sld [smem:$0x3FA1]  }
0x31: {  	[smem:$0x3FAA] =	sst s10  }
0x32: {  	s10 =	sld [smem:$0x3FA8];
	_ =	sdelay $0x3  }
0x33: {  	p0 =	seq.s32 s10, $0x1;
	s10 =	sld [smem:$0x3FAA];
	_ =	sdelay $0x3  }
0x34: {  	[smem:$0x3FAA] =	sst s10  }
0x35: {  	s10 =	sld [smem:$0x3FA9];
	_ =	sdelay $0x3  }
0x36: {  	p1 =	seq.s32 s10, $0x1;
	s10 =	sld [smem:$0x3FAA];
	_ =	sdelay $0x3  }
0x37: {  	[smem:$0x3FAA] =	sst s10  }
0x38: {  	s10 =	sld [smem:$0x3FAB]  }
0x39: {  	_ = 	snop;
	(pc) =	sbr.ind lr, $3  }
0x3a: {  	_ = 	snop  }
0x3b: {  	_ = 	snop  }
0x3c: {  	p2 =	seq.s32 s10, $0x1;
	s10 =	sld [smem:$0x3FAA]  }
0x3d: {  	_ =	shalt  }
0x3e: {  	_ =	shalt  }
0x3f: {  	_ =	shalt  }
0x40: {  	_ =	shalt  }
0x41: {  	_ =	shalt  }
0x42: {  	_ =	shalt  }
0x43: {  	_ =	shalt  }
0x44: {  	_ =	shalt  }
0x45: {  	_ =	shalt  }
0x46: {  	_ =	shalt  }
0x47: {  	_ =	shalt  }
0x48: {  	_ =	shalt  }
0x49: {  	_ =	shalt  }
0x4a: {  	_ =	shalt  }
0x4b: {  	_ =	shalt  }
0x4c: {  	_ =	shalt  }
0x4d: {  	_ =	shalt  }
0x4e: {  	_ =	shalt  }
0x4f: {  	_ =	shalt  }
0x50: {  	_ =	shalt  }
0x51: {  	_ =	shalt  }
0x52: {  	_ =	shalt  }
0x53: {  	_ =	shalt  }
0x54: {  	_ =	shalt  }
0x55: {  	_ =	shalt  }
0x56: {  	_ =	shalt  }
0x57: {  	_ =	shalt  }
0x58: {  	_ =	shalt  }
0x59: {  	_ =	shalt  }
0x5a: {  	_ =	shalt  }
0x5b: {  	_ =	shalt  }
0x5c: {  	_ =	shalt  }
0x5d: {  	_ =	shalt  }
0x5e: {  	_ =	shalt  }
0x5f: {  	_ =	shalt  }
0x60: {  	_ =	shalt  }
0x61: {  	_ =	shalt  }
0x62: {  	_ =	shalt  }
0x63: {  	_ =	shalt  }
0x64: {  	_ =	shalt  }
0x65: {  	_ =	shalt  }
0x66: {  	_ =	shalt  }
0x67: {  	_ =	shalt  }
0x68: {  	_ =	shalt  }
0x69: {  	_ =	shalt  }
0x6a: {  	_ =	shalt  }
0x6b: {  	_ =	shalt  }
0x6c: {  	_ =	shalt  }
0x6d: {  	_ =	shalt  }
0x6e: {  	_ =	shalt  }
0x6f: {  	_ =	shalt  }
0x70: {  	_ =	shalt  }
0x71: {  	_ =	shalt  }
0x72: {  	_ =	shalt  }
0x73: {  	_ =	shalt  }
0x74: {  	_ =	shalt  }
0x75: {  	_ =	shalt  }
0x76: {  	_ =	shalt  }
0x77: {  	_ =	shalt  }
0x78: {  	_ =	shalt  }
0x79: {  	_ =	shalt  }
0x7a: {  	_ =	shalt  }
0x7b: {  	_ =	shalt  }
0x7c: {  	_ =	shalt  }
0x7d: {  	_ =	shalt  }
0x7e: {  	_ =	shalt  }
0x7f: {  	_ =	shalt  }
0x80: {  	_ =	shalt  }
0x81: {  	_ =	shalt  }
0x82: {  	_ =	shalt  }
0x83: {  	_ =	shalt  }
0x84: {  	_ =	shalt  }
0x85: {  	_ =	shalt  }
0x86: {  	_ =	shalt  }
0x87: {  	_ =	shalt  }
.Lfunc_end0:
.L_simem_size_0:
called_computation_lowered:
.L_overlay_start_0:
0x88: {  	s2 =	sld [smem:$0x3FD9]  }
0x89: {  	s3 =	sld [smem:$0x3FFE];
	_ =	sdelay $0x1  }
0x8a: {  	s1 =	srdreg.scid  }
0x8b: {  	s0 =	sand.u32 $0x1, s1  }
0x8c: {  	s16 =	sshll.u32 s0, $0xA;
	s2 =	sadd.s32 s3, s2  }
0x8d: {  	s2 =	sadd.s32 s2, s16  }
0x8e: {  	[smem:$0x3FB6] =	sst s2  }
0x8f: {  	_ = 	snop  }
0x90: {  	(tm) =	ssettm $0x1  }
0x91: {  	s17 =	sld [smem:$0x3FFB];
	_ =	sdelay $0x3  }
0x92: {  	_ =	strace s17  }
0x93: {  	s2 =	sld [smem:$0x3FFC];
	_ =	sdelay $0x3  }
0x94: {  	_ =	strace s2  }
0x95: {  	s2 =	sld [smem:$0x3FFD];
	_ =	sdelay $0x3  }
0x96: {  	_ =	strace s2  }
0x97: {  	_ =	strace $0x8FFFFFFF  }
0x98: {  	s18 =	sld [smem:$0x3FDB];
	_ =	sdelay $0x1  }
0x99: {  	s19 =	simm.s32 $_scs_section_size  }
0x9a: {  	s4 =	simm.s32 $_size__tile_overlayer_lowered;
	s5 =	simm.s32 $_tile_overlayer_lowered  }
0x9b: {  	s22 =	simm.s32 $0x1BFF;
	s21 =	sshll.u32 s5, $0x1;
	s2 =	sadd.s32 s19, s18  }
0x9c: {  	s6 =	simm.s32 $0x0;
	s20 =	sshll.u32 s4, $0x1;
	s4 =	sadd.s32 s21, s2  }
0x9d: {  	[timem:s6], [sflag:s22] =	dma.local [hbm:s4], s20  }
0x9e: {  	_ =	swait.ge [sflag:s22], s20  }
0x9f: {  	s3 =	ssub.s32 $0x0, s20;
	[sflag:s22] =	ssyncset.done $0x0  }
0xa0: {  	[sflag:s22] =	ssyncadd.s32 s3;
	_ =	sdelay $0x1  }
0xa1: {  	s23 =	simm.s32 $0x1B8B  }
0xa2: {  	_ =	swait.ge [sflag:s23], $0x1  }
0xa3: {  	[sflag:s23] =	ssyncset.done $0x0  }
0xa4: {  	s25 =	simm.s32 $0x1B8E;
	s24 =	sld [smem:$0x3FFE];
	[sflag:s23] =	ssyncadd.s32 $0xFFFFFFFF  }
0xa5: {  	s26 =	simm.s32 $execute0_lowered;
	[smem:$0x3FD2] =	sst s25  }
0xa6: {  	s4 =	sshll.u32 s26, $0x1;
	_ =	strace $0x80000046;
	[dreg:$0x1] =	wrdreg $0xFFFFFFFF  }
0xa7: {  	s28 =	simm.s32 $_size_execute0_lowered;
	s2 =	sadd.s32 s2, s4;
	[dreg:$0x0] =	wrdreg $0x0  }
0xa8: {  	s4 =	sshll.u32 s28, $0x1;
	[dreg:$0x2] =	wrdreg s2  }
0xa9: {  	[dreg:$0x3] =	wrdreg s4  }
0xaa: {  	[dreg:$0x4] =	wrdreg $0xC0  }
0xab: {  	_ =	task [dreg:s6], $0x5FFFF  }
0xac: {  	[dreg:$0x1] =	wrdreg $0xFFFFFFFF  }
0xad: {  	[dreg:$0x0] =	wrdreg $0x60  }
0xae: {  	[dreg:$0x2] =	wrdreg s24  }
0xaf: {  	[dreg:$0x3] =	wrdreg $0x9  }
0xb0: {  	_ =	task.clear_ibuf [dreg:s6], $0x4FFFF;
	_ =	strace $0x90000046  }
0xb1: {  	s29 =	simm.s32 $0x9;
	_ =	strace $0x80000048  }
0xb2: {  	_ =	swait.ge [sflag:s29], $0x1  }
0xb3: {  	[sflag:s29] =	ssyncadd.s32 $0xFFFFFFFF  }
0xb4: {  	_ =	strace $0x90000048  }
0xb5: {  	_ =	sfence  }
0xb6: {  	s30 =	sld [smem:$0x0];
	_ =	sdelay $0x2  }
0xb7: {  	s31 =	sshll.u32 s1, $0xD;
	s1 =	sshrl.u32 s1, $0x2  }
0xb8: {  	s3 =	sand.u32 $0x4000, s31;
	s1 =	sadd.s32 s1, s30  }
0xb9: {  	s0 =	sor.u32 s3, s0;
	s1 =	sshll.u32 s1, $0x11  }
0xba: {  	s0 =	sor.u32 s1, s0  }
0xbb: {  	s0 =	sadd.s32 $0x8F2B, s0  }
0xbc: {  	[sflag:s0] =	ssyncadd.remote.s32 $0x1  }
0xbd: {  	_ =	sfence.sel $0xFFFF  }
0xbe: {  	[dreg:$0x0] =	wrdreg $0xFFFFFFFF;
	(pc) =	sbr.abs _section_cstart, $3  }
0xbf: {  	[dreg:$0x1] =	wrdreg $0xFFFFFFFF  }
0xc0: {  	_ =	task.clear_ibuf [dreg:s6], $0x2FFFF;
	_ =	strace $0x9FFFFFFF  }
0xc1: {  	(tm) =	ssettm $0x7FFFFFFF  }
tec
execute0_lowered:
.L_overlay_start_1:
0x0: {  	(tag) =	ssettag $0x1  }
0x1: {  	s0 =	rddreg [dreg:$0x0];
	s2 =	simm.s32 $0x0  }
0x2: {  	[smem:$0x7FF] =	sst s2;
	s11 =	sadd.s32 $0xAE28, s0  }
0x3: {  	s13 =	sadd.s32 $0xFE28, s0;
	_ =	strace $0x80000047;
	[dreg:$0x2] =	wrdreg s11  }
0x4: {  	s14 =	sadd.s32 $0xAE50, s0;
	[dreg:$0x3] =	wrdreg s13  }
0x5: {  	s1 =	srdreg.scid;
	s15 =	sadd.s32 $0xFE50, s0;
	[dreg:$0x4] =	wrdreg s14  }
0x6: {  	s4 =	stileid.u32;
	s16 =	sadd.s32 $0xAE78, s0;
	[dreg:$0x5] =	wrdreg s15  }
0x7: {  	s29 =	simm.s32 $0x6;
	s17 =	sadd.s32 $0xFE78, s0;
	[dreg:$0x6] =	wrdreg s16  }
0x8: {  	s30 =	simm.s32 $0x7;
	s18 =	sadd.s32 $0xAEA0, s0;
	[dreg:$0x7] =	wrdreg s17  }
0x9: {  	s31 =	simm.s32 $0x8;
	s19 =	sadd.s32 $0xFEA0, s0;
	[dreg:$0x8] =	wrdreg s18  }
0xa: {  	s10 =	simm.s32 $0x4;
	s21 =	sadd.s32 $0x10633A, s0;
	[dreg:$0x9] =	wrdreg s19  }
0xb: {  	s1 =	sand.u32 $0x1, s1;
	s22 =	sadd.s32 $0x5E28, s0;
	[dreg:$0xb] =	wrdreg s21  }
0xc: {  	s5 =	sadd.s32 $0x5E00, s0;
	s23 =	sadd.s32 $0xE28, s0;
	[dreg:$0xc] =	wrdreg s22  }
0xd: {  	s6 =	sadd.s32 $0xE00, s0;
	s24 =	sadd.s32 $0x5E50, s0;
	[dreg:$0xd] =	wrdreg s23  }
0xe: {  	s25 =	sadd.s32 $0xE50, s0;
	s26 =	sadd.s32 $0x5E78, s0;
	[dreg:$0xe] =	wrdreg s24  }
0xf: {  	s3 =	sshll.u32 s1, $0x4;
	s1 =	ssub.s32 $0x2, s1;
	[dreg:$0xf] =	wrdreg s25  }
0x10: {  	[dreg:$0x10] =	wrdreg s26;
	s23 =	sadd.s32 $0xE78, s0;
	s24 =	sadd.s32 $0x5EA0, s0  }
0x11: {  	s25 =	sadd.s32 $0xEA0, s0;
	s26 =	sadd.s32 $0x8C13A, s0;
	s11 =	simm.s32 $0x9  }
0x12: {  	s13 =	simm.s32 $0xA;
	s14 =	simm.s32 $0x0;
	s7 =	sor.u32 s4, s3  }
0x13: {  	s3 =	sadd.s32 $0xAE00, s0;
	s9 =	sshrl.u32 s1, $0x1;
	s8 =	smul.u32 $0x3D86, s7  }
0x14: {  	s4 =	sadd.s32 $0xFE00, s0;
	s1 =	ssub.s32 s1, s9;
	s12 =	smul.u32 $0x3F, s7  }
0x15: {  	p0 =	seq.s32 s7, $0x1F;
	s7 =	simm.s32 $0x1;
	s9 =	simm.s32 $0x3  }
0x16: {  	s28 =	smax.u32 s1, $0x1;
	s1 =	simm.s32 $0x1FA00;
	s8 =	sadd.s32 s8, s0  }
0x17: {  	s0 =	simm.s32 $0x1F280;
	v0 =	vmov s12;
	s12 =	simm.s32 $0x5;
	s20 =	sadd.s32 $0x8F000, s8  }
0x18: {  	v1 =	vimm.f32 $0.0e+00;
	v2 =	vimm.f32 $1.000000000e+00;
	s22 =	sadd.s32 $0x14E00, s8;
	s8 =	simm.s32 $0x2;
	[dreg:$0xa] =	wrdreg s20  }
.LBB2_1:
0x19: {  	s15 =	simm.s32 $0x40  }
0x1a: {  	[tilespmem:s15+$0xFFFFFFC0] =	vst v1  }
0x1b: {  	[tilespmem:s15+$0x30] =	vst v1  }
0x1c: {  	[tilespmem:s15+$0x20] =	vst v1  }
0x1d: {  	[tilespmem:s15+$0x10] =	vst v1  }
0x1e: {  	[tilespmem:s15+$0x0] =	vst v1  }
0x1f: {  	[tilespmem:s15+$0xFFFFFFF0] =	vst v1  }
0x20: {  	s16 =	simm.s32 $0x0;
	[tilespmem:s15+$0xFFFFFFE0] =	vst v1  }
.LBB2_2:
0x21: {  	s16 =	sadd.s32 $0x8, s16;
	[tilespmem:s15+$0xFFFFFFD0] =	vst v1;
	s15 =	sadd.s32 $0x80, s15  }
0x22: {  	[tilespmem:s15+$0xFFFFFFC0] =	vst v1;
	p1 =	slt.u32 s16, $0x1EB8  }
0x23: {  	[tilespmem:s15+$0x30] =	vst v1  }
.Ltmp0:
0x24: {  	[tilespmem:s15+$0x20] =	vst v1;
	(pc) =	sbr.rel @p1 .LBB2_2-.Ltmp0, $4  }
0x25: {  	[tilespmem:s15+$0x10] =	vst v1  }
0x26: {  	[tilespmem:s15+$0x0] =	vst v1  }
0x27: {  	[tilespmem:s15+$0xFFFFFFF0] =	vst v1  }
0x28: {  	[tilespmem:s15+$0xFFFFFFE0] =	vst v1  }
0x29: {  	[tilespmem:s15+$0xFFFFFFD0] =	vst v1;
	s15 =	simm.s32 $0x0  }
.LBB2_4:
0x2a: {  	p1 =	sne.s32 s15, $0x80  }
.Ltmp1:
0x2b: {  	_ = 	snop;
	(pc) =	sbr.rel @p1 .LBB2_4-.Ltmp1, $3  }
0x2c: {  	_ =	sdelay $0x1  }
0x2d: {  	s16 =	sshra.s32 s15, $0x2  }
0x2e: {  	s15 =	sadd.s32 $0x40, s15;
	[tilespmem:s16+$0x1EC00] =	vst v1  }
0x2f: {  	s15 =	simm.s32 $0x0;
	s16 =	simm.s32 $0x1EC80  }
0x30: {  	[tilespmem:s16], [sflag:$0x1] =	stream.linear.gather [hbm4b:s3+s15], $0x140, $0x38;
	[tilespmem:$0x1FB80] =	vst v63  }
0x31: {  	s20 =	simm.s32 $0x1F400  }
0x32: {  	[tilespmem:s20], [sflag:$0x6] =	stream.linear.gather [hbm4b:s4+s15], $0x140, $0x38;
	[tilespmem:$0x1FB80] =	vst v63  }
0x33: {  	s21 =	rddreg [dreg:$0x2];
	s17 =	simm.s32 $0x1EE00  }
0x34: {  	[tilespmem:s17], [sflag:$0x2] =	stream.linear.gather [hbm4b:s21+s15], $0x140, $0x38;
	[tilespmem:$0x1FB80] =	vst v63  }
0x35: {  	s18 =	rddreg [dreg:$0x3];
	s19 =	simm.s32 $0x1F580  }
0x36: {  	[tilespmem:s19], [sflag:$0x7] =	stream.linear.gather [hbm4b:s18+s15], $0x140, $0x38;
	[tilespmem:$0x1FB80] =	vst v63  }
0x37: {  	s20 =	rddreg [dreg:$0x4];
	s21 =	simm.s32 $0x1EF80  }
0x38: {  	[tilespmem:s21], [sflag:$0x3] =	stream.linear.gather [hbm4b:s20+s15], $0x140, $0x38;
	[tilespmem:$0x1FB80] =	vst v63  }
0x39: {  	s18 =	rddreg [dreg:$0x5];
	s19 =	simm.s32 $0x1F700  }
0x3a: {  	[tilespmem:s19], [sflag:$0x8] =	stream.linear.gather [hbm4b:s18+s15], $0x140, $0x38;
	[tilespmem:$0x1FB80] =	vst v63  }
0x3b: {  	s20 =	rddreg [dreg:$0x6];
	s21 =	simm.s32 $0x1F100  }
0x3c: {  	[tilespmem:s21], [sflag:$0x4] =	stream.linear.gather [hbm4b:s20+s15], $0x140, $0x38;
	[tilespmem:$0x1FB80] =	vst v63  }
0x3d: {  	s18 =	rddreg [dreg:$0x7];
	s19 =	simm.s32 $0x1F880  }
0x3e: {  	[tilespmem:s19], [sflag:$0x9] =	stream.linear.gather [hbm4b:s18+s15], $0x140, $0x38;
	[tilespmem:$0x1FB80] =	vst v63  }
0x3f: {  	s20 =	rddreg [dreg:$0x8]  }
0x40: {  	[tilespmem:s0], [sflag:$0x5] =	stream.linear.gather [hbm4b:s20+s15], $0x140, $0x38;
	[tilespmem:$0x1FB80] =	vst v63  }
0x41: {  	s21 =	rddreg [dreg:$0x9]  }
0x42: {  	[tilespmem:s1], [sflag:$0xA] =	stream.linear.gather [hbm4b:s21+s15], $0x140, $0x38;
	[tilespmem:$0x1FB80] =	vst v63  }
.LBB2_6:
0x43: {  	_ =	swait.ge [sflag:s7], $0x140  }
0x44: {  	[sflag:s7] =	ssyncset.done $0x0  }
0x45: {  	[sflag:s7] =	ssyncadd.s32 $0xFFFFFEC0  }
0x46: {  	_ =	swait.ge [sflag:s29], $0x140  }
0x47: {  	[sflag:s29] =	ssyncset.done $0x0  }
0x48: {  	s17 =	simm.s32 $0x1F420;
	[sflag:s29] =	ssyncadd.s32 $0xFFFFFEC0  }
0x49: {  	v3 =	vld [tilespmem:s17+$0x20]  }
0x4a: {  	v4 =	vld [tilespmem:s17+$0xFFFFFFE0]  }
0x4b: {  	s16 =	simm.s32 $0x1ECA0;
	v5 =	vld [tilespmem:s17+$0xFFFFFFF0]  }
0x4c: {  	v6 =	vld [tilespmem:s16+$0x20]  }
0x4d: {  	v7 =	vld [tilespmem:s17+$0x0]  }
0x4e: {  	v8 =	vld [tilespmem:s17+$0x10];
	_ =	sdelay $0x1  }
0x4f: {  	v9 =	vld [tilespmem:s16+$0xFFFFFFF0];
	v3 =	vsub.s32 v3, v0  }
0x50: {  	v11 =	vld [tilespmem:s16+$0x0];
	v4 =	vsub.s32 v4, v0;
	v10 =	vmul.u32 $0x7D0, v3  }
0x51: {  	v12 =	vld [tilespmem:s16+$0x10];
	v5 =	vsub.s32 v5, v0;
	v7 =	vsub.s32 v7, v0;
	vm0 =	vlt.u32 v3, $0x3F  }
0x52: {  	v62 =	vld [tilespmem:s16+$0xFFFFFFE0];
	v8 =	vsub.s32 v8, v0;
	vm1 =	vlt.u32 v4, $0x3F;
	v6 =	vadd.s32 v6, v10  }
0x53: {  	v3 =	vmul.u32 $0x7D0, v5;
	vm3 =	vlt.u32 v5, $0x3F;
	v5 =	vmul.u32 $0x7D0, v7  }
0x54: {  	v13 =	vmul.u32 $0x7D0, v4;
	v63 =	vmul.u32 $0x7D0, v8;
	vm4 =	vlt.u32 v7, $0x3F  }
0x55: {  	vm5 =	vlt.u32 v8, $0x3F;
	vm2 =	vmmov vm1;
	vm1 =	vmmov vm3  }
0x56: {  	vm3 =	vmmov vm4;
	v3 =	vadd.s32 v9, v3;
	v4 =	vadd.s32 v11, v5  }
0x57: {  	s18 =	simm.s32 $0x1F470;
	s17 =	simm.s32 $0x0;
	v5 =	vadd.s32 v12, v63;
	[tilespmem:v6+s2+$0x0] =	vst.idx.add.f32.msk vm0, v2;
	v6 =	vadd.s32 v62, v13;
	vm0 =	vmmov vm5  }
.LBB2_7:
0x58: {  	v7 =	vld [tilespmem:s18+$0x20];
	s17 =	sadd.s32 $0x5, s17  }
0x59: {  	v8 =	vld [tilespmem:s18+$0xFFFFFFE0];
	p1 =	slt.u32 s17, $0xF  }
0x5a: {  	s16 =	sadd.s32 $0x50, s16;
	v9 =	vld [tilespmem:s18+$0xFFFFFFF0]  }
0x5b: {  	v10 =	vld [tilespmem:s16+$0x20]  }
0x5c: {  	v11 =	vld [tilespmem:s18+$0x0]  }
0x5d: {  	v12 =	vld [tilespmem:s18+$0x10];
	v7 =	vsub.s32 v7, v0  }
0x5e: {  	v8 =	vsub.s32 v8, v0;
	v13 =	vld [tilespmem:s16+$0xFFFFFFF0];
	v14 =	vmul.u32 $0x7D0, v7  }
0x5f: {  	vm4 =	vlt.u32 v7, $0x3F;
	v15 =	vmul.u32 $0x7D0, v8;
	v9 =	vsub.s32 v9, v0;
	v16 =	vld [tilespmem:s16+$0x0]  }
0x60: {  	vm5 =	vlt.u32 v8, $0x3F;
	v7 =	vmul.u32 $0x7D0, v9;
	v8 =	vld [tilespmem:s16+$0x10];
	v10 =	vadd.s32 v10, v14  }
0x61: {  	vm6 =	vlt.u32 v9, $0x3F;
	v14 =	vld [tilespmem:s16+$0xFFFFFFE0];
	v9 =	vsub.s32 v11, v0  }
.Ltmp2:
0x62: {  	vm7 =	vlt.u32 v9, $0x3F;
	v9 =	vmul.u32 $0x7D0, v9;
	v11 =	vsub.s32 v12, v0;
	[tilespmem:v6+s2+$0x0] =	vst.idx.add.f32.msk vm2, v2;
	(pc) =	sbr.rel @p1 .LBB2_7-.Ltmp2, $4  }
0x63: {  	vm8 =	vlt.u32 v11, $0x3F;
	v6 =	vmul.u32 $0x7D0, v11;
	[tilespmem:v3+s2+$0x0] =	vst.idx.add.f32.msk vm1, v2;
	v3 =	vadd.s32 v13, v7  }
0x64: {  	vm2 =	vmmov vm5;
	vm1 =	vmmov vm6;
	[tilespmem:v4+s2+$0x0] =	vst.idx.add.f32.msk vm3, v2;
	v4 =	vadd.s32 v16, v9  }
0x65: {  	vm3 =	vmmov vm7;
	v7 =	vadd.s32 v8, v6;
	[tilespmem:v10+s2+$0x0] =	vst.idx.add.f32.msk vm4, v2  }
0x66: {  	s18 =	sadd.s32 $0x50, s18;
	v6 =	vadd.s32 v14, v15;
	[tilespmem:v5+s2+$0x0] =	vst.idx.add.f32.msk vm0, v2;
	v5 =	vmov v7;
	vm0 =	vmmov vm8  }
0x67: {  	_ =	sdelay $0x2  }
0x68: {  	p1 =	seq.s32 s15, $0x63  }
0x69: {  	s16 =	smul.u32 @!p1 $0x640, s15  }
0x6a: {  	[tilespmem:v6+s2+$0x0] =	vst.idx.add.f32.msk vm2, v2  }
0x6b: {  	[tilespmem:v3+s2+$0x0] =	vst.idx.add.f32.msk vm1, v2;
	s16 =	sshrl.u32 @!p1 s16, $0x3  }
0x6c: {  	[tilespmem:v4+s2+$0x0] =	vst.idx.add.f32.msk vm3, v2;
	s17 =	sadd.s32 @!p1 $0xC8, s16  }
0x6d: {  	[tilespmem:v5+s2+$0x0] =	vst.idx.add.f32.msk vm0, v2;
	s19 =	simm.s32 @!p1 $0x0;
	s20 =	simm.s32 @!p1 $0x1EC80;
	s18 =	sadd.s32 @!p1 s3, s17  }
0x6e: {  	[tilespmem:s20], [sflag:$0x1] =	stream.linear.gather @!p1 [hbm4b:s18+s19], $0x140, $0x38;
	[tilespmem:$0x1FB80] =	vst v63  }
0x6f: {  	s17 =	sadd.s32 @!p1 s4, s17;
	s18 =	simm.s32 @!p1 $0x1F400  }
0x70: {  	[tilespmem:s18], [sflag:$0x6] =	stream.linear.gather @!p1 [hbm4b:s17+s19], $0x140, $0x38;
	[tilespmem:$0x1FB80] =	vst v63  }
0x71: {  	_ =	swait.ge [sflag:s8], $0x140  }
0x72: {  	[sflag:s8] =	ssyncset.done $0x0  }
0x73: {  	[sflag:s8] =	ssyncadd.s32 $0xFFFFFEC0  }
0x74: {  	_ =	swait.ge [sflag:s30], $0x140  }
0x75: {  	[sflag:s30] =	ssyncset.done $0x0  }
0x76: {  	s21 =	simm.s32 $0x1F5A0;
	[sflag:s30] =	ssyncadd.s32 $0xFFFFFEC0  }
0x77: {  	v3 =	vld [tilespmem:s21+$0x20]  }
0x78: {  	v4 =	vld [tilespmem:s21+$0xFFFFFFE0]  }
0x79: {  	s17 =	simm.s32 $0x1EE20;
	v5 =	vld [tilespmem:s21+$0xFFFFFFF0]  }
0x7a: {  	v6 =	vld [tilespmem:s17+$0x20]  }
0x7b: {  	v7 =	vld [tilespmem:s21+$0x0]  }
0x7c: {  	v8 =	vld [tilespmem:s21+$0x10];
	_ =	sdelay $0x1  }
0x7d: {  	v9 =	vld [tilespmem:s17+$0xFFFFFFF0];
	v3 =	vsub.s32 v3, v0  }
0x7e: {  	v11 =	vld [tilespmem:s17+$0x0];
	v4 =	vsub.s32 v4, v0;
	v10 =	vmul.u32 $0x7D0, v3  }
0x7f: {  	v12 =	vld [tilespmem:s17+$0x10];
	v5 =	vsub.s32 v5, v0;
	v7 =	vsub.s32 v7, v0;
	vm1 =	vlt.u32 v3, $0x3F  }
0x80: {  	v62 =	vld [tilespmem:s17+$0xFFFFFFE0];
	v8 =	vsub.s32 v8, v0;
	vm0 =	vlt.u32 v4, $0x3F;
	v6 =	vadd.s32 v6, v10  }
0x81: {  	v3 =	vmul.u32 $0x7D0, v5;
	vm3 =	vlt.u32 v5, $0x3F;
	v5 =	vmul.u32 $0x7D0, v7  }
0x82: {  	v13 =	vmul.u32 $0x7D0, v4;
	v63 =	vmul.u32 $0x7D0, v8;
	vm4 =	vlt.u32 v7, $0x3F  }
0x83: {  	vm5 =	vlt.u32 v8, $0x3F;
	vm2 =	vmmov vm0;
	vm0 =	vmmov vm3  }
0x84: {  	vm3 =	vmmov vm4;
	v3 =	vadd.s32 v9, v3;
	v4 =	vadd.s32 v11, v5  }
0x85: {  	s18 =	simm.s32 $0x0;
	s19 =	simm.s32 $0x1F5F0;
	v5 =	vadd.s32 v12, v63;
	[tilespmem:v6+s2+$0x0] =	vst.idx.add.f32.msk vm1, v2;
	v6 =	vadd.s32 v62, v13;
	vm1 =	vmmov vm5  }
.LBB2_9:
0x86: {  	v7 =	vld [tilespmem:s19+$0x20];
	s18 =	sadd.s32 $0x5, s18  }
0x87: {  	v8 =	vld [tilespmem:s19+$0xFFFFFFE0];
	p2 =	slt.u32 s18, $0xF  }
0x88: {  	s17 =	sadd.s32 $0x50, s17;
	v9 =	vld [tilespmem:s19+$0xFFFFFFF0]  }
0x89: {  	v10 =	vld [tilespmem:s17+$0x20]  }
0x8a: {  	v11 =	vld [tilespmem:s19+$0x0]  }
0x8b: {  	v12 =	vld [tilespmem:s19+$0x10];
	v7 =	vsub.s32 v7, v0  }
0x8c: {  	v8 =	vsub.s32 v8, v0;
	v13 =	vld [tilespmem:s17+$0xFFFFFFF0];
	v14 =	vmul.u32 $0x7D0, v7  }
0x8d: {  	vm4 =	vlt.u32 v7, $0x3F;
	v15 =	vmul.u32 $0x7D0, v8;
	v9 =	vsub.s32 v9, v0;
	v16 =	vld [tilespmem:s17+$0x0]  }
0x8e: {  	vm5 =	vlt.u32 v8, $0x3F;
	v7 =	vmul.u32 $0x7D0, v9;
	v8 =	vld [tilespmem:s17+$0x10];
	v10 =	vadd.s32 v10, v14  }
0x8f: {  	vm6 =	vlt.u32 v9, $0x3F;
	v14 =	vld [tilespmem:s17+$0xFFFFFFE0];
	v9 =	vsub.s32 v11, v0  }
.Ltmp3:
0x90: {  	vm7 =	vlt.u32 v9, $0x3F;
	v9 =	vmul.u32 $0x7D0, v9;
	v11 =	vsub.s32 v12, v0;
	[tilespmem:v6+s2+$0x0] =	vst.idx.add.f32.msk vm2, v2;
	(pc) =	sbr.rel @p2 .LBB2_9-.Ltmp3, $4  }
0x91: {  	vm8 =	vlt.u32 v11, $0x3F;
	v6 =	vmul.u32 $0x7D0, v11;
	[tilespmem:v3+s2+$0x0] =	vst.idx.add.f32.msk vm0, v2;
	v3 =	vadd.s32 v13, v7  }
0x92: {  	vm2 =	vmmov vm5;
	vm0 =	vmmov vm6;
	[tilespmem:v4+s2+$0x0] =	vst.idx.add.f32.msk vm3, v2;
	v4 =	vadd.s32 v16, v9  }
0x93: {  	vm3 =	vmmov vm7;
	v7 =	vadd.s32 v8, v6;
	[tilespmem:v10+s2+$0x0] =	vst.idx.add.f32.msk vm4, v2  }
0x94: {  	s19 =	sadd.s32 $0x50, s19;
	v6 =	vadd.s32 v14, v15;
	[tilespmem:v5+s2+$0x0] =	vst.idx.add.f32.msk vm1, v2;
	v5 =	vmov v7;
	vm1 =	vmmov vm8  }
0x95: {  	_ =	sdelay $0x4  }
0x96: {  	[tilespmem:v6+s2+$0x0] =	vst.idx.add.f32.msk vm2, v2  }
0x97: {  	[tilespmem:v3+s2+$0x0] =	vst.idx.add.f32.msk vm0, v2  }
0x98: {  	[tilespmem:v4+s2+$0x0] =	vst.idx.add.f32.msk vm3, v2;
	s17 =	sadd.s32 @!p1 $0xF0, s16  }
0x99: {  	[tilespmem:v5+s2+$0x0] =	vst.idx.add.f32.msk vm1, v2;
	s19 =	simm.s32 @!p1 $0x0;
	s20 =	simm.s32 @!p1 $0x1EE00;
	s18 =	sadd.s32 @!p1 s3, s17  }
0x9a: {  	[tilespmem:s20], [sflag:$0x2] =	stream.linear.gather @!p1 [hbm4b:s18+s19], $0x140, $0x38;
	[tilespmem:$0x1FB80] =	vst v63  }
0x9b: {  	s17 =	sadd.s32 @!p1 s4, s17;
	s18 =	simm.s32 @!p1 $0x1F580  }
0x9c: {  	[tilespmem:s18], [sflag:$0x7] =	stream.linear.gather @!p1 [hbm4b:s17+s19], $0x140, $0x38;
	[tilespmem:$0x1FB80] =	vst v63  }
0x9d: {  	_ =	swait.ge [sflag:s9], $0x140  }
0x9e: {  	[sflag:s9] =	ssyncset.done $0x0  }
0x9f: {  	[sflag:s9] =	ssyncadd.s32 $0xFFFFFEC0  }
0xa0: {  	_ =	swait.ge [sflag:s31], $0x140  }
0xa1: {  	[sflag:s31] =	ssyncset.done $0x0  }
0xa2: {  	s21 =	simm.s32 $0x1F720;
	[sflag:s31] =	ssyncadd.s32 $0xFFFFFEC0  }
0xa3: {  	v3 =	vld [tilespmem:s21+$0x20]  }
0xa4: {  	v4 =	vld [tilespmem:s21+$0xFFFFFFE0]  }
0xa5: {  	s17 =	simm.s32 $0x1EFA0;
	v5 =	vld [tilespmem:s21+$0xFFFFFFF0]  }
0xa6: {  	v6 =	vld [tilespmem:s17+$0x20]  }
0xa7: {  	v7 =	vld [tilespmem:s21+$0x0]  }
0xa8: {  	v8 =	vld [tilespmem:s21+$0x10];
	_ =	sdelay $0x1  }
0xa9: {  	v9 =	vld [tilespmem:s17+$0xFFFFFFF0];
	v3 =	vsub.s32 v3, v0  }
0xaa: {  	v11 =	vld [tilespmem:s17+$0x0];
	v4 =	vsub.s32 v4, v0;
	v10 =	vmul.u32 $0x7D0, v3  }
0xab: {  	v12 =	vld [tilespmem:s17+$0x10];
	v5 =	vsub.s32 v5, v0;
	v7 =	vsub.s32 v7, v0;
	vm1 =	vlt.u32 v3, $0x3F  }
0xac: {  	v62 =	vld [tilespmem:s17+$0xFFFFFFE0];
	v8 =	vsub.s32 v8, v0;
	vm0 =	vlt.u32 v4, $0x3F;
	v6 =	vadd.s32 v6, v10  }
0xad: {  	v3 =	vmul.u32 $0x7D0, v5;
	vm3 =	vlt.u32 v5, $0x3F;
	v5 =	vmul.u32 $0x7D0, v7  }
0xae: {  	v13 =	vmul.u32 $0x7D0, v4;
	v63 =	vmul.u32 $0x7D0, v8;
	vm4 =	vlt.u32 v7, $0x3F  }
0xaf: {  	vm5 =	vlt.u32 v8, $0x3F;
	vm2 =	vmmov vm0;
	vm0 =	vmmov vm3  }
0xb0: {  	vm3 =	vmmov vm4;
	v3 =	vadd.s32 v9, v3;
	v4 =	vadd.s32 v11, v5  }
0xb1: {  	s18 =	simm.s32 $0x0;
	s19 =	simm.s32 $0x1F770;
	v5 =	vadd.s32 v12, v63;
	[tilespmem:v6+s2+$0x0] =	vst.idx.add.f32.msk vm1, v2;
	v6 =	vadd.s32 v62, v13;
	vm1 =	vmmov vm5  }
.LBB2_11:
0xb2: {  	v7 =	vld [tilespmem:s19+$0x20];
	s18 =	sadd.s32 $0x5, s18  }
0xb3: {  	v8 =	vld [tilespmem:s19+$0xFFFFFFE0];
	p2 =	slt.u32 s18, $0xF  }
0xb4: {  	s17 =	sadd.s32 $0x50, s17;
	v9 =	vld [tilespmem:s19+$0xFFFFFFF0]  }
0xb5: {  	v10 =	vld [tilespmem:s17+$0x20]  }
0xb6: {  	v11 =	vld [tilespmem:s19+$0x0]  }
0xb7: {  	v12 =	vld [tilespmem:s19+$0x10];
	v7 =	vsub.s32 v7, v0  }
0xb8: {  	v8 =	vsub.s32 v8, v0;
	v13 =	vld [tilespmem:s17+$0xFFFFFFF0];
	v14 =	vmul.u32 $0x7D0, v7  }
0xb9: {  	vm4 =	vlt.u32 v7, $0x3F;
	v15 =	vmul.u32 $0x7D0, v8;
	v9 =	vsub.s32 v9, v0;
	v16 =	vld [tilespmem:s17+$0x0]  }
0xba: {  	vm5 =	vlt.u32 v8, $0x3F;
	v7 =	vmul.u32 $0x7D0, v9;
	v8 =	vld [tilespmem:s17+$0x10];
	v10 =	vadd.s32 v10, v14  }
0xbb: {  	vm6 =	vlt.u32 v9, $0x3F;
	v14 =	vld [tilespmem:s17+$0xFFFFFFE0];
	v9 =	vsub.s32 v11, v0  }
.Ltmp4:
0xbc: {  	vm7 =	vlt.u32 v9, $0x3F;
	v9 =	vmul.u32 $0x7D0, v9;
	v11 =	vsub.s32 v12, v0;
	[tilespmem:v6+s2+$0x0] =	vst.idx.add.f32.msk vm2, v2;
	(pc) =	sbr.rel @p2 .LBB2_11-.Ltmp4, $4  }
0xbd: {  	vm8 =	vlt.u32 v11, $0x3F;
	v6 =	vmul.u32 $0x7D0, v11;
	[tilespmem:v3+s2+$0x0] =	vst.idx.add.f32.msk vm0, v2;
	v3 =	vadd.s32 v13, v7  }
0xbe: {  	vm2 =	vmmov vm5;
	vm0 =	vmmov vm6;
	[tilespmem:v4+s2+$0x0] =	vst.idx.add.f32.msk vm3, v2;
	v4 =	vadd.s32 v16, v9  }
0xbf: {  	vm3 =	vmmov vm7;
	v7 =	vadd.s32 v8, v6;
	[tilespmem:v10+s2+$0x0] =	vst.idx.add.f32.msk vm4, v2  }
0xc0: {  	s19 =	sadd.s32 $0x50, s19;
	v6 =	vadd.s32 v14, v15;
	[tilespmem:v5+s2+$0x0] =	vst.idx.add.f32.msk vm1, v2;
	v5 =	vmov v7;
	vm1 =	vmmov vm8  }
0xc1: {  	_ =	sdelay $0x4  }
0xc2: {  	[tilespmem:v6+s2+$0x0] =	vst.idx.add.f32.msk vm2, v2  }
0xc3: {  	[tilespmem:v3+s2+$0x0] =	vst.idx.add.f32.msk vm0, v2  }
0xc4: {  	[tilespmem:v4+s2+$0x0] =	vst.idx.add.f32.msk vm3, v2;
	s17 =	sadd.s32 @!p1 $0x118, s16  }
0xc5: {  	[tilespmem:v5+s2+$0x0] =	vst.idx.add.f32.msk vm1, v2;
	s19 =	simm.s32 @!p1 $0x0;
	s20 =	simm.s32 @!p1 $0x1EF80;
	s18 =	sadd.s32 @!p1 s3, s17  }
0xc6: {  	[tilespmem:s20], [sflag:$0x3] =	stream.linear.gather @!p1 [hbm4b:s18+s19], $0x140, $0x38;
	[tilespmem:$0x1FB80] =	vst v63  }
0xc7: {  	s17 =	sadd.s32 @!p1 s4, s17;
	s18 =	simm.s32 @!p1 $0x1F700  }
0xc8: {  	[tilespmem:s18], [sflag:$0x8] =	stream.linear.gather @!p1 [hbm4b:s17+s19], $0x140, $0x38;
	[tilespmem:$0x1FB80] =	vst v63  }
0xc9: {  	_ =	swait.ge [sflag:s10], $0x140  }
0xca: {  	[sflag:s10] =	ssyncset.done $0x0  }
0xcb: {  	[sflag:s10] =	ssyncadd.s32 $0xFFFFFEC0  }
0xcc: {  	_ =	swait.ge [sflag:s11], $0x140  }
0xcd: {  	[sflag:s11] =	ssyncset.done $0x0  }
0xce: {  	s21 =	simm.s32 $0x1F8A0;
	[sflag:s11] =	ssyncadd.s32 $0xFFFFFEC0  }
0xcf: {  	v3 =	vld [tilespmem:s21+$0x20]  }
0xd0: {  	v4 =	vld [tilespmem:s21+$0xFFFFFFE0]  }
0xd1: {  	s17 =	simm.s32 $0x1F120;
	v5 =	vld [tilespmem:s21+$0xFFFFFFF0]  }
0xd2: {  	v6 =	vld [tilespmem:s17+$0x20]  }
0xd3: {  	v7 =	vld [tilespmem:s21+$0x0]  }
0xd4: {  	v8 =	vld [tilespmem:s21+$0x10];
	_ =	sdelay $0x1  }
0xd5: {  	v9 =	vld [tilespmem:s17+$0xFFFFFFF0];
	v3 =	vsub.s32 v3, v0  }
0xd6: {  	v11 =	vld [tilespmem:s17+$0x0];
	v4 =	vsub.s32 v4, v0;
	v10 =	vmul.u32 $0x7D0, v3  }
0xd7: {  	v12 =	vld [tilespmem:s17+$0x10];
	v5 =	vsub.s32 v5, v0;
	v7 =	vsub.s32 v7, v0;
	vm1 =	vlt.u32 v3, $0x3F  }
0xd8: {  	v62 =	vld [tilespmem:s17+$0xFFFFFFE0];
	v8 =	vsub.s32 v8, v0;
	vm0 =	vlt.u32 v4, $0x3F;
	v6 =	vadd.s32 v6, v10  }
0xd9: {  	v3 =	vmul.u32 $0x7D0, v5;
	vm3 =	vlt.u32 v5, $0x3F;
	v5 =	vmul.u32 $0x7D0, v7  }
0xda: {  	v13 =	vmul.u32 $0x7D0, v4;
	v63 =	vmul.u32 $0x7D0, v8;
	vm4 =	vlt.u32 v7, $0x3F  }
0xdb: {  	vm5 =	vlt.u32 v8, $0x3F;
	vm2 =	vmmov vm0;
	vm0 =	vmmov vm3  }
0xdc: {  	vm3 =	vmmov vm4;
	v3 =	vadd.s32 v9, v3;
	v4 =	vadd.s32 v11, v5  }
0xdd: {  	s18 =	simm.s32 $0x0;
	s19 =	simm.s32 $0x1F8F0;
	v5 =	vadd.s32 v12, v63;
	[tilespmem:v6+s2+$0x0] =	vst.idx.add.f32.msk vm1, v2;
	v6 =	vadd.s32 v62, v13;
	vm1 =	vmmov vm5  }
.LBB2_13:
0xde: {  	v7 =	vld [tilespmem:s19+$0x20];
	s18 =	sadd.s32 $0x5, s18  }
0xdf: {  	v8 =	vld [tilespmem:s19+$0xFFFFFFE0];
	p2 =	slt.u32 s18, $0xF  }
0xe0: {  	s17 =	sadd.s32 $0x50, s17;
	v9 =	vld [tilespmem:s19+$0xFFFFFFF0]  }
0xe1: {  	v10 =	vld [tilespmem:s17+$0x20]  }
0xe2: {  	v11 =	vld [tilespmem:s19+$0x0]  }
0xe3: {  	v12 =	vld [tilespmem:s19+$0x10];
	v7 =	vsub.s32 v7, v0  }
0xe4: {  	v8 =	vsub.s32 v8, v0;
	v13 =	vld [tilespmem:s17+$0xFFFFFFF0];
	v14 =	vmul.u32 $0x7D0, v7  }
0xe5: {  	vm4 =	vlt.u32 v7, $0x3F;
	v15 =	vmul.u32 $0x7D0, v8;
	v9 =	vsub.s32 v9, v0;
	v16 =	vld [tilespmem:s17+$0x0]  }
0xe6: {  	vm5 =	vlt.u32 v8, $0x3F;
	v7 =	vmul.u32 $0x7D0, v9;
	v8 =	vld [tilespmem:s17+$0x10];
	v10 =	vadd.s32 v10, v14  }
0xe7: {  	vm6 =	vlt.u32 v9, $0x3F;
	v14 =	vld [tilespmem:s17+$0xFFFFFFE0];
	v9 =	vsub.s32 v11, v0  }
.Ltmp5:
0xe8: {  	vm7 =	vlt.u32 v9, $0x3F;
	v9 =	vmul.u32 $0x7D0, v9;
	v11 =	vsub.s32 v12, v0;
	[tilespmem:v6+s2+$0x0] =	vst.idx.add.f32.msk vm2, v2;
	(pc) =	sbr.rel @p2 .LBB2_13-.Ltmp5, $4  }
0xe9: {  	vm8 =	vlt.u32 v11, $0x3F;
	v6 =	vmul.u32 $0x7D0, v11;
	[tilespmem:v3+s2+$0x0] =	vst.idx.add.f32.msk vm0, v2;
	v3 =	vadd.s32 v13, v7  }
0xea: {  	vm2 =	vmmov vm5;
	vm0 =	vmmov vm6;
	[tilespmem:v4+s2+$0x0] =	vst.idx.add.f32.msk vm3, v2;
	v4 =	vadd.s32 v16, v9  }
0xeb: {  	vm3 =	vmmov vm7;
	v7 =	vadd.s32 v8, v6;
	[tilespmem:v10+s2+$0x0] =	vst.idx.add.f32.msk vm4, v2  }
0xec: {  	s19 =	sadd.s32 $0x50, s19;
	v6 =	vadd.s32 v14, v15;
	[tilespmem:v5+s2+$0x0] =	vst.idx.add.f32.msk vm1, v2;
	v5 =	vmov v7;
	vm1 =	vmmov vm8  }
0xed: {  	_ =	sdelay $0x4  }
0xee: {  	[tilespmem:v6+s2+$0x0] =	vst.idx.add.f32.msk vm2, v2  }
0xef: {  	[tilespmem:v3+s2+$0x0] =	vst.idx.add.f32.msk vm0, v2  }
0xf0: {  	[tilespmem:v4+s2+$0x0] =	vst.idx.add.f32.msk vm3, v2;
	s16 =	sadd.s32 @!p1 $0x140, s16  }
0xf1: {  	[tilespmem:v5+s2+$0x0] =	vst.idx.add.f32.msk vm1, v2;
	s18 =	simm.s32 @!p1 $0x0;
	s19 =	simm.s32 @!p1 $0x1F100;
	s17 =	sadd.s32 @!p1 s3, s16  }
0xf2: {  	[tilespmem:s19], [sflag:$0x4] =	stream.linear.gather @!p1 [hbm4b:s17+s18], $0x140, $0x38;
	[tilespmem:$0x1FB80] =	vst v63  }
0xf3: {  	s16 =	sadd.s32 @!p1 s4, s16;
	s17 =	simm.s32 @!p1 $0x1F880  }
0xf4: {  	[tilespmem:s17], [sflag:$0x9] =	stream.linear.gather @!p1 [hbm4b:s16+s18], $0x140, $0x38;
	[tilespmem:$0x1FB80] =	vst v63  }
0xf5: {  	_ =	swait.ge [sflag:s12], $0x140  }
0xf6: {  	[sflag:s12] =	ssyncset.done $0x0  }
0xf7: {  	[sflag:s12] =	ssyncadd.s32 $0xFFFFFEC0  }
0xf8: {  	_ =	swait.ge [sflag:s13], $0x140  }
0xf9: {  	[sflag:s13] =	ssyncset.done $0x0  }
0xfa: {  	s21 =	simm.s32 $0x1FA20;
	[sflag:s13] =	ssyncadd.s32 $0xFFFFFEC0  }
0xfb: {  	v3 =	vld [tilespmem:s21+$0x20]  }
0xfc: {  	v4 =	vld [tilespmem:s21+$0xFFFFFFE0]  }
0xfd: {  	s16 =	simm.s32 $0x1F2A0;
	v5 =	vld [tilespmem:s21+$0xFFFFFFF0]  }
0xfe: {  	v6 =	vld [tilespmem:s16+$0x20]  }
0xff: {  	v7 =	vld [tilespmem:s21+$0x0]  }
0x100: {  	v8 =	vld [tilespmem:s21+$0x10];
	_ =	sdelay $0x1  }
0x101: {  	v9 =	vld [tilespmem:s16+$0xFFFFFFF0];
	v3 =	vsub.s32 v3, v0  }
0x102: {  	v11 =	vld [tilespmem:s16+$0x0];
	v4 =	vsub.s32 v4, v0;
	v10 =	vmul.u32 $0x7D0, v3  }
0x103: {  	v12 =	vld [tilespmem:s16+$0x10];
	v5 =	vsub.s32 v5, v0;
	v7 =	vsub.s32 v7, v0;
	vm1 =	vlt.u32 v3, $0x3F  }
0x104: {  	v62 =	vld [tilespmem:s16+$0xFFFFFFE0];
	v8 =	vsub.s32 v8, v0;
	vm0 =	vlt.u32 v4, $0x3F;
	v6 =	vadd.s32 v6, v10  }
0x105: {  	v3 =	vmul.u32 $0x7D0, v5;
	vm3 =	vlt.u32 v5, $0x3F;
	v5 =	vmul.u32 $0x7D0, v7  }
0x106: {  	v13 =	vmul.u32 $0x7D0, v4;
	v63 =	vmul.u32 $0x7D0, v8;
	vm4 =	vlt.u32 v7, $0x3F  }
0x107: {  	vm5 =	vlt.u32 v8, $0x3F;
	vm2 =	vmmov vm0;
	vm0 =	vmmov vm3  }
0x108: {  	vm3 =	vmmov vm4;
	v3 =	vadd.s32 v9, v3;
	v4 =	vadd.s32 v11, v5  }
0x109: {  	s17 =	simm.s32 $0x0;
	s18 =	simm.s32 $0x1FA70;
	v5 =	vadd.s32 v12, v63;
	[tilespmem:v6+s2+$0x0] =	vst.idx.add.f32.msk vm1, v2;
	v6 =	vadd.s32 v62, v13;
	vm1 =	vmmov vm5  }
.LBB2_15:
0x10a: {  	v7 =	vld [tilespmem:s18+$0x20];
	s17 =	sadd.s32 $0x5, s17  }
0x10b: {  	v8 =	vld [tilespmem:s18+$0xFFFFFFE0];
	p2 =	slt.u32 s17, $0xF  }
0x10c: {  	s16 =	sadd.s32 $0x50, s16;
	v9 =	vld [tilespmem:s18+$0xFFFFFFF0]  }
0x10d: {  	v10 =	vld [tilespmem:s16+$0x20]  }
0x10e: {  	v11 =	vld [tilespmem:s18+$0x0]  }
0x10f: {  	v12 =	vld [tilespmem:s18+$0x10];
	v7 =	vsub.s32 v7, v0  }
0x110: {  	v8 =	vsub.s32 v8, v0;
	v13 =	vld [tilespmem:s16+$0xFFFFFFF0];
	v14 =	vmul.u32 $0x7D0, v7  }
0x111: {  	vm4 =	vlt.u32 v7, $0x3F;
	v15 =	vmul.u32 $0x7D0, v8;
	v9 =	vsub.s32 v9, v0;
	v16 =	vld [tilespmem:s16+$0x0]  }
0x112: {  	vm5 =	vlt.u32 v8, $0x3F;
	v7 =	vmul.u32 $0x7D0, v9;
	v8 =	vld [tilespmem:s16+$0x10];
	v10 =	vadd.s32 v10, v14  }
0x113: {  	vm6 =	vlt.u32 v9, $0x3F;
	v14 =	vld [tilespmem:s16+$0xFFFFFFE0];
	v9 =	vsub.s32 v11, v0  }
.Ltmp6:
0x114: {  	vm7 =	vlt.u32 v9, $0x3F;
	v9 =	vmul.u32 $0x7D0, v9;
	v11 =	vsub.s32 v12, v0;
	[tilespmem:v6+s2+$0x0] =	vst.idx.add.f32.msk vm2, v2;
	(pc) =	sbr.rel @p2 .LBB2_15-.Ltmp6, $4  }
0x115: {  	vm8 =	vlt.u32 v11, $0x3F;
	v6 =	vmul.u32 $0x7D0, v11;
	[tilespmem:v3+s2+$0x0] =	vst.idx.add.f32.msk vm0, v2;
	v3 =	vadd.s32 v13, v7  }
0x116: {  	vm2 =	vmmov vm5;
	vm0 =	vmmov vm6;
	[tilespmem:v4+s2+$0x0] =	vst.idx.add.f32.msk vm3, v2;
	v4 =	vadd.s32 v16, v9  }
0x117: {  	vm3 =	vmmov vm7;
	v7 =	vadd.s32 v8, v6;
	[tilespmem:v10+s2+$0x0] =	vst.idx.add.f32.msk vm4, v2  }
0x118: {  	s18 =	sadd.s32 $0x50, s18;
	v6 =	vadd.s32 v14, v15;
	[tilespmem:v5+s2+$0x0] =	vst.idx.add.f32.msk vm1, v2;
	v5 =	vmov v7;
	vm1 =	vmmov vm8  }
0x119: {  	_ =	sdelay $0x3  }
.Ltmp7:
0x11a: {  	_ = 	snop;
	(pc) =	sbr.rel @p1 .LBB2_17-.Ltmp7, $4  }
0x11b: {  	[tilespmem:v6+s2+$0x0] =	vst.idx.add.f32.msk vm2, v2  }
0x11c: {  	[tilespmem:v3+s2+$0x0] =	vst.idx.add.f32.msk vm0, v2  }
0x11d: {  	[tilespmem:v4+s2+$0x0] =	vst.idx.add.f32.msk vm3, v2  }
0x11e: {  	[tilespmem:v5+s2+$0x0] =	vst.idx.add.f32.msk vm1, v2  }
0x11f: {  	s16 =	smul.u32 $0x640, s15;
	_ =	sdelay $0x1  }
0x120: {  	s16 =	sshrl.u32 s16, $0x3  }
.Ltmp8:
0x121: {  	s16 =	sadd.s32 $0x168, s16;
	(pc) =	sbr.rel .LBB2_6-.Ltmp8, $4  }
0x122: {  	s17 =	sadd.s32 s3, s16  }
0x123: {  	[tilespmem:s0], [sflag:$0x5] =	stream.linear.gather [hbm4b:s17+s2], $0x140, $0x38;
	[tilespmem:$0x1FB80] =	vst v63  }
0x124: {  	s15 =	sadd.s32 $0x1, s15;
	s16 =	sadd.s32 s4, s16  }
0x125: {  	[tilespmem:s1], [sflag:$0xA] =	stream.linear.gather [hbm4b:s16+s2], $0x140, $0x38;
	[tilespmem:$0x1FB80] =	vst v63  }
.LBB2_17:
0x126: {  	s15 =	simm.s32 $0x0;
	s16 =	simm.s32 $0x50;
	s21 =	simm.s32 $0x20  }
.LBB2_18:
0x127: {  	v3 =	vld [tilespmem:s16+$0x0]  }
0x128: {  	v4 =	vld [tilespmem:s16+$0x10]  }
0x129: {  	v5 =	vld [tilespmem:s16+$0x20]  }
0x12a: {  	v8 =	vld [tilespmem:s16+$0xFFFFFFB0]  }
0x12b: {  	v7 =	vld [tilespmem:s16+$0xFFFFFFC0]  }
0x12c: {  	v11 =	vld [tilespmem:s16+$0xFFFFFFD0]  }
0x12d: {  	v9 =	vld [tilespmem:s16+$0xFFFFFFE0]  }
0x12e: {  	v6 =	vimm.f32 $0.0e+00;
	v12 =	vld [tilespmem:s16+$0xFFFFFFF0]  }
0x12f: {  	v10 =	vld [tilespmem:s16+$0x30];
	v16 =	vadd.f32 v8, v6  }
0x130: {  	s18 =	smul.u32 $0x7D0, s15;
	s19 =	simm.s32 $0x0;
	s20 =	sadd.s32 $0xA0, s16;
	v13 =	vimm.f32 $0.0e+00;
	v14 =	vimm.f32 $0.0e+00;
	v15 =	vimm.f32 $0.0e+00;
	v8 =	vld [tilespmem:s16+$0x40]  }
.LBB2_19:
0x131: {  	v16 =	vadd.f32 v3, v16;
	v3 =	vld [tilespmem:s20+$0x0]  }
0x132: {  	v6 =	vadd.f32 v7, v6;
	v7 =	vadd.f32 v11, v13;
	v17 =	vld [tilespmem:s20+$0x10]  }
0x133: {  	v9 =	vadd.f32 v9, v14;
	v18 =	vld [tilespmem:s20+$0x20];
	v11 =	vadd.f32 v12, v15  }
0x134: {  	s19 =	sadd.s32 $0x2, s19;
	v6 =	vadd.f32 v4, v6;
	v13 =	vadd.f32 v5, v7;
	v19 =	vld [tilespmem:s20+$0xFFFFFFB0]  }
0x135: {  	p1 =	slt.u32 s19, $0x16;
	v14 =	vadd.f32 v10, v9;
	v7 =	vld [tilespmem:s20+$0xFFFFFFC0];
	v15 =	vadd.f32 v8, v11  }
.Ltmp9:
0x136: {  	v11 =	vld [tilespmem:s20+$0xFFFFFFD0];
	(pc) =	sbr.rel @p1 .LBB2_19-.Ltmp9, $4  }
0x137: {  	v9 =	vld [tilespmem:s20+$0xFFFFFFE0];
	v4 =	vmov v17  }
0x138: {  	v12 =	vld [tilespmem:s20+$0xFFFFFFF0];
	v5 =	vmov v18  }
0x139: {  	v16 =	vadd.f32 v19, v16;
	v10 =	vld [tilespmem:s20+$0x30]  }
0x13a: {  	v8 =	vld [tilespmem:s20+$0x40];
	s20 =	sadd.s32 $0xA0, s20  }
0x13b: {  	v18 =	vld [tilespmem:s18+$0x790]  }
0x13c: {  	v19 =	vld [tilespmem:s18+$0x7A0]  }
0x13d: {  	s17 =	sand.u32 $0x1FFF0, s18;
	v6 =	vadd.f32 v7, v6;
	v7 =	vld [tilespmem:s18+$0x7B0]  }
0x13e: {  	v11 =	vadd.f32 v11, v13;
	v17 =	vld [tilespmem:s17+$0x780]  }
0x13f: {  	v3 =	vadd.f32 v3, v16;
	v9 =	vadd.f32 v9, v14  }
0x140: {  	v4 =	vadd.f32 v4, v6;
	v5 =	vadd.f32 v5, v11  }
0x141: {  	v12 =	vadd.f32 v12, v15;
	v6 =	vadd.f32 v10, v9  }
0x142: {  	v9 =	vld [tilespmem:s18+$0x7C0];
	v4 =	vadd.f32 v18, v4;
	v5 =	vadd.f32 v19, v5  }
0x143: {  	v6 =	vadd.f32 v7, v6;
	v3 =	vadd.f32 v17, v3  }
0x144: {  	v7 =	vadd.f32 v8, v12  }
0x145: {  	v3 =	vadd.f32 v4, v3;
	v4 =	vadd.f32 v6, v5;
	_ =	sdelay $0x1  }
0x146: {  	v5 =	vadd.f32 v9, v7;
	v3 =	vadd.f32 v4, v3;
	_ =	sdelay $0x1  }
0x147: {  	v3 =	vadd.f32 v3, v5;
	_ =	sdelay $0x1  }
0x148: {  	(xrf2) =	vadd.scan.msk.f32 $0xffff, v3;
	_ =	sdelay $0x9  }
0x149: {  	v3, _, _ =	vpop (xrf2)  }
0x14a: {  	v3 =	vmax.f32 v3, $1.000000000e+00  }
0x14b: {  	v3 =	vbroadcast v3, $0xF;
	_ =	sdelay $0x1  }
0x14c: {  	(erf) = vrcp.f32 v3;
	_ =	sdelay $0x4  }
0x14d: {  	v5 =	vld [tilespmem:s21+$0x20]  }
0x14e: {  	v7 =	vld [tilespmem:s21+$0x10]  }
0x14f: {  	v8 =	vld [tilespmem:s21+$0x0]  }
0x150: {  	v10 =	vld [tilespmem:s21+$0xFFFFFFF0]  }
0x151: {  	s18 =	sadd.s32 $0x50, s21;
	v9 =	vld [tilespmem:s21+$0xFFFFFFE0];
	v3 =	vpop (erf)  }
0x152: {  	v6 =	vld [tilespmem:s18+$0x20];
	v11 =	vmul.f32 v5, v3  }
0x153: {  	v4 =	vld [tilespmem:s18+$0xFFFFFFE0];
	v62 =	vmul.f32 v7, v3  }
0x154: {  	v5 =	vld [tilespmem:s18+$0x10];
	v63 =	vmul.f32 v8, v3;
	[tilespmem:s21+$0x20] =	vst v11  }
0x155: {  	v7 =	vld [tilespmem:s18+$0x0];
	[tilespmem:s21+$0x10] =	vst v62  }
0x156: {  	s20 =	simm.s32 $0x5;
	s17 =	smov.u32 s21;
	s19 =	smov.u32 s18;
	v9 =	vmul.f32 v9, v3;
	v10 =	vmul.f32 v10, v3;
	v8 =	vld [tilespmem:s18+$0xFFFFFFF0];
	[tilespmem:s21+$0x0] =	vst v63  }
.LBB2_21:
0x157: {  	s20 =	sadd.s32 $0x5, s20  }
0x158: {  	s18 =	sadd.s32 $0x50, s18;
	[tilespmem:s17+$0xFFFFFFF0] =	vst v10;
	v10 =	vmov v4;
	p1 =	slt.u32 s20, $0x78  }
.Ltmp10:
0x159: {  	v4 =	vld [tilespmem:s18+$0xFFFFFFE0];
	v11 =	vmul.f32 v6, v3;
	[tilespmem:s17+$0xFFFFFFE0] =	vst v9;
	s17 =	smov.u32 s19;
	(pc) =	sbr.rel @p1 .LBB2_21-.Ltmp10, $4  }
0x15a: {  	s19 =	smov.u32 s18;
	v6 =	vld [tilespmem:s18+$0x20];
	v12 =	vmul.f32 v5, v3  }
0x15b: {  	v5 =	vld [tilespmem:s18+$0x10];
	v13 =	vmul.f32 v7, v3;
	[tilespmem:s17+$0x20] =	vst v11  }
0x15c: {  	v9 =	vmul.f32 v10, v3;
	v7 =	vld [tilespmem:s18+$0x0];
	v10 =	vmul.f32 v8, v3;
	[tilespmem:s17+$0x10] =	vst v12  }
0x15d: {  	v8 =	vld [tilespmem:s18+$0xFFFFFFF0];
	[tilespmem:s17+$0x0] =	vst v13  }
0x15e: {  	_ = 	snop  }
0x15f: {  	[tilespmem:s17+$0xFFFFFFF0] =	vst v10;
	s15 =	sadd.s32 $0x1, s15;
	v6 =	vmul.f32 v6, v3  }
0x160: {  	[tilespmem:s17+$0xFFFFFFE0] =	vst v9;
	p1 =	sne.s32 s15, $0x3F;
	v5 =	vmul.f32 v5, v3  }
.Ltmp11:
0x161: {  	v7 =	vmul.f32 v7, v3;
	[tilespmem:s19+$0x20] =	vst v6;
	(pc) =	sbr.rel @p1 .LBB2_18-.Ltmp11, $4  }
0x162: {  	v63 =	vmul.f32 v8, v3;
	[tilespmem:s19+$0x10] =	vst v5  }
0x163: {  	v3 =	vmul.f32 v4, v3;
	[tilespmem:s19+$0x0] =	vst v7  }
0x164: {  	[tilespmem:s19+$0xFFFFFFF0] =	vst v63  }
0x165: {  	s16 =	sadd.s32 $0x7D0, s16;
	s21 =	sadd.s32 $0x7D0, s21;
	[tilespmem:s19+$0xFFFFFFE0] =	vst v3  }
0x166: {  	s15 =	simm.s32 @p0 $0x0;
	s16 =	rddreg [dreg:$0xb]  }
0x167: {  	[hbm4b:s16+s15] =	stream.linear.scatter @p0 [tilespmem:s15], [sflag:$0xB], $0x16F30, $0x38;
	[tilespmem:$0x1FB80] =	vst v63  }
0x168: {  	s15 =	simm.s32 @p0 $0xB  }
0x169: {  	_ =	swait.ge @p0 [sflag:s15], $0x16F30  }
0x16a: {  	[sflag:s15] =	ssyncset.done @p0 $0x0  }
0x16b: {  	s16 =	rddreg [dreg:$0xa];
	[sflag:s15] =	ssyncadd.s32 @p0 $0xFFFE90D0;
	s15 =	simm.s32 @!p0 $0x0  }
0x16c: {  	[hbm4b:s16+s15] =	stream.linear.scatter @!p0 [tilespmem:s15], [sflag:$0xB], $0x1EC30, $0x38;
	[tilespmem:$0x1FB80] =	vst v63  }
0x16d: {  	s15 =	simm.s32 @!p0 $0xB  }
0x16e: {  	_ =	swait.ge @!p0 [sflag:s15], $0x1EC30  }
0x16f: {  	[sflag:s15] =	ssyncset.done @!p0 $0x0  }
0x170: {  	[sflag:s15] =	ssyncadd.s32 @!p0 $0xFFFE13D0;
	s15 =	simm.s32 $0x40  }
0x171: {  	[tilespmem:s15+$0xFFFFFFC0] =	vst v1  }
0x172: {  	[tilespmem:s15+$0x30] =	vst v1  }
0x173: {  	[tilespmem:s15+$0x20] =	vst v1  }
0x174: {  	[tilespmem:s15+$0x10] =	vst v1  }
0x175: {  	[tilespmem:s15+$0x0] =	vst v1  }
0x176: {  	[tilespmem:s15+$0xFFFFFFF0] =	vst v1  }
0x177: {  	s16 =	simm.s32 $0x0;
	[tilespmem:s15+$0xFFFFFFE0] =	vst v1  }
.LBB2_24:
0x178: {  	s16 =	sadd.s32 $0x8, s16;
	[tilespmem:s15+$0xFFFFFFD0] =	vst v1;
	s15 =	sadd.s32 $0x80, s15  }
0x179: {  	[tilespmem:s15+$0xFFFFFFC0] =	vst v1;
	p1 =	slt.u32 s16, $0x1EB8  }
0x17a: {  	[tilespmem:s15+$0x30] =	vst v1  }
.Ltmp12:
0x17b: {  	[tilespmem:s15+$0x20] =	vst v1;
	(pc) =	sbr.rel @p1 .LBB2_24-.Ltmp12, $4  }
0x17c: {  	[tilespmem:s15+$0x10] =	vst v1  }
0x17d: {  	[tilespmem:s15+$0x0] =	vst v1  }
0x17e: {  	[tilespmem:s15+$0xFFFFFFF0] =	vst v1  }
0x17f: {  	[tilespmem:s15+$0xFFFFFFE0] =	vst v1  }
0x180: {  	[tilespmem:s15+$0xFFFFFFD0] =	vst v1;
	s15 =	simm.s32 $0x0  }
.LBB2_26:
0x181: {  	p1 =	sne.s32 s15, $0x80  }
.Ltmp13:
0x182: {  	_ = 	snop;
	(pc) =	sbr.rel @p1 .LBB2_26-.Ltmp13, $3  }
0x183: {  	_ =	sdelay $0x1  }
0x184: {  	s16 =	sshra.s32 s15, $0x2  }
0x185: {  	s15 =	sadd.s32 $0x40, s15;
	[tilespmem:s16+$0x1EC00] =	vst v1  }
0x186: {  	s15 =	simm.s32 $0x0;
	s16 =	simm.s32 $0x1EC80  }
0x187: {  	[tilespmem:s16], [sflag:$0x1] =	stream.linear.gather [hbm4b:s5+s15], $0x140, $0x38;
	[tilespmem:$0x1FB80] =	vst v63  }
0x188: {  	s20 =	simm.s32 $0x1F400  }
0x189: {  	[tilespmem:s20], [sflag:$0x6] =	stream.linear.gather [hbm4b:s6+s15], $0x140, $0x38;
	[tilespmem:$0x1FB80] =	vst v63  }
0x18a: {  	s21 =	rddreg [dreg:$0xc];
	s17 =	simm.s32 $0x1EE00  }
0x18b: {  	[tilespmem:s17], [sflag:$0x2] =	stream.linear.gather [hbm4b:s21+s15], $0x140, $0x38;
	[tilespmem:$0x1FB80] =	vst v63  }
0x18c: {  	s18 =	rddreg [dreg:$0xd];
	s19 =	simm.s32 $0x1F580  }
0x18d: {  	[tilespmem:s19], [sflag:$0x7] =	stream.linear.gather [hbm4b:s18+s15], $0x140, $0x38;
	[tilespmem:$0x1FB80] =	vst v63  }
0x18e: {  	s20 =	rddreg [dreg:$0xe];
	s21 =	simm.s32 $0x1EF80  }
0x18f: {  	[tilespmem:s21], [sflag:$0x3] =	stream.linear.gather [hbm4b:s20+s15], $0x140, $0x38;
	[tilespmem:$0x1FB80] =	vst v63  }
0x190: {  	s17 =	rddreg [dreg:$0xf];
	s18 =	simm.s32 $0x1F700  }
0x191: {  	[tilespmem:s18], [sflag:$0x8] =	stream.linear.gather [hbm4b:s17+s15], $0x140, $0x38;
	[tilespmem:$0x1FB80] =	vst v63  }
0x192: {  	s19 =	rddreg [dreg:$0x10];
	s20 =	simm.s32 $0x1F100  }
0x193: {  	[tilespmem:s20], [sflag:$0x4] =	stream.linear.gather [hbm4b:s19+s15], $0x140, $0x38;
	[tilespmem:$0x1FB80] =	vst v63  }
0x194: {  	s21 =	simm.s32 $0x1F880  }
0x195: {  	[tilespmem:s21], [sflag:$0x9] =	stream.linear.gather [hbm4b:s23+s15], $0x140, $0x38;
	[tilespmem:$0x1FB80] =	vst v63  }
0x196: {  	_ = 	snop  }
0x197: {  	[tilespmem:s0], [sflag:$0x5] =	stream.linear.gather [hbm4b:s24+s15], $0x140, $0x38;
	[tilespmem:$0x1FB80] =	vst v63  }
0x198: {  	_ = 	snop  }
0x199: {  	[tilespmem:s1], [sflag:$0xA] =	stream.linear.gather [hbm4b:s25+s15], $0x140, $0x38;
	[tilespmem:$0x1FB80] =	vst v63  }
.LBB2_28:
0x19a: {  	_ =	swait.ge [sflag:s7], $0x140  }
0x19b: {  	[sflag:s7] =	ssyncset.done $0x0  }
0x19c: {  	[sflag:s7] =	ssyncadd.s32 $0xFFFFFEC0  }
0x19d: {  	_ =	swait.ge [sflag:s29], $0x140  }
0x19e: {  	[sflag:s29] =	ssyncset.done $0x0  }
0x19f: {  	s17 =	simm.s32 $0x1F420;
	[sflag:s29] =	ssyncadd.s32 $0xFFFFFEC0  }
0x1a0: {  	v3 =	vld [tilespmem:s17+$0x20]  }
0x1a1: {  	v4 =	vld [tilespmem:s17+$0xFFFFFFE0]  }
0x1a2: {  	s16 =	simm.s32 $0x1ECA0;
	v5 =	vld [tilespmem:s17+$0xFFFFFFF0]  }
0x1a3: {  	v6 =	vld [tilespmem:s16+$0x20]  }
0x1a4: {  	v7 =	vld [tilespmem:s17+$0x0]  }
0x1a5: {  	v8 =	vld [tilespmem:s17+$0x10];
	_ =	sdelay $0x1  }
0x1a6: {  	v9 =	vld [tilespmem:s16+$0xFFFFFFF0];
	v3 =	vsub.s32 v3, v0  }
0x1a7: {  	v11 =	vld [tilespmem:s16+$0x0];
	v4 =	vsub.s32 v4, v0;
	v10 =	vmul.u32 $0x7D0, v3  }
0x1a8: {  	v12 =	vld [tilespmem:s16+$0x10];
	v5 =	vsub.s32 v5, v0;
	v7 =	vsub.s32 v7, v0;
	vm0 =	vlt.u32 v3, $0x3F  }
0x1a9: {  	v62 =	vld [tilespmem:s16+$0xFFFFFFE0];
	v8 =	vsub.s32 v8, v0;
	vm1 =	vlt.u32 v4, $0x3F;
	v6 =	vadd.s32 v6, v10  }
0x1aa: {  	v3 =	vmul.u32 $0x7D0, v5;
	vm3 =	vlt.u32 v5, $0x3F;
	v5 =	vmul.u32 $0x7D0, v7  }
0x1ab: {  	v13 =	vmul.u32 $0x7D0, v4;
	v63 =	vmul.u32 $0x7D0, v8;
	vm4 =	vlt.u32 v7, $0x3F  }
0x1ac: {  	vm5 =	vlt.u32 v8, $0x3F;
	vm2 =	vmmov vm1;
	vm1 =	vmmov vm3  }
0x1ad: {  	vm3 =	vmmov vm4;
	v3 =	vadd.s32 v9, v3;
	v4 =	vadd.s32 v11, v5  }
0x1ae: {  	s18 =	simm.s32 $0x1F470;
	s17 =	simm.s32 $0x0;
	v5 =	vadd.s32 v12, v63;
	[tilespmem:v6+s2+$0x0] =	vst.idx.add.f32.msk vm0, v2;
	v6 =	vadd.s32 v62, v13;
	vm0 =	vmmov vm5  }
.LBB2_29:
0x1af: {  	v7 =	vld [tilespmem:s18+$0x20];
	s17 =	sadd.s32 $0x5, s17  }
0x1b0: {  	v8 =	vld [tilespmem:s18+$0xFFFFFFE0];
	p1 =	slt.u32 s17, $0xF  }
0x1b1: {  	s16 =	sadd.s32 $0x50, s16;
	v9 =	vld [tilespmem:s18+$0xFFFFFFF0]  }
0x1b2: {  	v10 =	vld [tilespmem:s16+$0x20]  }
0x1b3: {  	v11 =	vld [tilespmem:s18+$0x0]  }
0x1b4: {  	v12 =	vld [tilespmem:s18+$0x10];
	v7 =	vsub.s32 v7, v0  }
0x1b5: {  	v8 =	vsub.s32 v8, v0;
	v13 =	vld [tilespmem:s16+$0xFFFFFFF0];
	v14 =	vmul.u32 $0x7D0, v7  }
0x1b6: {  	vm4 =	vlt.u32 v7, $0x3F;
	v15 =	vmul.u32 $0x7D0, v8;
	v9 =	vsub.s32 v9, v0;
	v16 =	vld [tilespmem:s16+$0x0]  }
0x1b7: {  	vm5 =	vlt.u32 v8, $0x3F;
	v7 =	vmul.u32 $0x7D0, v9;
	v8 =	vld [tilespmem:s16+$0x10];
	v10 =	vadd.s32 v10, v14  }
0x1b8: {  	vm6 =	vlt.u32 v9, $0x3F;
	v14 =	vld [tilespmem:s16+$0xFFFFFFE0];
	v9 =	vsub.s32 v11, v0  }
.Ltmp14:
0x1b9: {  	vm7 =	vlt.u32 v9, $0x3F;
	v9 =	vmul.u32 $0x7D0, v9;
	v11 =	vsub.s32 v12, v0;
	[tilespmem:v6+s2+$0x0] =	vst.idx.add.f32.msk vm2, v2;
	(pc) =	sbr.rel @p1 .LBB2_29-.Ltmp14, $4  }
0x1ba: {  	vm8 =	vlt.u32 v11, $0x3F;
	v6 =	vmul.u32 $0x7D0, v11;
	[tilespmem:v3+s2+$0x0] =	vst.idx.add.f32.msk vm1, v2;
	v3 =	vadd.s32 v13, v7  }
0x1bb: {  	vm2 =	vmmov vm5;
	vm1 =	vmmov vm6;
	[tilespmem:v4+s2+$0x0] =	vst.idx.add.f32.msk vm3, v2;
	v4 =	vadd.s32 v16, v9  }
0x1bc: {  	vm3 =	vmmov vm7;
	v7 =	vadd.s32 v8, v6;
	[tilespmem:v10+s2+$0x0] =	vst.idx.add.f32.msk vm4, v2  }
0x1bd: {  	s18 =	sadd.s32 $0x50, s18;
	v6 =	vadd.s32 v14, v15;
	[tilespmem:v5+s2+$0x0] =	vst.idx.add.f32.msk vm0, v2;
	v5 =	vmov v7;
	vm0 =	vmmov vm8  }
0x1be: {  	_ =	sdelay $0x2  }
0x1bf: {  	p1 =	seq.s32 s15, $0x63  }
0x1c0: {  	s16 =	smul.u32 @!p1 $0x640, s15  }
0x1c1: {  	[tilespmem:v6+s2+$0x0] =	vst.idx.add.f32.msk vm2, v2  }
0x1c2: {  	[tilespmem:v3+s2+$0x0] =	vst.idx.add.f32.msk vm1, v2;
	s16 =	sshrl.u32 @!p1 s16, $0x3  }
0x1c3: {  	[tilespmem:v4+s2+$0x0] =	vst.idx.add.f32.msk vm3, v2;
	s17 =	sadd.s32 @!p1 $0xC8, s16  }
0x1c4: {  	[tilespmem:v5+s2+$0x0] =	vst.idx.add.f32.msk vm0, v2;
	s19 =	simm.s32 @!p1 $0x0;
	s20 =	simm.s32 @!p1 $0x1EC80;
	s18 =	sadd.s32 @!p1 s5, s17  }
0x1c5: {  	[tilespmem:s20], [sflag:$0x1] =	stream.linear.gather @!p1 [hbm4b:s18+s19], $0x140, $0x38;
	[tilespmem:$0x1FB80] =	vst v63  }
0x1c6: {  	s17 =	sadd.s32 @!p1 s6, s17;
	s18 =	simm.s32 @!p1 $0x1F400  }
0x1c7: {  	[tilespmem:s18], [sflag:$0x6] =	stream.linear.gather @!p1 [hbm4b:s17+s19], $0x140, $0x38;
	[tilespmem:$0x1FB80] =	vst v63  }
0x1c8: {  	_ =	swait.ge [sflag:s8], $0x140  }
0x1c9: {  	[sflag:s8] =	ssyncset.done $0x0  }
0x1ca: {  	[sflag:s8] =	ssyncadd.s32 $0xFFFFFEC0  }
0x1cb: {  	_ =	swait.ge [sflag:s30], $0x140  }
0x1cc: {  	[sflag:s30] =	ssyncset.done $0x0  }
0x1cd: {  	s21 =	simm.s32 $0x1F5A0;
	[sflag:s30] =	ssyncadd.s32 $0xFFFFFEC0  }
0x1ce: {  	v3 =	vld [tilespmem:s21+$0x20]  }
0x1cf: {  	v4 =	vld [tilespmem:s21+$0xFFFFFFE0]  }
0x1d0: {  	s17 =	simm.s32 $0x1EE20;
	v5 =	vld [tilespmem:s21+$0xFFFFFFF0]  }
0x1d1: {  	v6 =	vld [tilespmem:s17+$0x20]  }
0x1d2: {  	v7 =	vld [tilespmem:s21+$0x0]  }
0x1d3: {  	v8 =	vld [tilespmem:s21+$0x10];
	_ =	sdelay $0x1  }
0x1d4: {  	v9 =	vld [tilespmem:s17+$0xFFFFFFF0];
	v3 =	vsub.s32 v3, v0  }
0x1d5: {  	v11 =	vld [tilespmem:s17+$0x0];
	v4 =	vsub.s32 v4, v0;
	v10 =	vmul.u32 $0x7D0, v3  }
0x1d6: {  	v12 =	vld [tilespmem:s17+$0x10];
	v5 =	vsub.s32 v5, v0;
	v7 =	vsub.s32 v7, v0;
	vm1 =	vlt.u32 v3, $0x3F  }
0x1d7: {  	v62 =	vld [tilespmem:s17+$0xFFFFFFE0];
	v8 =	vsub.s32 v8, v0;
	vm0 =	vlt.u32 v4, $0x3F;
	v6 =	vadd.s32 v6, v10  }
0x1d8: {  	v3 =	vmul.u32 $0x7D0, v5;
	vm3 =	vlt.u32 v5, $0x3F;
	v5 =	vmul.u32 $0x7D0, v7  }
0x1d9: {  	v13 =	vmul.u32 $0x7D0, v4;
	v63 =	vmul.u32 $0x7D0, v8;
	vm4 =	vlt.u32 v7, $0x3F  }
0x1da: {  	vm5 =	vlt.u32 v8, $0x3F;
	vm2 =	vmmov vm0;
	vm0 =	vmmov vm3  }
0x1db: {  	vm3 =	vmmov vm4;
	v3 =	vadd.s32 v9, v3;
	v4 =	vadd.s32 v11, v5  }
0x1dc: {  	s18 =	simm.s32 $0x0;
	s19 =	simm.s32 $0x1F5F0;
	v5 =	vadd.s32 v12, v63;
	[tilespmem:v6+s2+$0x0] =	vst.idx.add.f32.msk vm1, v2;
	v6 =	vadd.s32 v62, v13;
	vm1 =	vmmov vm5  }
.LBB2_31:
0x1dd: {  	v7 =	vld [tilespmem:s19+$0x20];
	s18 =	sadd.s32 $0x5, s18  }
0x1de: {  	v8 =	vld [tilespmem:s19+$0xFFFFFFE0];
	p2 =	slt.u32 s18, $0xF  }
0x1df: {  	s17 =	sadd.s32 $0x50, s17;
	v9 =	vld [tilespmem:s19+$0xFFFFFFF0]  }
0x1e0: {  	v10 =	vld [tilespmem:s17+$0x20]  }
0x1e1: {  	v11 =	vld [tilespmem:s19+$0x0]  }
0x1e2: {  	v12 =	vld [tilespmem:s19+$0x10];
	v7 =	vsub.s32 v7, v0  }
0x1e3: {  	v8 =	vsub.s32 v8, v0;
	v13 =	vld [tilespmem:s17+$0xFFFFFFF0];
	v14 =	vmul.u32 $0x7D0, v7  }
0x1e4: {  	vm4 =	vlt.u32 v7, $0x3F;
	v15 =	vmul.u32 $0x7D0, v8;
	v9 =	vsub.s32 v9, v0;
	v16 =	vld [tilespmem:s17+$0x0]  }
0x1e5: {  	vm5 =	vlt.u32 v8, $0x3F;
	v7 =	vmul.u32 $0x7D0, v9;
	v8 =	vld [tilespmem:s17+$0x10];
	v10 =	vadd.s32 v10, v14  }
0x1e6: {  	vm6 =	vlt.u32 v9, $0x3F;
	v14 =	vld [tilespmem:s17+$0xFFFFFFE0];
	v9 =	vsub.s32 v11, v0  }
.Ltmp15:
0x1e7: {  	vm7 =	vlt.u32 v9, $0x3F;
	v9 =	vmul.u32 $0x7D0, v9;
	v11 =	vsub.s32 v12, v0;
	[tilespmem:v6+s2+$0x0] =	vst.idx.add.f32.msk vm2, v2;
	(pc) =	sbr.rel @p2 .LBB2_31-.Ltmp15, $4  }
0x1e8: {  	vm8 =	vlt.u32 v11, $0x3F;
	v6 =	vmul.u32 $0x7D0, v11;
	[tilespmem:v3+s2+$0x0] =	vst.idx.add.f32.msk vm0, v2;
	v3 =	vadd.s32 v13, v7  }
0x1e9: {  	vm2 =	vmmov vm5;
	vm0 =	vmmov vm6;
	[tilespmem:v4+s2+$0x0] =	vst.idx.add.f32.msk vm3, v2;
	v4 =	vadd.s32 v16, v9  }
0x1ea: {  	vm3 =	vmmov vm7;
	v7 =	vadd.s32 v8, v6;
	[tilespmem:v10+s2+$0x0] =	vst.idx.add.f32.msk vm4, v2  }
0x1eb: {  	s19 =	sadd.s32 $0x50, s19;
	v6 =	vadd.s32 v14, v15;
	[tilespmem:v5+s2+$0x0] =	vst.idx.add.f32.msk vm1, v2;
	v5 =	vmov v7;
	vm1 =	vmmov vm8  }
0x1ec: {  	_ =	sdelay $0x4  }
0x1ed: {  	[tilespmem:v6+s2+$0x0] =	vst.idx.add.f32.msk vm2, v2  }
0x1ee: {  	[tilespmem:v3+s2+$0x0] =	vst.idx.add.f32.msk vm0, v2  }
0x1ef: {  	[tilespmem:v4+s2+$0x0] =	vst.idx.add.f32.msk vm3, v2;
	s17 =	sadd.s32 @!p1 $0xF0, s16  }
0x1f0: {  	[tilespmem:v5+s2+$0x0] =	vst.idx.add.f32.msk vm1, v2;
	s19 =	simm.s32 @!p1 $0x0;
	s20 =	simm.s32 @!p1 $0x1EE00;
	s18 =	sadd.s32 @!p1 s5, s17  }
0x1f1: {  	[tilespmem:s20], [sflag:$0x2] =	stream.linear.gather @!p1 [hbm4b:s18+s19], $0x140, $0x38;
	[tilespmem:$0x1FB80] =	vst v63  }
0x1f2: {  	s17 =	sadd.s32 @!p1 s6, s17;
	s18 =	simm.s32 @!p1 $0x1F580  }
0x1f3: {  	[tilespmem:s18], [sflag:$0x7] =	stream.linear.gather @!p1 [hbm4b:s17+s19], $0x140, $0x38;
	[tilespmem:$0x1FB80] =	vst v63  }
0x1f4: {  	_ =	swait.ge [sflag:s9], $0x140  }
0x1f5: {  	[sflag:s9] =	ssyncset.done $0x0  }
0x1f6: {  	[sflag:s9] =	ssyncadd.s32 $0xFFFFFEC0  }
0x1f7: {  	_ =	swait.ge [sflag:s31], $0x140  }
0x1f8: {  	[sflag:s31] =	ssyncset.done $0x0  }
0x1f9: {  	s21 =	simm.s32 $0x1F720;
	[sflag:s31] =	ssyncadd.s32 $0xFFFFFEC0  }
0x1fa: {  	v3 =	vld [tilespmem:s21+$0x20]  }
0x1fb: {  	v4 =	vld [tilespmem:s21+$0xFFFFFFE0]  }
0x1fc: {  	s17 =	simm.s32 $0x1EFA0;
	v5 =	vld [tilespmem:s21+$0xFFFFFFF0]  }
0x1fd: {  	v6 =	vld [tilespmem:s17+$0x20]  }
0x1fe: {  	v7 =	vld [tilespmem:s21+$0x0]  }
0x1ff: {  	v8 =	vld [tilespmem:s21+$0x10];
	_ =	sdelay $0x1  }
0x200: {  	v9 =	vld [tilespmem:s17+$0xFFFFFFF0];
	v3 =	vsub.s32 v3, v0  }
0x201: {  	v11 =	vld [tilespmem:s17+$0x0];
	v4 =	vsub.s32 v4, v0;
	v10 =	vmul.u32 $0x7D0, v3  }
0x202: {  	v12 =	vld [tilespmem:s17+$0x10];
	v5 =	vsub.s32 v5, v0;
	v7 =	vsub.s32 v7, v0;
	vm1 =	vlt.u32 v3, $0x3F  }
0x203: {  	v62 =	vld [tilespmem:s17+$0xFFFFFFE0];
	v8 =	vsub.s32 v8, v0;
	vm0 =	vlt.u32 v4, $0x3F;
	v6 =	vadd.s32 v6, v10  }
0x204: {  	v3 =	vmul.u32 $0x7D0, v5;
	vm3 =	vlt.u32 v5, $0x3F;
	v5 =	vmul.u32 $0x7D0, v7  }
0x205: {  	v13 =	vmul.u32 $0x7D0, v4;
	v63 =	vmul.u32 $0x7D0, v8;
	vm4 =	vlt.u32 v7, $0x3F  }
0x206: {  	vm5 =	vlt.u32 v8, $0x3F;
	vm2 =	vmmov vm0;
	vm0 =	vmmov vm3  }
0x207: {  	vm3 =	vmmov vm4;
	v3 =	vadd.s32 v9, v3;
	v4 =	vadd.s32 v11, v5  }
0x208: {  	s18 =	simm.s32 $0x0;
	s19 =	simm.s32 $0x1F770;
	v5 =	vadd.s32 v12, v63;
	[tilespmem:v6+s2+$0x0] =	vst.idx.add.f32.msk vm1, v2;
	v6 =	vadd.s32 v62, v13;
	vm1 =	vmmov vm5  }
.LBB2_33:
0x209: {  	v7 =	vld [tilespmem:s19+$0x20];
	s18 =	sadd.s32 $0x5, s18  }
0x20a: {  	v8 =	vld [tilespmem:s19+$0xFFFFFFE0];
	p2 =	slt.u32 s18, $0xF  }
0x20b: {  	s17 =	sadd.s32 $0x50, s17;
	v9 =	vld [tilespmem:s19+$0xFFFFFFF0]  }
0x20c: {  	v10 =	vld [tilespmem:s17+$0x20]  }
0x20d: {  	v11 =	vld [tilespmem:s19+$0x0]  }
0x20e: {  	v12 =	vld [tilespmem:s19+$0x10];
	v7 =	vsub.s32 v7, v0  }
0x20f: {  	v8 =	vsub.s32 v8, v0;
	v13 =	vld [tilespmem:s17+$0xFFFFFFF0];
	v14 =	vmul.u32 $0x7D0, v7  }
0x210: {  	vm4 =	vlt.u32 v7, $0x3F;
	v15 =	vmul.u32 $0x7D0, v8;
	v9 =	vsub.s32 v9, v0;
	v16 =	vld [tilespmem:s17+$0x0]  }
0x211: {  	vm5 =	vlt.u32 v8, $0x3F;
	v7 =	vmul.u32 $0x7D0, v9;
	v8 =	vld [tilespmem:s17+$0x10];
	v10 =	vadd.s32 v10, v14  }
0x212: {  	vm6 =	vlt.u32 v9, $0x3F;
	v14 =	vld [tilespmem:s17+$0xFFFFFFE0];
	v9 =	vsub.s32 v11, v0  }
.Ltmp16:
0x213: {  	vm7 =	vlt.u32 v9, $0x3F;
	v9 =	vmul.u32 $0x7D0, v9;
	v11 =	vsub.s32 v12, v0;
	[tilespmem:v6+s2+$0x0] =	vst.idx.add.f32.msk vm2, v2;
	(pc) =	sbr.rel @p2 .LBB2_33-.Ltmp16, $4  }
0x214: {  	vm8 =	vlt.u32 v11, $0x3F;
	v6 =	vmul.u32 $0x7D0, v11;
	[tilespmem:v3+s2+$0x0] =	vst.idx.add.f32.msk vm0, v2;
	v3 =	vadd.s32 v13, v7  }
0x215: {  	vm2 =	vmmov vm5;
	vm0 =	vmmov vm6;
	[tilespmem:v4+s2+$0x0] =	vst.idx.add.f32.msk vm3, v2;
	v4 =	vadd.s32 v16, v9  }
0x216: {  	vm3 =	vmmov vm7;
	v7 =	vadd.s32 v8, v6;
	[tilespmem:v10+s2+$0x0] =	vst.idx.add.f32.msk vm4, v2  }
0x217: {  	s19 =	sadd.s32 $0x50, s19;
	v6 =	vadd.s32 v14, v15;
	[tilespmem:v5+s2+$0x0] =	vst.idx.add.f32.msk vm1, v2;
	v5 =	vmov v7;
	vm1 =	vmmov vm8  }
0x218: {  	_ =	sdelay $0x4  }
0x219: {  	[tilespmem:v6+s2+$0x0] =	vst.idx.add.f32.msk vm2, v2  }
0x21a: {  	[tilespmem:v3+s2+$0x0] =	vst.idx.add.f32.msk vm0, v2  }
0x21b: {  	[tilespmem:v4+s2+$0x0] =	vst.idx.add.f32.msk vm3, v2;
	s17 =	sadd.s32 @!p1 $0x118, s16  }
0x21c: {  	[tilespmem:v5+s2+$0x0] =	vst.idx.add.f32.msk vm1, v2;
	s19 =	simm.s32 @!p1 $0x0;
	s20 =	simm.s32 @!p1 $0x1EF80;
	s18 =	sadd.s32 @!p1 s5, s17  }
0x21d: {  	[tilespmem:s20], [sflag:$0x3] =	stream.linear.gather @!p1 [hbm4b:s18+s19], $0x140, $0x38;
	[tilespmem:$0x1FB80] =	vst v63  }
0x21e: {  	s17 =	sadd.s32 @!p1 s6, s17;
	s18 =	simm.s32 @!p1 $0x1F700  }
0x21f: {  	[tilespmem:s18], [sflag:$0x8] =	stream.linear.gather @!p1 [hbm4b:s17+s19], $0x140, $0x38;
	[tilespmem:$0x1FB80] =	vst v63  }
0x220: {  	_ =	swait.ge [sflag:s10], $0x140  }
0x221: {  	[sflag:s10] =	ssyncset.done $0x0  }
0x222: {  	[sflag:s10] =	ssyncadd.s32 $0xFFFFFEC0  }
0x223: {  	_ =	swait.ge [sflag:s11], $0x140  }
0x224: {  	[sflag:s11] =	ssyncset.done $0x0  }
0x225: {  	s21 =	simm.s32 $0x1F8A0;
	[sflag:s11] =	ssyncadd.s32 $0xFFFFFEC0  }
0x226: {  	v3 =	vld [tilespmem:s21+$0x20]  }
0x227: {  	v4 =	vld [tilespmem:s21+$0xFFFFFFE0]  }
0x228: {  	s17 =	simm.s32 $0x1F120;
	v5 =	vld [tilespmem:s21+$0xFFFFFFF0]  }
0x229: {  	v6 =	vld [tilespmem:s17+$0x20]  }
0x22a: {  	v7 =	vld [tilespmem:s21+$0x0]  }
0x22b: {  	v8 =	vld [tilespmem:s21+$0x10];
	_ =	sdelay $0x1  }
0x22c: {  	v9 =	vld [tilespmem:s17+$0xFFFFFFF0];
	v3 =	vsub.s32 v3, v0  }
0x22d: {  	v11 =	vld [tilespmem:s17+$0x0];
	v4 =	vsub.s32 v4, v0;
	v10 =	vmul.u32 $0x7D0, v3  }
0x22e: {  	v12 =	vld [tilespmem:s17+$0x10];
	v5 =	vsub.s32 v5, v0;
	v7 =	vsub.s32 v7, v0;
	vm1 =	vlt.u32 v3, $0x3F  }
0x22f: {  	v62 =	vld [tilespmem:s17+$0xFFFFFFE0];
	v8 =	vsub.s32 v8, v0;
	vm0 =	vlt.u32 v4, $0x3F;
	v6 =	vadd.s32 v6, v10  }
0x230: {  	v3 =	vmul.u32 $0x7D0, v5;
	vm3 =	vlt.u32 v5, $0x3F;
	v5 =	vmul.u32 $0x7D0, v7  }
0x231: {  	v13 =	vmul.u32 $0x7D0, v4;
	v63 =	vmul.u32 $0x7D0, v8;
	vm4 =	vlt.u32 v7, $0x3F  }
0x232: {  	vm5 =	vlt.u32 v8, $0x3F;
	vm2 =	vmmov vm0;
	vm0 =	vmmov vm3  }
0x233: {  	vm3 =	vmmov vm4;
	v3 =	vadd.s32 v9, v3;
	v4 =	vadd.s32 v11, v5  }
0x234: {  	s18 =	simm.s32 $0x0;
	s19 =	simm.s32 $0x1F8F0;
	v5 =	vadd.s32 v12, v63;
	[tilespmem:v6+s2+$0x0] =	vst.idx.add.f32.msk vm1, v2;
	v6 =	vadd.s32 v62, v13;
	vm1 =	vmmov vm5  }
.LBB2_35:
0x235: {  	v7 =	vld [tilespmem:s19+$0x20];
	s18 =	sadd.s32 $0x5, s18  }
0x236: {  	v8 =	vld [tilespmem:s19+$0xFFFFFFE0];
	p2 =	slt.u32 s18, $0xF  }
0x237: {  	s17 =	sadd.s32 $0x50, s17;
	v9 =	vld [tilespmem:s19+$0xFFFFFFF0]  }
0x238: {  	v10 =	vld [tilespmem:s17+$0x20]  }
0x239: {  	v11 =	vld [tilespmem:s19+$0x0]  }
0x23a: {  	v12 =	vld [tilespmem:s19+$0x10];
	v7 =	vsub.s32 v7, v0  }
0x23b: {  	v8 =	vsub.s32 v8, v0;
	v13 =	vld [tilespmem:s17+$0xFFFFFFF0];
	v14 =	vmul.u32 $0x7D0, v7  }
0x23c: {  	vm4 =	vlt.u32 v7, $0x3F;
	v15 =	vmul.u32 $0x7D0, v8;
	v9 =	vsub.s32 v9, v0;
	v16 =	vld [tilespmem:s17+$0x0]  }
0x23d: {  	vm5 =	vlt.u32 v8, $0x3F;
	v7 =	vmul.u32 $0x7D0, v9;
	v8 =	vld [tilespmem:s17+$0x10];
	v10 =	vadd.s32 v10, v14  }
0x23e: {  	vm6 =	vlt.u32 v9, $0x3F;
	v14 =	vld [tilespmem:s17+$0xFFFFFFE0];
	v9 =	vsub.s32 v11, v0  }
.Ltmp17:
0x23f: {  	vm7 =	vlt.u32 v9, $0x3F;
	v9 =	vmul.u32 $0x7D0, v9;
	v11 =	vsub.s32 v12, v0;
	[tilespmem:v6+s2+$0x0] =	vst.idx.add.f32.msk vm2, v2;
	(pc) =	sbr.rel @p2 .LBB2_35-.Ltmp17, $4  }
0x240: {  	vm8 =	vlt.u32 v11, $0x3F;
	v6 =	vmul.u32 $0x7D0, v11;
	[tilespmem:v3+s2+$0x0] =	vst.idx.add.f32.msk vm0, v2;
	v3 =	vadd.s32 v13, v7  }
0x241: {  	vm2 =	vmmov vm5;
	vm0 =	vmmov vm6;
	[tilespmem:v4+s2+$0x0] =	vst.idx.add.f32.msk vm3, v2;
	v4 =	vadd.s32 v16, v9  }
0x242: {  	vm3 =	vmmov vm7;
	v7 =	vadd.s32 v8, v6;
	[tilespmem:v10+s2+$0x0] =	vst.idx.add.f32.msk vm4, v2  }
0x243: {  	s19 =	sadd.s32 $0x50, s19;
	v6 =	vadd.s32 v14, v15;
	[tilespmem:v5+s2+$0x0] =	vst.idx.add.f32.msk vm1, v2;
	v5 =	vmov v7;
	vm1 =	vmmov vm8  }
0x244: {  	_ =	sdelay $0x4  }
0x245: {  	[tilespmem:v6+s2+$0x0] =	vst.idx.add.f32.msk vm2, v2  }
0x246: {  	[tilespmem:v3+s2+$0x0] =	vst.idx.add.f32.msk vm0, v2  }
0x247: {  	[tilespmem:v4+s2+$0x0] =	vst.idx.add.f32.msk vm3, v2;
	s16 =	sadd.s32 @!p1 $0x140, s16  }
0x248: {  	[tilespmem:v5+s2+$0x0] =	vst.idx.add.f32.msk vm1, v2;
	s18 =	simm.s32 @!p1 $0x0;
	s19 =	simm.s32 @!p1 $0x1F100;
	s17 =	sadd.s32 @!p1 s5, s16  }
0x249: {  	[tilespmem:s19], [sflag:$0x4] =	stream.linear.gather @!p1 [hbm4b:s17+s18], $0x140, $0x38;
	[tilespmem:$0x1FB80] =	vst v63  }
0x24a: {  	s16 =	sadd.s32 @!p1 s6, s16;
	s17 =	simm.s32 @!p1 $0x1F880  }
0x24b: {  	[tilespmem:s17], [sflag:$0x9] =	stream.linear.gather @!p1 [hbm4b:s16+s18], $0x140, $0x38;
	[tilespmem:$0x1FB80] =	vst v63  }
0x24c: {  	_ =	swait.ge [sflag:s12], $0x140  }
0x24d: {  	[sflag:s12] =	ssyncset.done $0x0  }
0x24e: {  	[sflag:s12] =	ssyncadd.s32 $0xFFFFFEC0  }
0x24f: {  	_ =	swait.ge [sflag:s13], $0x140  }
0x250: {  	[sflag:s13] =	ssyncset.done $0x0  }
0x251: {  	s21 =	simm.s32 $0x1FA20;
	[sflag:s13] =	ssyncadd.s32 $0xFFFFFEC0  }
0x252: {  	v3 =	vld [tilespmem:s21+$0x20]  }
0x253: {  	v4 =	vld [tilespmem:s21+$0xFFFFFFE0]  }
0x254: {  	s16 =	simm.s32 $0x1F2A0;
	v5 =	vld [tilespmem:s21+$0xFFFFFFF0]  }
0x255: {  	v6 =	vld [tilespmem:s16+$0x20]  }
0x256: {  	v7 =	vld [tilespmem:s21+$0x0]  }
0x257: {  	v8 =	vld [tilespmem:s21+$0x10];
	_ =	sdelay $0x1  }
0x258: {  	v9 =	vld [tilespmem:s16+$0xFFFFFFF0];
	v3 =	vsub.s32 v3, v0  }
0x259: {  	v11 =	vld [tilespmem:s16+$0x0];
	v4 =	vsub.s32 v4, v0;
	v10 =	vmul.u32 $0x7D0, v3  }
0x25a: {  	v12 =	vld [tilespmem:s16+$0x10];
	v5 =	vsub.s32 v5, v0;
	v7 =	vsub.s32 v7, v0;
	vm1 =	vlt.u32 v3, $0x3F  }
0x25b: {  	v62 =	vld [tilespmem:s16+$0xFFFFFFE0];
	v8 =	vsub.s32 v8, v0;
	vm0 =	vlt.u32 v4, $0x3F;
	v6 =	vadd.s32 v6, v10  }
0x25c: {  	v3 =	vmul.u32 $0x7D0, v5;
	vm3 =	vlt.u32 v5, $0x3F;
	v5 =	vmul.u32 $0x7D0, v7  }
0x25d: {  	v13 =	vmul.u32 $0x7D0, v4;
	v63 =	vmul.u32 $0x7D0, v8;
	vm4 =	vlt.u32 v7, $0x3F  }
0x25e: {  	vm5 =	vlt.u32 v8, $0x3F;
	vm2 =	vmmov vm0;
	vm0 =	vmmov vm3  }
0x25f: {  	vm3 =	vmmov vm4;
	v3 =	vadd.s32 v9, v3;
	v4 =	vadd.s32 v11, v5  }
0x260: {  	s17 =	simm.s32 $0x0;
	s18 =	simm.s32 $0x1FA70;
	v5 =	vadd.s32 v12, v63;
	[tilespmem:v6+s2+$0x0] =	vst.idx.add.f32.msk vm1, v2;
	v6 =	vadd.s32 v62, v13;
	vm1 =	vmmov vm5  }
.LBB2_37:
0x261: {  	v7 =	vld [tilespmem:s18+$0x20];
	s17 =	sadd.s32 $0x5, s17  }
0x262: {  	v8 =	vld [tilespmem:s18+$0xFFFFFFE0];
	p2 =	slt.u32 s17, $0xF  }
0x263: {  	s16 =	sadd.s32 $0x50, s16;
	v9 =	vld [tilespmem:s18+$0xFFFFFFF0]  }
0x264: {  	v10 =	vld [tilespmem:s16+$0x20]  }
0x265: {  	v11 =	vld [tilespmem:s18+$0x0]  }
0x266: {  	v12 =	vld [tilespmem:s18+$0x10];
	v7 =	vsub.s32 v7, v0  }
0x267: {  	v8 =	vsub.s32 v8, v0;
	v13 =	vld [tilespmem:s16+$0xFFFFFFF0];
	v14 =	vmul.u32 $0x7D0, v7  }
0x268: {  	vm4 =	vlt.u32 v7, $0x3F;
	v15 =	vmul.u32 $0x7D0, v8;
	v9 =	vsub.s32 v9, v0;
	v16 =	vld [tilespmem:s16+$0x0]  }
0x269: {  	vm5 =	vlt.u32 v8, $0x3F;
	v7 =	vmul.u32 $0x7D0, v9;
	v8 =	vld [tilespmem:s16+$0x10];
	v10 =	vadd.s32 v10, v14  }
0x26a: {  	vm6 =	vlt.u32 v9, $0x3F;
	v14 =	vld [tilespmem:s16+$0xFFFFFFE0];
	v9 =	vsub.s32 v11, v0  }
.Ltmp18:
0x26b: {  	vm7 =	vlt.u32 v9, $0x3F;
	v9 =	vmul.u32 $0x7D0, v9;
	v11 =	vsub.s32 v12, v0;
	[tilespmem:v6+s2+$0x0] =	vst.idx.add.f32.msk vm2, v2;
	(pc) =	sbr.rel @p2 .LBB2_37-.Ltmp18, $4  }
0x26c: {  	vm8 =	vlt.u32 v11, $0x3F;
	v6 =	vmul.u32 $0x7D0, v11;
	[tilespmem:v3+s2+$0x0] =	vst.idx.add.f32.msk vm0, v2;
	v3 =	vadd.s32 v13, v7  }
0x26d: {  	vm2 =	vmmov vm5;
	vm0 =	vmmov vm6;
	[tilespmem:v4+s2+$0x0] =	vst.idx.add.f32.msk vm3, v2;
	v4 =	vadd.s32 v16, v9  }
0x26e: {  	vm3 =	vmmov vm7;
	v7 =	vadd.s32 v8, v6;
	[tilespmem:v10+s2+$0x0] =	vst.idx.add.f32.msk vm4, v2  }
0x26f: {  	s18 =	sadd.s32 $0x50, s18;
	v6 =	vadd.s32 v14, v15;
	[tilespmem:v5+s2+$0x0] =	vst.idx.add.f32.msk vm1, v2;
	v5 =	vmov v7;
	vm1 =	vmmov vm8  }
0x270: {  	_ =	sdelay $0x3  }
.Ltmp19:
0x271: {  	_ = 	snop;
	(pc) =	sbr.rel @p1 .LBB2_39-.Ltmp19, $4  }
0x272: {  	[tilespmem:v6+s2+$0x0] =	vst.idx.add.f32.msk vm2, v2  }
0x273: {  	[tilespmem:v3+s2+$0x0] =	vst.idx.add.f32.msk vm0, v2  }
0x274: {  	[tilespmem:v4+s2+$0x0] =	vst.idx.add.f32.msk vm3, v2  }
0x275: {  	[tilespmem:v5+s2+$0x0] =	vst.idx.add.f32.msk vm1, v2  }
0x276: {  	s16 =	smul.u32 $0x640, s15;
	_ =	sdelay $0x1  }
0x277: {  	s16 =	sshrl.u32 s16, $0x3  }
.Ltmp20:
0x278: {  	s16 =	sadd.s32 $0x168, s16;
	(pc) =	sbr.rel .LBB2_28-.Ltmp20, $4  }
0x279: {  	s17 =	sadd.s32 s5, s16  }
0x27a: {  	[tilespmem:s0], [sflag:$0x5] =	stream.linear.gather [hbm4b:s17+s2], $0x140, $0x38;
	[tilespmem:$0x1FB80] =	vst v63  }
0x27b: {  	s15 =	sadd.s32 $0x1, s15;
	s16 =	sadd.s32 s6, s16  }
0x27c: {  	[tilespmem:s1], [sflag:$0xA] =	stream.linear.gather [hbm4b:s16+s2], $0x140, $0x38;
	[tilespmem:$0x1FB80] =	vst v63  }
.LBB2_39:
0x27d: {  	s15 =	simm.s32 $0x0;
	s16 =	simm.s32 $0x50;
	s17 =	simm.s32 $0x20  }
.LBB2_40:
0x27e: {  	v3 =	vld [tilespmem:s16+$0x0]  }
0x27f: {  	v4 =	vld [tilespmem:s16+$0x10]  }
0x280: {  	v5 =	vld [tilespmem:s16+$0x20]  }
0x281: {  	v8 =	vld [tilespmem:s16+$0xFFFFFFB0]  }
0x282: {  	v7 =	vld [tilespmem:s16+$0xFFFFFFC0]  }
0x283: {  	v11 =	vld [tilespmem:s16+$0xFFFFFFD0]  }
0x284: {  	v9 =	vld [tilespmem:s16+$0xFFFFFFE0]  }
0x285: {  	v6 =	vimm.f32 $0.0e+00;
	v12 =	vld [tilespmem:s16+$0xFFFFFFF0]  }
0x286: {  	v10 =	vld [tilespmem:s16+$0x30];
	v16 =	vadd.f32 v8, v6  }
0x287: {  	s18 =	smul.u32 $0x7D0, s15;
	s19 =	simm.s32 $0x0;
	s20 =	sadd.s32 $0xA0, s16;
	v13 =	vimm.f32 $0.0e+00;
	v14 =	vimm.f32 $0.0e+00;
	v15 =	vimm.f32 $0.0e+00;
	v8 =	vld [tilespmem:s16+$0x40]  }
.LBB2_41:
0x288: {  	v16 =	vadd.f32 v3, v16;
	v3 =	vld [tilespmem:s20+$0x0]  }
0x289: {  	v6 =	vadd.f32 v7, v6;
	v7 =	vadd.f32 v11, v13;
	v17 =	vld [tilespmem:s20+$0x10]  }
0x28a: {  	v9 =	vadd.f32 v9, v14;
	v18 =	vld [tilespmem:s20+$0x20];
	v11 =	vadd.f32 v12, v15  }
0x28b: {  	s19 =	sadd.s32 $0x2, s19;
	v6 =	vadd.f32 v4, v6;
	v13 =	vadd.f32 v5, v7;
	v19 =	vld [tilespmem:s20+$0xFFFFFFB0]  }
0x28c: {  	p1 =	slt.u32 s19, $0x16;
	v14 =	vadd.f32 v10, v9;
	v7 =	vld [tilespmem:s20+$0xFFFFFFC0];
	v15 =	vadd.f32 v8, v11  }
.Ltmp21:
0x28d: {  	v11 =	vld [tilespmem:s20+$0xFFFFFFD0];
	(pc) =	sbr.rel @p1 .LBB2_41-.Ltmp21, $4  }
0x28e: {  	v9 =	vld [tilespmem:s20+$0xFFFFFFE0];
	v4 =	vmov v17  }
0x28f: {  	v12 =	vld [tilespmem:s20+$0xFFFFFFF0];
	v5 =	vmov v18  }
0x290: {  	v16 =	vadd.f32 v19, v16;
	v10 =	vld [tilespmem:s20+$0x30]  }
0x291: {  	v8 =	vld [tilespmem:s20+$0x40];
	s20 =	sadd.s32 $0xA0, s20  }
0x292: {  	v18 =	vld [tilespmem:s18+$0x790]  }
0x293: {  	v19 =	vld [tilespmem:s18+$0x7A0]  }
0x294: {  	s19 =	sand.u32 $0x1FFF0, s18;
	v6 =	vadd.f32 v7, v6;
	v7 =	vld [tilespmem:s18+$0x7B0]  }
0x295: {  	v11 =	vadd.f32 v11, v13;
	v17 =	vld [tilespmem:s19+$0x780]  }
0x296: {  	v3 =	vadd.f32 v3, v16;
	v9 =	vadd.f32 v9, v14  }
0x297: {  	v4 =	vadd.f32 v4, v6;
	v5 =	vadd.f32 v5, v11  }
0x298: {  	v12 =	vadd.f32 v12, v15;
	v6 =	vadd.f32 v10, v9  }
0x299: {  	v9 =	vld [tilespmem:s18+$0x7C0];
	v4 =	vadd.f32 v18, v4;
	v5 =	vadd.f32 v19, v5  }
0x29a: {  	v6 =	vadd.f32 v7, v6;
	v3 =	vadd.f32 v17, v3  }
0x29b: {  	v7 =	vadd.f32 v8, v12  }
0x29c: {  	v3 =	vadd.f32 v4, v3;
	v4 =	vadd.f32 v6, v5;
	_ =	sdelay $0x1  }
0x29d: {  	v5 =	vadd.f32 v9, v7;
	v3 =	vadd.f32 v4, v3;
	_ =	sdelay $0x1  }
0x29e: {  	v3 =	vadd.f32 v3, v5;
	_ =	sdelay $0x1  }
0x29f: {  	(xrf2) =	vadd.scan.msk.f32 $0xffff, v3;
	_ =	sdelay $0x9  }
0x2a0: {  	v3, _, _ =	vpop (xrf2)  }
0x2a1: {  	v3 =	vmax.f32 v3, $1.000000000e+00  }
0x2a2: {  	v3 =	vbroadcast v3, $0xF;
	_ =	sdelay $0x1  }
0x2a3: {  	(erf) = vrcp.f32 v3;
	_ =	sdelay $0x4  }
0x2a4: {  	v5 =	vld [tilespmem:s17+$0x20]  }
0x2a5: {  	v7 =	vld [tilespmem:s17+$0x10]  }
0x2a6: {  	v8 =	vld [tilespmem:s17+$0x0]  }
0x2a7: {  	v10 =	vld [tilespmem:s17+$0xFFFFFFF0]  }
0x2a8: {  	s18 =	sadd.s32 $0x50, s17;
	v9 =	vld [tilespmem:s17+$0xFFFFFFE0];
	v3 =	vpop (erf)  }
0x2a9: {  	v6 =	vld [tilespmem:s18+$0x20];
	v11 =	vmul.f32 v5, v3  }
0x2aa: {  	v4 =	vld [tilespmem:s18+$0xFFFFFFE0];
	v62 =	vmul.f32 v7, v3  }
0x2ab: {  	v5 =	vld [tilespmem:s18+$0x10];
	v63 =	vmul.f32 v8, v3;
	[tilespmem:s17+$0x20] =	vst v11  }
0x2ac: {  	v7 =	vld [tilespmem:s18+$0x0];
	[tilespmem:s17+$0x10] =	vst v62  }
0x2ad: {  	s20 =	simm.s32 $0x5;
	s21 =	smov.u32 s17;
	s19 =	smov.u32 s18;
	v9 =	vmul.f32 v9, v3;
	v10 =	vmul.f32 v10, v3;
	v8 =	vld [tilespmem:s18+$0xFFFFFFF0];
	[tilespmem:s17+$0x0] =	vst v63  }
.LBB2_43:
0x2ae: {  	s20 =	sadd.s32 $0x5, s20  }
0x2af: {  	s18 =	sadd.s32 $0x50, s18;
	[tilespmem:s21+$0xFFFFFFF0] =	vst v10;
	v10 =	vmov v4;
	p1 =	slt.u32 s20, $0x78  }
.Ltmp22:
0x2b0: {  	v4 =	vld [tilespmem:s18+$0xFFFFFFE0];
	v11 =	vmul.f32 v6, v3;
	[tilespmem:s21+$0xFFFFFFE0] =	vst v9;
	s21 =	smov.u32 s19;
	(pc) =	sbr.rel @p1 .LBB2_43-.Ltmp22, $4  }
0x2b1: {  	s19 =	smov.u32 s18;
	v6 =	vld [tilespmem:s18+$0x20];
	v12 =	vmul.f32 v5, v3  }
0x2b2: {  	v5 =	vld [tilespmem:s18+$0x10];
	v13 =	vmul.f32 v7, v3;
	[tilespmem:s21+$0x20] =	vst v11  }
0x2b3: {  	v9 =	vmul.f32 v10, v3;
	v7 =	vld [tilespmem:s18+$0x0];
	v10 =	vmul.f32 v8, v3;
	[tilespmem:s21+$0x10] =	vst v12  }
0x2b4: {  	v8 =	vld [tilespmem:s18+$0xFFFFFFF0];
	[tilespmem:s21+$0x0] =	vst v13  }
0x2b5: {  	_ = 	snop  }
0x2b6: {  	[tilespmem:s21+$0xFFFFFFF0] =	vst v10;
	s15 =	sadd.s32 $0x1, s15;
	v6 =	vmul.f32 v6, v3  }
0x2b7: {  	[tilespmem:s21+$0xFFFFFFE0] =	vst v9;
	p1 =	sne.s32 s15, $0x3F;
	v5 =	vmul.f32 v5, v3  }
.Ltmp23:
0x2b8: {  	v7 =	vmul.f32 v7, v3;
	[tilespmem:s19+$0x20] =	vst v6;
	(pc) =	sbr.rel @p1 .LBB2_40-.Ltmp23, $4  }
0x2b9: {  	v63 =	vmul.f32 v8, v3;
	[tilespmem:s19+$0x10] =	vst v5  }
0x2ba: {  	v3 =	vmul.f32 v4, v3;
	[tilespmem:s19+$0x0] =	vst v7  }
0x2bb: {  	[tilespmem:s19+$0xFFFFFFF0] =	vst v63  }
0x2bc: {  	s16 =	sadd.s32 $0x7D0, s16;
	s17 =	sadd.s32 $0x7D0, s17;
	[tilespmem:s19+$0xFFFFFFE0] =	vst v3  }
0x2bd: {  	s15 =	simm.s32 @p0 $0x0  }
0x2be: {  	[hbm4b:s26+s15] =	stream.linear.scatter @p0 [tilespmem:s15], [sflag:$0xB], $0x16F30, $0x38;
	[tilespmem:$0x1FB80] =	vst v63  }
0x2bf: {  	s15 =	simm.s32 @p0 $0xB  }
0x2c0: {  	_ =	swait.ge @p0 [sflag:s15], $0x16F30  }
0x2c1: {  	s14 =	sadd.s32 $0x1, s14;
	[sflag:s15] =	ssyncset.done @p0 $0x0  }
0x2c2: {  	p1 =	sne.s32 s14, s28;
	[sflag:s15] =	ssyncadd.s32 @p0 $0xFFFE90D0;
	s15 =	simm.s32 @!p0 $0x0  }
0x2c3: {  	[hbm4b:s22+s15] =	stream.linear.scatter @!p0 [tilespmem:s15], [sflag:$0xB], $0x1EC30, $0x38;
	[tilespmem:$0x1FB80] =	vst v63  }
.Ltmp24:
0x2c4: {  	_ = 	snop;
	(pc) =	sbr.rel @p1 .LBB2_1-.Ltmp24, $4  }
0x2c5: {  	s15 =	simm.s32 @!p0 $0xB  }
0x2c6: {  	_ =	swait.ge @!p0 [sflag:s15], $0x1EC30  }
0x2c7: {  	[sflag:s15] =	ssyncset.done @!p0 $0x0  }
0x2c8: {  	[sflag:s15] =	ssyncadd.s32 @!p0 $0xFFFE13D0  }
0x2c9: {  	_ =	sfence.sel $0x180000  }
0x2ca: {  	[bflag:$0x0] =	sbarrier.arrive $0xFFFF  }
0x2cb: {  	_ =	strace $0x90000047  }
0x2cc: {  	s0 =	stileid.u32;
	[bflag:$0x2] =	sbarrier.arrive $0xFFFF  }
0x2cd: {  	p0 =	sne.s32 s0, $0x0;
	s0 =	rddreg [dreg:$0x1]  }
0x2ce: {  	s0 =	sadd.s32 @!p0 $0x100000, s0  }
0x2cf: {  	[sflag:s0] =	ssyncadd.tile.s32 @!p0 $0x1;
	_ =	shalt  }
.Lfunc_end2:
_tile_overlayer_lowered:
.L_overlay_start_2:
0x2d0: {  	(tag) =	ssettag $0x2  }
0x2d1: {  	s0 =	rddreg [dreg:$0x0];
	s2 =	stileid.u32  }
0x2d2: {  	s1 =	rddreg [dreg:$0x1];
	p0 =	sne.s32 s2, $0x0  }
0x2d3: {  	s3 =	rddreg [dreg:$0x2];
	[bflag:$0x3] =	sbarrier.arrive $0xFFFF;
	s2 =	simm.s32 @!p0 $0x1C0B  }
0x2d4: {  	[timem:s3], [sflag:s2] =	dma.local @!p0 [hbm:s0], s1  }
0x2d5: {  	s0 =	simm.s32 @!p0 $0xB  }
0x2d6: {  	_ =	swait.ge @!p0 [sflag:s0], s1  }
0x2d7: {  	s1 =	ssub.s32 @!p0 $0x0, s1;
	[sflag:s0] =	ssyncset.done @!p0 $0x0  }
0x2d8: {  	[sflag:s0] =	ssyncadd.s32 @!p0 s1  }
0x2d9: {  	[bflag:$0x3] =	sbarrier.arrive $0xFFFF  }
0x2da: {  	_ =	shalt  }

</sc_bundles>
